<compile_context>
chip_gen: v7x
topology: tpu7x:2x2x1
jax: 0.10.2.dev20260603
libtpu: 0.0.44.dev20260713+nightly
codegen_flags: <defaults>
</compile_context>

<pallas_src>
import functools

import jax
import jax.numpy as jnp
from jax import lax
from jax.experimental import pallas as pl
from jax.experimental.pallas import tpu as pltpu
from jax.experimental.pallas import tpu_sc as plsc

_NC = 2
_NS = 16
_L = 16

_WIDTH = 4
_NW = 13
_CMAX = 1920
_CTAIL = 400
_NCHUNK = 5
_ROWGRP = 8

_SC_ROWS = 256


def _compute_rows(wb, xb, zb, n_lanesteps):

    def lane_body(i, carry):
        s = pl.ds(i * _L, _L)
        w1v = [wb[j, s] for j in range(_WIDTH)]
        b1v = [wb[_WIDTH + j, s] for j in range(_WIDTH)]
        w2v = [wb[2 * _WIDTH + j, s] for j in range(_WIDTH)]
        b2v = wb[3 * _WIDTH, s]
        for r in range(_ROWGRP):
            xv = xb[r, s]
            acc = b2v
            for j in range(_WIDTH):
                h = jnp.maximum(xv * w1v[j] + b1v[j], 0.0)
                acc = acc + h * w2v[j]
            zb[r, s] = acc
        return carry

    lax.fori_loop(0, n_lanesteps, lane_body, 0)


def _sc_body(x_hbm, wpack_hbm, out_hbm,
             wb, xb0, xb1, zb0, zb1, wbt, xbt, zbt,
             wsem, xsem0, xsem1, zsem0, zsem1):
    read_base = x_hbm.shape[0] - _SC_ROWS
    rows_per_worker = _SC_ROWS // (_NC * _NS)

    wid = lax.axis_index("s") * _NC + lax.axis_index("c")
    row_base = wid * rows_per_worker

    xbufs, xsems = (xb0, xb1), (xsem0, xsem1)
    zbufs, zsems = (zb0, zb1), (zsem0, zsem1)

    n_rowgrps = rows_per_worker // _ROWGRP
    items = [(gc, rg) for gc in range(_NCHUNK) for rg in range(n_rowgrps)]
    n_items = len(items)

    def start_w(gc):
        return pltpu.async_copy(
            wpack_hbm.at[:, pl.ds(gc * _CMAX, _CMAX)], wb, wsem)

    def start_x(k):
        gc, rg = items[k]
        r0 = read_base + row_base + rg * _ROWGRP
        return pltpu.async_copy(
            x_hbm.at[pl.ds(r0, _ROWGRP), pl.ds(gc * _CMAX, _CMAX)],
            xbufs[k % 2], xsems[k % 2])

    def start_z(k):
        gc, rg = items[k]
        r0 = row_base + rg * _ROWGRP
        return pltpu.async_copy(
            zbufs[k % 2],
            out_hbm.at[pl.ds(r0, _ROWGRP), pl.ds(gc * _CMAX, _CMAX)],
            zsems[k % 2])

    w_handles = {0: start_w(0)}
    x_handles = {0: start_x(0)}
    z_handles = {}

    for k in range(n_items):
        gc, rg = items[k]
        if k + 1 < n_items:
            x_handles[k + 1] = start_x(k + 1)
        if rg == 0:
            w_handles[gc].wait()
        x_handles[k].wait()
        if k >= 2:
            z_handles[k - 2].wait()
        _compute_rows(wb, xbufs[k % 2], zbufs[k % 2], _CMAX // _L)
        if k + 1 < n_items and items[k + 1][1] == 0:
            w_handles[items[k + 1][0]] = start_w(items[k + 1][0])
        z_handles[k] = start_z(k)
    if n_items >= 2:
        z_handles[n_items - 2].wait()
    z_handles[n_items - 1].wait()

    g0 = _NCHUNK * _CMAX
    tailw = wpack_hbm.shape[1] - g0
    pltpu.sync_copy(wpack_hbm.at[:, pl.ds(g0, tailw)], wbt)

    def tail_body(rg, carry):
        r0 = row_base + rg * _ROWGRP
        pltpu.sync_copy(
            x_hbm.at[pl.ds(read_base + r0, _ROWGRP), pl.ds(g0, _CTAIL)], xbt)
        _compute_rows(wbt, xbt, zbt, _CTAIL // _L)
        pltpu.sync_copy(zbt, out_hbm.at[pl.ds(r0, _ROWGRP), pl.ds(g0, _CTAIL)])
        return carry

    lax.fori_loop(0, n_rowgrps, tail_body, 0)


def _tc_body(n_genes, x_ref, w_ref, o_ref):
    x = x_ref[...]
    width = (w_ref.shape[0] - 1) // 3
    acc = jnp.broadcast_to(w_ref[3 * width : 3 * width + 1, :n_genes], x.shape)
    for j in range(width):
        h = jnp.maximum(
            x * w_ref[j : j + 1, :n_genes]
            + w_ref[width + j : width + j + 1, :n_genes],
            0.0,
        )
        acc = acc + h * w_ref[2 * width + j : 2 * width + j + 1, :n_genes]
    o_ref[...] = acc


def _pack_weights(w1, b1, w2, b2, n_genes, width):
    lanes = width * 128
    n_pad = -(-(width * n_genes) // lanes) * lanes
    g_pad = n_pad // width
    wstack = jnp.stack([w1, b1, w2])
    wstack = jnp.pad(wstack, ((0, 0), (0, n_pad - width * n_genes)))
    wmat = wstack.reshape(3, n_pad // lanes, lanes)
    c_i = jax.lax.broadcasted_iota(jnp.int32, (lanes, lanes), 0)
    m_i = jax.lax.broadcasted_iota(jnp.int32, (lanes, lanes), 1)
    sel = (c_i == width * (m_i % 128) + m_i // 128).astype(jnp.float32)
    deint = jax.lax.dot_general(
        wmat, sel, (((2,), (0,)), ((), ())),
        precision=jax.lax.Precision.HIGHEST,
    )
    deint = (deint.reshape(3, n_pad // lanes, width, 128)
             .transpose(0, 2, 1, 3).reshape(3 * width, g_pad))
    b2p = jnp.pad(b2, (0, g_pad - n_genes)).reshape(1, g_pad)
    return jnp.concatenate([deint, b2p], axis=0)


def kernel(features, w1, b1, w2, b2, rows1, cols1, rows2, cols2):
    del rows1, cols1, rows2, cols2
    batch, n_genes = features.shape
    width = w1.shape[0] // n_genes
    wpack = _pack_weights(w1, b1, w2, b2, n_genes, width)

    mesh = plsc.VectorSubcoreMesh(
        core_axis_name="c", subcore_axis_name="s", num_cores=_NC, num_subcores=_NS
    )
    sc_run = functools.partial(
        pl.kernel,
        out_type=jax.ShapeDtypeStruct((_SC_ROWS, n_genes), features.dtype),
        mesh=mesh,
        scratch_types=[
            pltpu.VMEM((_NW, _CMAX), jnp.float32),
            pltpu.VMEM((_ROWGRP, _CMAX), jnp.float32),
            pltpu.VMEM((_ROWGRP, _CMAX), jnp.float32),
            pltpu.VMEM((_ROWGRP, _CMAX), jnp.float32),
            pltpu.VMEM((_ROWGRP, _CMAX), jnp.float32),
            pltpu.VMEM((_NW, wpack.shape[1] - _NCHUNK * _CMAX), jnp.float32),
            pltpu.VMEM((_ROWGRP, _CTAIL), jnp.float32),
            pltpu.VMEM((_ROWGRP, _CTAIL), jnp.float32),
            pltpu.SemaphoreType.DMA,
            pltpu.SemaphoreType.DMA,
            pltpu.SemaphoreType.DMA,
            pltpu.SemaphoreType.DMA,
            pltpu.SemaphoreType.DMA,
        ],
    )(_sc_body)
    z_sc = sc_run(features, wpack)

    bt = 128
    n_compute = (batch - _SC_ROWS) // bt
    g_pad = wpack.shape[1]
    z_tc = pl.pallas_call(
        functools.partial(_tc_body, n_genes),
        grid=(n_compute,),
        in_specs=[
            pl.BlockSpec((bt, n_genes), lambda i: (i, 0)),
            pl.BlockSpec((_NW, g_pad), lambda i: (0, 0)),
        ],
        out_specs=pl.BlockSpec((bt, n_genes), lambda i: (i, 0)),
        out_shape=jax.ShapeDtypeStruct((batch, n_genes), features.dtype),
    )(features, wpack)
    return lax.dynamic_update_slice(z_tc, z_sc, (batch - _SC_ROWS, 0))

# --- scband reference (transcript-rebuilt; emitter-appended) ---
"""Pipeline reference for scband-aeencoder-19894288515720 (READ-ONLY COPY).

The authoritative reference and input builder live on the scoring server;
editing this copy changes nothing except your own understanding.
"""

import jax, jax.numpy as jnp
import numpy as np

N_GENES = 10000
WIDTH = 4
BATCH = 1024
HID = N_GENES * WIDTH


def setup_inputs(seed: int = 0) -> dict:
    key = jax.random.key(seed)
    k1, k2, k3, k4, k5 = jax.random.split(key, 5)
    features = jax.random.normal(k1, (BATCH, N_GENES), dtype=jnp.float32)
    g = jnp.arange(N_GENES, dtype=jnp.int32)
    # Layer 1 (encoder_1): each input gene g feeds WIDTH private hidden nodes g*WIDTH+j
    cols1 = jnp.repeat(g, WIDTH)                                   # input index per nnz
    rows1 = jnp.repeat(g, WIDTH) * WIDTH + jnp.tile(jnp.arange(WIDTH, dtype=jnp.int32), N_GENES)  # output index per nnz
    # Layer 2 (embedding): hidden nodes of gene g collapse to embedding node g
    cols2 = jnp.arange(HID, dtype=jnp.int32)
    rows2 = jnp.repeat(g, WIDTH)
    w1 = jax.random.normal(k2, (HID,), dtype=jnp.float32) * 1.0          # fan_in per hidden node = 1
    b1 = jax.random.normal(k3, (HID,), dtype=jnp.float32) * 0.01
    w2 = jax.random.normal(k4, (HID,), dtype=jnp.float32) * (1.0 / np.sqrt(WIDTH))  # fan_in per embedding node = WIDTH
    b2 = jax.random.normal(k5, (N_GENES,), dtype=jnp.float32) * 0.01
    return {"features": features, "w1": w1, "b1": b1, "w2": w2, "b2": b2,
            "rows1": rows1, "cols1": cols1, "rows2": rows2, "cols2": cols2}


def _sparse_linear(x, w, b, rows, cols, out_dim):
    # y[b, rows[k]] += x[b, cols[k]] * w[k]  (COO sparse linear, matches sl.SparseLinear)
    contrib = x[:, cols] * w[None, :]
    y = jnp.zeros((x.shape[0], out_dim), dtype=x.dtype).at[:, rows].add(contrib)
    return y + b[None, :]


def reference(features, w1, b1, w2, b2, rows1, cols1, rows2, cols2):
    # dropout_rate = 0.0 -> no dropout; batch_norm = False -> no BN layers
    h = _sparse_linear(features, w1, b1, rows1, cols1, HID)
    h = jax.nn.relu(h)
    z = _sparse_linear(h, w2, b2, rows2, cols2, N_GENES)
    return z

if __name__ == "__main__":
    import jax
    _d = setup_inputs()
    print(jax.jit(kernel)(*tuple(_d.values())))

</pallas_src>

<mosaic_0001>
#map = affine_map<(d0, d1) -> (0, 0)>
module attributes {stable_mosaic.version = 14 : i64} {
  func.func @_sc_body(%arg0: i32, %arg1: i32, %arg2: memref<1024x10000xf32, #tpu.memory_space<hbm>>, %arg3: memref<13x10112xf32, #tpu.memory_space<hbm>>, %arg4: memref<256x10000xf32, #tpu.memory_space<hbm>>, %arg5: memref<13x1920xf32, #tpu.memory_space<vmem>>, %arg6: memref<8x1920xf32, #tpu.memory_space<vmem>>, %arg7: memref<8x1920xf32, #tpu.memory_space<vmem>>, %arg8: memref<8x1920xf32, #tpu.memory_space<vmem>>, %arg9: memref<8x1920xf32, #tpu.memory_space<vmem>>, %arg10: memref<13x512xf32, #tpu.memory_space<vmem>>, %arg11: memref<8x400xf32, #tpu.memory_space<vmem>>, %arg12: memref<8x400xf32, #tpu.memory_space<vmem>>, %arg13: memref<!tpu.dma_semaphore, #tpu.memory_space<semaphore_mem>>, %arg14: memref<!tpu.dma_semaphore, #tpu.memory_space<semaphore_mem>>, %arg15: memref<!tpu.dma_semaphore, #tpu.memory_space<semaphore_mem>>, %arg16: memref<!tpu.dma_semaphore, #tpu.memory_space<semaphore_mem>>, %arg17: memref<!tpu.dma_semaphore, #tpu.memory_space<semaphore_mem>>) attributes {dimension_semantics = [#tpu.dimension_semantics<core_parallel>, #tpu.dimension_semantics<subcore_parallel>], iteration_bounds = array<i64: 2, 16>, scalar_prefetch = 0 : i64, scratch_operands = 13 : i64, tpu.core_type = #tpu.core_type<sc_vector_subcore>, window_params = [{transform_indices = #map}, {transform_indices = #map}, {transform_indices = #map}]} {
    %mul3A = arith.constant 2 : i32
    %mul3A_0 = arith.muli %arg1, %mul3A : i32
    %add3A = arith.addi %mul3A_0, %arg0 : i32
    %mul3A_1 = arith.constant 8 : i32
    %mul3A_2 = arith.muli %add3A, %mul3A_1 : i32
    %dma_start3A = arith.constant 0 : i32
    %dma_start3A_3 = arith.constant 0 : i32
    %dma_start3A_4 = tpu.memref_slice %arg3[%dma_start3A, %dma_start3A_3] : memref<13x10112xf32, #tpu.memory_space<hbm>> -> memref<13x1920xf32, #tpu.memory_space<hbm>>
    %dma_start3A_5 = arith.constant 0 : i32
    %dma_start3A_6 = arith.constant 0 : i32
    %dma_start3A_7 = tpu.memref_slice %arg3[%dma_start3A_5, %dma_start3A_6] : memref<13x10112xf32, #tpu.memory_space<hbm>> -> memref<13x1920xf32, #tpu.memory_space<hbm>>
    tpu.enqueue_dma source(%dma_start3A_7 : memref<13x1920xf32, #tpu.memory_space<hbm>>) target(%arg5 : memref<13x1920xf32, #tpu.memory_space<vmem>>) target_semaphore(%arg13 : memref<!tpu.dma_semaphore, #tpu.memory_space<semaphore_mem>>)
    %add3A_8 = arith.constant 768 : i32
    %add3A_9 = arith.addi %add3A_8, %mul3A_2 : i32
    %add3A_10 = arith.constant 0 : i32
    %add3A_11 = arith.addi %add3A_9, %add3A_10 : i32
    %dma_start3A_12 = arith.constant 0 : i32
    %dma_start3A_13 = tpu.memref_slice %arg2[%add3A_11, %dma_start3A_12] : memref<1024x10000xf32, #tpu.memory_space<hbm>> -> memref<8x1920xf32, #tpu.memory_space<hbm>>
    %dma_start3A_14 = arith.constant 0 : i32
    %dma_start3A_15 = tpu.memref_slice %arg2[%add3A_11, %dma_start3A_14] : memref<1024x10000xf32, #tpu.memory_space<hbm>> -> memref<8x1920xf32, #tpu.memory_space<hbm>>
    tpu.enqueue_dma source(%dma_start3A_15 : memref<8x1920xf32, #tpu.memory_space<hbm>>) target(%arg6 : memref<8x1920xf32, #tpu.memory_space<vmem>>) target_semaphore(%arg14 : memref<!tpu.dma_semaphore, #tpu.memory_space<semaphore_mem>>)
    %add3A_16 = arith.constant 768 : i32
    %add3A_17 = arith.addi %add3A_16, %mul3A_2 : i32
    %add3A_18 = arith.constant 0 : i32
    %add3A_19 = arith.addi %add3A_17, %add3A_18 : i32
    %dma_start3A_20 = arith.constant 1920 : i32
    %dma_start3A_21 = tpu.memref_slice %arg2[%add3A_19, %dma_start3A_20] : memref<1024x10000xf32, #tpu.memory_space<hbm>> -> memref<8x1920xf32, #tpu.memory_space<hbm>>
    %dma_start3A_22 = arith.constant 1920 : i32
    %dma_start3A_23 = tpu.memref_slice %arg2[%add3A_19, %dma_start3A_22] : memref<1024x10000xf32, #tpu.memory_space<hbm>> -> memref<8x1920xf32, #tpu.memory_space<hbm>>
    tpu.enqueue_dma source(%dma_start3A_23 : memref<8x1920xf32, #tpu.memory_space<hbm>>) target(%arg7 : memref<8x1920xf32, #tpu.memory_space<vmem>>) target_semaphore(%arg15 : memref<!tpu.dma_semaphore, #tpu.memory_space<semaphore_mem>>)
    %dma_wait3A = arith.constant 0 : i32
    %dma_wait3A_24 = arith.constant 0 : i32
    %dma_wait3A_25 = tpu.memref_slice %arg3[%dma_wait3A, %dma_wait3A_24] : memref<13x10112xf32, #tpu.memory_space<hbm>> -> memref<13x1920xf32, #tpu.memory_space<hbm>>
    %dma_wait3A_26 = arith.constant 0 : i32
    %dma_wait3A_27 = arith.constant 0 : i32
    %dma_wait3A_28 = tpu.memref_slice %arg3[%dma_wait3A_26, %dma_wait3A_27] : memref<13x10112xf32, #tpu.memory_space<hbm>> -> memref<13x1920xf32, #tpu.memory_space<hbm>>
    tpu.wait_dma2 semaphore(%arg13 : memref<!tpu.dma_semaphore, #tpu.memory_space<semaphore_mem>>) src(%dma_wait3A_28 : memref<13x1920xf32, #tpu.memory_space<hbm>>) dst(%arg5 : memref<13x1920xf32, #tpu.memory_space<vmem>>)
    %dma_wait3A_29 = arith.constant 0 : i32
    %dma_wait3A_30 = tpu.memref_slice %arg2[%add3A_11, %dma_wait3A_29] : memref<1024x10000xf32, #tpu.memory_space<hbm>> -> memref<8x1920xf32, #tpu.memory_space<hbm>>
    %dma_wait3A_31 = arith.constant 0 : i32
    %dma_wait3A_32 = tpu.memref_slice %arg2[%add3A_11, %dma_wait3A_31] : memref<1024x10000xf32, #tpu.memory_space<hbm>> -> memref<8x1920xf32, #tpu.memory_space<hbm>>
    tpu.wait_dma2 semaphore(%arg14 : memref<!tpu.dma_semaphore, #tpu.memory_space<semaphore_mem>>) src(%dma_wait3A_32 : memref<8x1920xf32, #tpu.memory_space<hbm>>) dst(%arg6 : memref<8x1920xf32, #tpu.memory_space<vmem>>)
    %scan3A = arith.constant 0 : i32
    %scan3A_33 = arith.constant 0 : i32
    %scan3A_34 = arith.constant 120 : i32
    %scan3A_35 = arith.addi %scan3A_33, %scan3A_34 : i32
    %scan3A_36 = arith.constant 1 : i32
    scf.for %scan3A_214 = %scan3A_33 to %scan3A_35 step %scan3A_36  : i32 {
      %mul3A_215 = arith.constant 16 : i32
      %mul3A_216 = arith.muli %scan3A_214, %mul3A_215 : i32
      %get3A = arith.constant 0 : i32
      %get3A_217 = arith.index_cast %get3A : i32 to index
      %get3A_218 = arith.index_cast %mul3A_216 : i32 to index
      %get3A_219 = tpu.vector_load %arg5[%get3A_217, %get3A_218] {strides = array<i32>} : memref<13x1920xf32, #tpu.memory_space<vmem>>, vector<1x16xf32>,
      %get3A_220 = vector.shape_cast %get3A_219 : vector<1x16xf32> to vector<16xf32>
      %get3A_221 = arith.constant 1 : i32
      %get3A_222 = arith.index_cast %get3A_221 : i32 to index
      %get3A_223 = arith.index_cast %mul3A_216 : i32 to index
      %get3A_224 = tpu.vector_load %arg5[%get3A_222, %get3A_223] {strides = array<i32>} : memref<13x1920xf32, #tpu.memory_space<vmem>>, vector<1x16xf32>,
      %get3A_225 = vector.shape_cast %get3A_224 : vector<1x16xf32> to vector<16xf32>
      %get3A_226 = arith.constant 2 : i32
      %get3A_227 = arith.index_cast %get3A_226 : i32 to index
      %get3A_228 = arith.index_cast %mul3A_216 : i32 to index
      %get3A_229 = tpu.vector_load %arg5[%get3A_227, %get3A_228] {strides = array<i32>} : memref<13x1920xf32, #tpu.memory_space<vmem>>, vector<1x16xf32>,
      %get3A_230 = vector.shape_cast %get3A_229 : vector<1x16xf32> to vector<16xf32>
      %get3A_231 = arith.constant 3 : i32
      %get3A_232 = arith.index_cast %get3A_231 : i32 to index
      %get3A_233 = arith.index_cast %mul3A_216 : i32 to index
      %get3A_234 = tpu.vector_load %arg5[%get3A_232, %get3A_233] {strides = array<i32>} : memref<13x1920xf32, #tpu.memory_space<vmem>>, vector<1x16xf32>,
      %get3A_235 = vector.shape_cast %get3A_234 : vector<1x16xf32> to vector<16xf32>
      %get3A_236 = arith.constant 4 : i32
      %get3A_237 = arith.index_cast %get3A_236 : i32 to index
      %get3A_238 = arith.index_cast %mul3A_216 : i32 to index
      %get3A_239 = tpu.vector_load %arg5[%get3A_237, %get3A_238] {strides = array<i32>} : memref<13x1920xf32, #tpu.memory_space<vmem>>, vector<1x16xf32>,
      %get3A_240 = vector.shape_cast %get3A_239 : vector<1x16xf32> to vector<16xf32>
      %get3A_241 = arith.constant 5 : i32
      %get3A_242 = arith.index_cast %get3A_241 : i32 to index
      %get3A_243 = arith.index_cast %mul3A_216 : i32 to index
      %get3A_244 = tpu.vector_load %arg5[%get3A_242, %get3A_243] {strides = array<i32>} : memref<13x1920xf32, #tpu.memory_space<vmem>>, vector<1x16xf32>,
      %get3A_245 = vector.shape_cast %get3A_244 : vector<1x16xf32> to vector<16xf32>
      %get3A_246 = arith.constant 6 : i32
      %get3A_247 = arith.index_cast %get3A_246 : i32 to index
      %get3A_248 = arith.index_cast %mul3A_216 : i32 to index
      %get3A_249 = tpu.vector_load %arg5[%get3A_247, %get3A_248] {strides = array<i32>} : memref<13x1920xf32, #tpu.memory_space<vmem>>, vector<1x16xf32>,
      %get3A_250 = vector.shape_cast %get3A_249 : vector<1x16xf32> to vector<16xf32>
      %get3A_251 = arith.constant 7 : i32
      %get3A_252 = arith.index_cast %get3A_251 : i32 to index
      %get3A_253 = arith.index_cast %mul3A_216 : i32 to index
      %get3A_254 = tpu.vector_load %arg5[%get3A_252, %get3A_253] {strides = array<i32>} : memref<13x1920xf32, #tpu.memory_space<vmem>>, vector<1x16xf32>,
      %get3A_255 = vector.shape_cast %get3A_254 : vector<1x16xf32> to vector<16xf32>
      %get3A_256 = arith.constant 8 : i32
      %get3A_257 = arith.index_cast %get3A_256 : i32 to index
      %get3A_258 = arith.index_cast %mul3A_216 : i32 to index
      %get3A_259 = tpu.vector_load %arg5[%get3A_257, %get3A_258] {strides = array<i32>} : memref<13x1920xf32, #tpu.memory_space<vmem>>, vector<1x16xf32>,
      %get3A_260 = vector.shape_cast %get3A_259 : vector<1x16xf32> to vector<16xf32>
      %get3A_261 = arith.constant 9 : i32
      %get3A_262 = arith.index_cast %get3A_261 : i32 to index
      %get3A_263 = arith.index_cast %mul3A_216 : i32 to index
      %get3A_264 = tpu.vector_load %arg5[%get3A_262, %get3A_263] {strides = array<i32>} : memref<13x1920xf32, #tpu.memory_space<vmem>>, vector<1x16xf32>,
      %get3A_265 = vector.shape_cast %get3A_264 : vector<1x16xf32> to vector<16xf32>
      %get3A_266 = arith.constant 10 : i32
      %get3A_267 = arith.index_cast %get3A_266 : i32 to index
      %get3A_268 = arith.index_cast %mul3A_216 : i32 to index
      %get3A_269 = tpu.vector_load %arg5[%get3A_267, %get3A_268] {strides = array<i32>} : memref<13x1920xf32, #tpu.memory_space<vmem>>, vector<1x16xf32>,
      %get3A_270 = vector.shape_cast %get3A_269 : vector<1x16xf32> to vector<16xf32>
      %get3A_271 = arith.constant 11 : i32
      %get3A_272 = arith.index_cast %get3A_271 : i32 to index
      %get3A_273 = arith.index_cast %mul3A_216 : i32 to index
      %get3A_274 = tpu.vector_load %arg5[%get3A_272, %get3A_273] {strides = array<i32>} : memref<13x1920xf32, #tpu.memory_space<vmem>>, vector<1x16xf32>,
      %get3A_275 = vector.shape_cast %get3A_274 : vector<1x16xf32> to vector<16xf32>
      %get3A_276 = arith.constant 12 : i32
      %get3A_277 = arith.index_cast %get3A_276 : i32 to index
      %get3A_278 = arith.index_cast %mul3A_216 : i32 to index
      %get3A_279 = tpu.vector_load %arg5[%get3A_277, %get3A_278] {strides = array<i32>} : memref<13x1920xf32, #tpu.memory_space<vmem>>, vector<1x16xf32>,
      %get3A_280 = vector.shape_cast %get3A_279 : vector<1x16xf32> to vector<16xf32>
      %get3A_281 = arith.constant 0 : i32
      %get3A_282 = arith.index_cast %get3A_281 : i32 to index
      %get3A_283 = arith.index_cast %mul3A_216 : i32 to index
      %get3A_284 = tpu.vector_load %arg6[%get3A_282, %get3A_283] {strides = array<i32>} : memref<8x1920xf32, #tpu.memory_space<vmem>>, vector<1x16xf32>,
      %get3A_285 = vector.shape_cast %get3A_284 : vector<1x16xf32> to vector<16xf32>
      %mul3A_286 = arith.mulf %get3A_285, %get3A_220 : vector<16xf32>
      %add3A_287 = arith.addf %mul3A_286, %get3A_240 : vector<16xf32>
      %max3A = arith.constant 0.000000e+00 : f32
      %max3A_288 = vector.broadcast %max3A : f32 to vector<16xf32>
      %max3A_289 = arith.maximumf %add3A_287, %max3A_288 : vector<16xf32>
      %mul3A_290 = arith.mulf %max3A_289, %get3A_260 : vector<16xf32>
      %add3A_291 = arith.addf %get3A_280, %mul3A_290 : vector<16xf32>
      %mul3A_292 = arith.mulf %get3A_285, %get3A_225 : vector<16xf32>
      %add3A_293 = arith.addf %mul3A_292, %get3A_245 : vector<16xf32>
      %max3A_294 = arith.constant 0.000000e+00 : f32
      %max3A_295 = vector.broadcast %max3A_294 : f32 to vector<16xf32>
      %max3A_296 = arith.maximumf %add3A_293, %max3A_295 : vector<16xf32>
      %mul3A_297 = arith.mulf %max3A_296, %get3A_265 : vector<16xf32>
      %add3A_298 = arith.addf %add3A_291, %mul3A_297 : vector<16xf32>
      %mul3A_299 = arith.mulf %get3A_285, %get3A_230 : vector<16xf32>
      %add3A_300 = arith.addf %mul3A_299, %get3A_250 : vector<16xf32>
      %max3A_301 = arith.constant 0.000000e+00 : f32
      %max3A_302 = vector.broadcast %max3A_301 : f32 to vector<16xf32>
      %max3A_303 = arith.maximumf %add3A_300, %max3A_302 : vector<16xf32>
      %mul3A_304 = arith.mulf %max3A_303, %get3A_270 : vector<16xf32>
      %add3A_305 = arith.addf %add3A_298, %mul3A_304 : vector<16xf32>
      %mul3A_306 = arith.mulf %get3A_285, %get3A_235 : vector<16xf32>
      %add3A_307 = arith.addf %mul3A_306, %get3A_255 : vector<16xf32>
      %max3A_308 = arith.constant 0.000000e+00 : f32
      %max3A_309 = vector.broadcast %max3A_308 : f32 to vector<16xf32>
      %max3A_310 = arith.maximumf %add3A_307, %max3A_309 : vector<16xf32>
      %mul3A_311 = arith.mulf %max3A_310, %get3A_275 : vector<16xf32>
      %add3A_312 = arith.addf %add3A_305, %mul3A_311 : vector<16xf32>
      %swap3A = arith.constant 0 : i32
      %swap3A_313 = arith.index_cast %swap3A : i32 to index
      %swap3A_314 = arith.index_cast %mul3A_216 : i32 to index
      %swap3A_315 = tpu.vector_load %arg8[%swap3A_313, %swap3A_314] {strides = array<i32>} : memref<8x1920xf32, #tpu.memory_space<vmem>>, vector<1x16xf32>,
      %swap3A_316 = vector.shape_cast %swap3A_315 : vector<1x16xf32> to vector<16xf32>
      %swap3A_317 = vector.shape_cast %add3A_312 : vector<16xf32> to vector<1x16xf32>
      tpu.vector_store %arg8[%swap3A_313, %swap3A_314], %swap3A_317 {strides = array<i32>} : memref<8x1920xf32, #tpu.memory_space<vmem>>, vector<1x16xf32>,
      %get3A_318 = arith.constant 1 : i32
      %get3A_319 = arith.index_cast %get3A_318 : i32 to index
      %get3A_320 = arith.index_cast %mul3A_216 : i32 to index
      %get3A_321 = tpu.vector_load %arg6[%get3A_319, %get3A_320] {strides = array<i32>} : memref<8x1920xf32, #tpu.memory_space<vmem>>, vector<1x16xf32>,
      %get3A_322 = vector.shape_cast %get3A_321 : vector<1x16xf32> to vector<16xf32>
      %mul3A_323 = arith.mulf %get3A_322, %get3A_220 : vector<16xf32>
      %add3A_324 = arith.addf %mul3A_323, %get3A_240 : vector<16xf32>
      %max3A_325 = arith.constant 0.000000e+00 : f32
      %max3A_326 = vector.broadcast %max3A_325 : f32 to vector<16xf32>
      %max3A_327 = arith.maximumf %add3A_324, %max3A_326 : vector<16xf32>
      %mul3A_328 = arith.mulf %max3A_327, %get3A_260 : vector<16xf32>
      %add3A_329 = arith.addf %get3A_280, %mul3A_328 : vector<16xf32>
      %mul3A_330 = arith.mulf %get3A_322, %get3A_225 : vector<16xf32>
      %add3A_331 = arith.addf %mul3A_330, %get3A_245 : vector<16xf32>
      %max3A_332 = arith.constant 0.000000e+00 : f32
      %max3A_333 = vector.broadcast %max3A_332 : f32 to vector<16xf32>
      %max3A_334 = arith.maximumf %add3A_331, %max3A_333 : vector<16xf32>
      %mul3A_335 = arith.mulf %max3A_334, %get3A_265 : vector<16xf32>
      %add3A_336 = arith.addf %add3A_329, %mul3A_335 : vector<16xf32>
      %mul3A_337 = arith.mulf %get3A_322, %get3A_230 : vector<16xf32>
      %add3A_338 = arith.addf %mul3A_337, %get3A_250 : vector<16xf32>
      %max3A_339 = arith.constant 0.000000e+00 : f32
      %max3A_340 = vector.broadcast %max3A_339 : f32 to vector<16xf32>
      %max3A_341 = arith.maximumf %add3A_338, %max3A_340 : vector<16xf32>
      %mul3A_342 = arith.mulf %max3A_341, %get3A_270 : vector<16xf32>
      %add3A_343 = arith.addf %add3A_336, %mul3A_342 : vector<16xf32>
      %mul3A_344 = arith.mulf %get3A_322, %get3A_235 : vector<16xf32>
      %add3A_345 = arith.addf %mul3A_344, %get3A_255 : vector<16xf32>
      %max3A_346 = arith.constant 0.000000e+00 : f32
      %max3A_347 = vector.broadcast %max3A_346 : f32 to vector<16xf32>
      %max3A_348 = arith.maximumf %add3A_345, %max3A_347 : vector<16xf32>
      %mul3A_349 = arith.mulf %max3A_348, %get3A_275 : vector<16xf32>
      %add3A_350 = arith.addf %add3A_343, %mul3A_349 : vector<16xf32>
      %swap3A_351 = arith.constant 1 : i32
      %swap3A_352 = arith.index_cast %swap3A_351 : i32 to index
      %swap3A_353 = arith.index_cast %mul3A_216 : i32 to index
      %swap3A_354 = tpu.vector_load %arg8[%swap3A_352, %swap3A_353] {strides = array<i32>} : memref<8x1920xf32, #tpu.memory_space<vmem>>, vector<1x16xf32>,
      %swap3A_355 = vector.shape_cast %swap3A_354 : vector<1x16xf32> to vector<16xf32>
      %swap3A_356 = vector.shape_cast %add3A_350 : vector<16xf32> to vector<1x16xf32>
      tpu.vector_store %arg8[%swap3A_352, %swap3A_353], %swap3A_356 {strides = array<i32>} : memref<8x1920xf32, #tpu.memory_space<vmem>>, vector<1x16xf32>,
      %get3A_357 = arith.constant 2 : i32
      %get3A_358 = arith.index_cast %get3A_357 : i32 to index
      %get3A_359 = arith.index_cast %mul3A_216 : i32 to index
      %get3A_360 = tpu.vector_load %arg6[%get3A_358, %get3A_359] {strides = array<i32>} : memref<8x1920xf32, #tpu.memory_space<vmem>>, vector<1x16xf32>,
      %get3A_361 = vector.shape_cast %get3A_360 : vector<1x16xf32> to vector<16xf32>
      %mul3A_362 = arith.mulf %get3A_361, %get3A_220 : vector<16xf32>
      %add3A_363 = arith.addf %mul3A_362, %get3A_240 : vector<16xf32>
      %max3A_364 = arith.constant 0.000000e+00 : f32
      %max3A_365 = vector.broadcast %max3A_364 : f32 to vector<16xf32>
      %max3A_366 = arith.maximumf %add3A_363, %max3A_365 : vector<16xf32>
      %mul3A_367 = arith.mulf %max3A_366, %get3A_260 : vector<16xf32>
      %add3A_368 = arith.addf %get3A_280, %mul3A_367 : vector<16xf32>
      %mul3A_369 = arith.mulf %get3A_361, %get3A_225 : vector<16xf32>
      %add3A_370 = arith.addf %mul3A_369, %get3A_245 : vector<16xf32>
      %max3A_371 = arith.constant 0.000000e+00 : f32
      %max3A_372 = vector.broadcast %max3A_371 : f32 to vector<16xf32>
      %max3A_373 = arith.maximumf %add3A_370, %max3A_372 : vector<16xf32>
      %mul3A_374 = arith.mulf %max3A_373, %get3A_265 : vector<16xf32>
      %add3A_375 = arith.addf %add3A_368, %mul3A_374 : vector<16xf32>
      %mul3A_376 = arith.mulf %get3A_361, %get3A_230 : vector<16xf32>
      %add3A_377 = arith.addf %mul3A_376, %get3A_250 : vector<16xf32>
      %max3A_378 = arith.constant 0.000000e+00 : f32
      %max3A_379 = vector.broadcast %max3A_378 : f32 to vector<16xf32>
      %max3A_380 = arith.maximumf %add3A_377, %max3A_379 : vector<16xf32>
      %mul3A_381 = arith.mulf %max3A_380, %get3A_270 : vector<16xf32>
      %add3A_382 = arith.addf %add3A_375, %mul3A_381 : vector<16xf32>
      %mul3A_383 = arith.mulf %get3A_361, %get3A_235 : vector<16xf32>
      %add3A_384 = arith.addf %mul3A_383, %get3A_255 : vector<16xf32>
      %max3A_385 = arith.constant 0.000000e+00 : f32
      %max3A_386 = vector.broadcast %max3A_385 : f32 to vector<16xf32>
      %max3A_387 = arith.maximumf %add3A_384, %max3A_386 : vector<16xf32>
      %mul3A_388 = arith.mulf %max3A_387, %get3A_275 : vector<16xf32>
      %add3A_389 = arith.addf %add3A_382, %mul3A_388 : vector<16xf32>
      %swap3A_390 = arith.constant 2 : i32
      %swap3A_391 = arith.index_cast %swap3A_390 : i32 to index
      %swap3A_392 = arith.index_cast %mul3A_216 : i32 to index
      %swap3A_393 = tpu.vector_load %arg8[%swap3A_391, %swap3A_392] {strides = array<i32>} : memref<8x1920xf32, #tpu.memory_space<vmem>>, vector<1x16xf32>,
      %swap3A_394 = vector.shape_cast %swap3A_393 : vector<1x16xf32> to vector<16xf32>
      %swap3A_395 = vector.shape_cast %add3A_389 : vector<16xf32> to vector<1x16xf32>
      tpu.vector_store %arg8[%swap3A_391, %swap3A_392], %swap3A_395 {strides = array<i32>} : memref<8x1920xf32, #tpu.memory_space<vmem>>, vector<1x16xf32>,
      %get3A_396 = arith.constant 3 : i32
      %get3A_397 = arith.index_cast %get3A_396 : i32 to index
      %get3A_398 = arith.index_cast %mul3A_216 : i32 to index
      %get3A_399 = tpu.vector_load %arg6[%get3A_397, %get3A_398] {strides = array<i32>} : memref<8x1920xf32, #tpu.memory_space<vmem>>, vector<1x16xf32>,
      %get3A_400 = vector.shape_cast %get3A_399 : vector<1x16xf32> to vector<16xf32>
      %mul3A_401 = arith.mulf %get3A_400, %get3A_220 : vector<16xf32>
      %add3A_402 = arith.addf %mul3A_401, %get3A_240 : vector<16xf32>
      %max3A_403 = arith.constant 0.000000e+00 : f32
      %max3A_404 = vector.broadcast %max3A_403 : f32 to vector<16xf32>
      %max3A_405 = arith.maximumf %add3A_402, %max3A_404 : vector<16xf32>
      %mul3A_406 = arith.mulf %max3A_405, %get3A_260 : vector<16xf32>
      %add3A_407 = arith.addf %get3A_280, %mul3A_406 : vector<16xf32>
      %mul3A_408 = arith.mulf %get3A_400, %get3A_225 : vector<16xf32>
      %add3A_409 = arith.addf %mul3A_408, %get3A_245 : vector<16xf32>
      %max3A_410 = arith.constant 0.000000e+00 : f32
      %max3A_411 = vector.broadcast %max3A_410 : f32 to vector<16xf32>
      %max3A_412 = arith.maximumf %add3A_409, %max3A_411 : vector<16xf32>
      %mul3A_413 = arith.mulf %max3A_412, %get3A_265 : vector<16xf32>
      %add3A_414 = arith.addf %add3A_407, %mul3A_413 : vector<16xf32>
      %mul3A_415 = arith.mulf %get3A_400, %get3A_230 : vector<16xf32>
      %add3A_416 = arith.addf %mul3A_415, %get3A_250 : vector<16xf32>
      %max3A_417 = arith.constant 0.000000e+00 : f32
      %max3A_418 = vector.broadcast %max3A_417 : f32 to vector<16xf32>
      %max3A_419 = arith.maximumf %add3A_416, %max3A_418 : vector<16xf32>
      %mul3A_420 = arith.mulf %max3A_419, %get3A_270 : vector<16xf32>
      %add3A_421 = arith.addf %add3A_414, %mul3A_420 : vector<16xf32>
      %mul3A_422 = arith.mulf %get3A_400, %get3A_235 : vector<16xf32>
      %add3A_423 = arith.addf %mul3A_422, %get3A_255 : vector<16xf32>
      %max3A_424 = arith.constant 0.000000e+00 : f32
      %max3A_425 = vector.broadcast %max3A_424 : f32 to vector<16xf32>
      %max3A_426 = arith.maximumf %add3A_423, %max3A_425 : vector<16xf32>
      %mul3A_427 = arith.mulf %max3A_426, %get3A_275 : vector<16xf32>
      %add3A_428 = arith.addf %add3A_421, %mul3A_427 : vector<16xf32>
      %swap3A_429 = arith.constant 3 : i32
      %swap3A_430 = arith.index_cast %swap3A_429 : i32 to index
      %swap3A_431 = arith.index_cast %mul3A_216 : i32 to index
      %swap3A_432 = tpu.vector_load %arg8[%swap3A_430, %swap3A_431] {strides = array<i32>} : memref<8x1920xf32, #tpu.memory_space<vmem>>, vector<1x16xf32>,
      %swap3A_433 = vector.shape_cast %swap3A_432 : vector<1x16xf32> to vector<16xf32>
      %swap3A_434 = vector.shape_cast %add3A_428 : vector<16xf32> to vector<1x16xf32>
      tpu.vector_store %arg8[%swap3A_430, %swap3A_431], %swap3A_434 {strides = array<i32>} : memref<8x1920xf32, #tpu.memory_space<vmem>>, vector<1x16xf32>,
      %get3A_435 = arith.constant 4 : i32
      %get3A_436 = arith.index_cast %get3A_435 : i32 to index
      %get3A_437 = arith.index_cast %mul3A_216 : i32 to index
      %get3A_438 = tpu.vector_load %arg6[%get3A_436, %get3A_437] {strides = array<i32>} : memref<8x1920xf32, #tpu.memory_space<vmem>>, vector<1x16xf32>,
      %get3A_439 = vector.shape_cast %get3A_438 : vector<1x16xf32> to vector<16xf32>
      %mul3A_440 = arith.mulf %get3A_439, %get3A_220 : vector<16xf32>
      %add3A_441 = arith.addf %mul3A_440, %get3A_240 : vector<16xf32>
      %max3A_442 = arith.constant 0.000000e+00 : f32
      %max3A_443 = vector.broadcast %max3A_442 : f32 to vector<16xf32>
      %max3A_444 = arith.maximumf %add3A_441, %max3A_443 : vector<16xf32>
      %mul3A_445 = arith.mulf %max3A_444, %get3A_260 : vector<16xf32>
      %add3A_446 = arith.addf %get3A_280, %mul3A_445 : vector<16xf32>
      %mul3A_447 = arith.mulf %get3A_439, %get3A_225 : vector<16xf32>
      %add3A_448 = arith.addf %mul3A_447, %get3A_245 : vector<16xf32>
      %max3A_449 = arith.constant 0.000000e+00 : f32
      %max3A_450 = vector.broadcast %max3A_449 : f32 to vector<16xf32>
      %max3A_451 = arith.maximumf %add3A_448, %max3A_450 : vector<16xf32>
      %mul3A_452 = arith.mulf %max3A_451, %get3A_265 : vector<16xf32>
      %add3A_453 = arith.addf %add3A_446, %mul3A_452 : vector<16xf32>
      %mul3A_454 = arith.mulf %get3A_439, %get3A_230 : vector<16xf32>
      %add3A_455 = arith.addf %mul3A_454, %get3A_250 : vector<16xf32>
      %max3A_456 = arith.constant 0.000000e+00 : f32
      %max3A_457 = vector.broadcast %max3A_456 : f32 to vector<16xf32>
      %max3A_458 = arith.maximumf %add3A_455, %max3A_457 : vector<16xf32>
      %mul3A_459 = arith.mulf %max3A_458, %get3A_270 : vector<16xf32>
      %add3A_460 = arith.addf %add3A_453, %mul3A_459 : vector<16xf32>
      %mul3A_461 = arith.mulf %get3A_439, %get3A_235 : vector<16xf32>
      %add3A_462 = arith.addf %mul3A_461, %get3A_255 : vector<16xf32>
      %max3A_463 = arith.constant 0.000000e+00 : f32
      %max3A_464 = vector.broadcast %max3A_463 : f32 to vector<16xf32>
      %max3A_465 = arith.maximumf %add3A_462, %max3A_464 : vector<16xf32>
      %mul3A_466 = arith.mulf %max3A_465, %get3A_275 : vector<16xf32>
      %add3A_467 = arith.addf %add3A_460, %mul3A_466 : vector<16xf32>
      %swap3A_468 = arith.constant 4 : i32
      %swap3A_469 = arith.index_cast %swap3A_468 : i32 to index
      %swap3A_470 = arith.index_cast %mul3A_216 : i32 to index
      %swap3A_471 = tpu.vector_load %arg8[%swap3A_469, %swap3A_470] {strides = array<i32>} : memref<8x1920xf32, #tpu.memory_space<vmem>>, vector<1x16xf32>,
      %swap3A_472 = vector.shape_cast %swap3A_471 : vector<1x16xf32> to vector<16xf32>
      %swap3A_473 = vector.shape_cast %add3A_467 : vector<16xf32> to vector<1x16xf32>
      tpu.vector_store %arg8[%swap3A_469, %swap3A_470], %swap3A_473 {strides = array<i32>} : memref<8x1920xf32, #tpu.memory_space<vmem>>, vector<1x16xf32>,
      %get3A_474 = arith.constant 5 : i32
      %get3A_475 = arith.index_cast %get3A_474 : i32 to index
      %get3A_476 = arith.index_cast %mul3A_216 : i32 to index
      %get3A_477 = tpu.vector_load %arg6[%get3A_475, %get3A_476] {strides = array<i32>} : memref<8x1920xf32, #tpu.memory_space<vmem>>, vector<1x16xf32>,
      %get3A_478 = vector.shape_cast %get3A_477 : vector<1x16xf32> to vector<16xf32>
      %mul3A_479 = arith.mulf %get3A_478, %get3A_220 : vector<16xf32>
      %add3A_480 = arith.addf %mul3A_479, %get3A_240 : vector<16xf32>
      %max3A_481 = arith.constant 0.000000e+00 : f32
      %max3A_482 = vector.broadcast %max3A_481 : f32 to vector<16xf32>
      %max3A_483 = arith.maximumf %add3A_480, %max3A_482 : vector<16xf32>
      %mul3A_484 = arith.mulf %max3A_483, %get3A_260 : vector<16xf32>
      %add3A_485 = arith.addf %get3A_280, %mul3A_484 : vector<16xf32>
      %mul3A_486 = arith.mulf %get3A_478, %get3A_225 : vector<16xf32>
      %add3A_487 = arith.addf %mul3A_486, %get3A_245 : vector<16xf32>
      %max3A_488 = arith.constant 0.000000e+00 : f32
      %max3A_489 = vector.broadcast %max3A_488 : f32 to vector<16xf32>
      %max3A_490 = arith.maximumf %add3A_487, %max3A_489 : vector<16xf32>
      %mul3A_491 = arith.mulf %max3A_490, %get3A_265 : vector<16xf32>
      %add3A_492 = arith.addf %add3A_485, %mul3A_491 : vector<16xf32>
      %mul3A_493 = arith.mulf %get3A_478, %get3A_230 : vector<16xf32>
      %add3A_494 = arith.addf %mul3A_493, %get3A_250 : vector<16xf32>
      %max3A_495 = arith.constant 0.000000e+00 : f32
      %max3A_496 = vector.broadcast %max3A_495 : f32 to vector<16xf32>
      %max3A_497 = arith.maximumf %add3A_494, %max3A_496 : vector<16xf32>
      %mul3A_498 = arith.mulf %max3A_497, %get3A_270 : vector<16xf32>
      %add3A_499 = arith.addf %add3A_492, %mul3A_498 : vector<16xf32>
      %mul3A_500 = arith.mulf %get3A_478, %get3A_235 : vector<16xf32>
      %add3A_501 = arith.addf %mul3A_500, %get3A_255 : vector<16xf32>
      %max3A_502 = arith.constant 0.000000e+00 : f32
      %max3A_503 = vector.broadcast %max3A_502 : f32 to vector<16xf32>
      %max3A_504 = arith.maximumf %add3A_501, %max3A_503 : vector<16xf32>
      %mul3A_505 = arith.mulf %max3A_504, %get3A_275 : vector<16xf32>
      %add3A_506 = arith.addf %add3A_499, %mul3A_505 : vector<16xf32>
      %swap3A_507 = arith.constant 5 : i32
      %swap3A_508 = arith.index_cast %swap3A_507 : i32 to index
      %swap3A_509 = arith.index_cast %mul3A_216 : i32 to index
      %swap3A_510 = tpu.vector_load %arg8[%swap3A_508, %swap3A_509] {strides = array<i32>} : memref<8x1920xf32, #tpu.memory_space<vmem>>, vector<1x16xf32>,
      %swap3A_511 = vector.shape_cast %swap3A_510 : vector<1x16xf32> to vector<16xf32>
      %swap3A_512 = vector.shape_cast %add3A_506 : vector<16xf32> to vector<1x16xf32>
      tpu.vector_store %arg8[%swap3A_508, %swap3A_509], %swap3A_512 {strides = array<i32>} : memref<8x1920xf32, #tpu.memory_space<vmem>>, vector<1x16xf32>,
      %get3A_513 = arith.constant 6 : i32
      %get3A_514 = arith.index_cast %get3A_513 : i32 to index
      %get3A_515 = arith.index_cast %mul3A_216 : i32 to index
      %get3A_516 = tpu.vector_load %arg6[%get3A_514, %get3A_515] {strides = array<i32>} : memref<8x1920xf32, #tpu.memory_space<vmem>>, vector<1x16xf32>,
      %get3A_517 = vector.shape_cast %get3A_516 : vector<1x16xf32> to vector<16xf32>
      %mul3A_518 = arith.mulf %get3A_517, %get3A_220 : vector<16xf32>
      %add3A_519 = arith.addf %mul3A_518, %get3A_240 : vector<16xf32>
      %max3A_520 = arith.constant 0.000000e+00 : f32
      %max3A_521 = vector.broadcast %max3A_520 : f32 to vector<16xf32>
      %max3A_522 = arith.maximumf %add3A_519, %max3A_521 : vector<16xf32>
      %mul3A_523 = arith.mulf %max3A_522, %get3A_260 : vector<16xf32>
      %add3A_524 = arith.addf %get3A_280, %mul3A_523 : vector<16xf32>
      %mul3A_525 = arith.mulf %get3A_517, %get3A_225 : vector<16xf32>
      %add3A_526 = arith.addf %mul3A_525, %get3A_245 : vector<16xf32>
      %max3A_527 = arith.constant 0.000000e+00 : f32
      %max3A_528 = vector.broadcast %max3A_527 : f32 to vector<16xf32>
      %max3A_529 = arith.maximumf %add3A_526, %max3A_528 : vector<16xf32>
      %mul3A_530 = arith.mulf %max3A_529, %get3A_265 : vector<16xf32>
      %add3A_531 = arith.addf %add3A_524, %mul3A_530 : vector<16xf32>
      %mul3A_532 = arith.mulf %get3A_517, %get3A_230 : vector<16xf32>
      %add3A_533 = arith.addf %mul3A_532, %get3A_250 : vector<16xf32>
      %max3A_534 = arith.constant 0.000000e+00 : f32
      %max3A_535 = vector.broadcast %max3A_534 : f32 to vector<16xf32>
      %max3A_536 = arith.maximumf %add3A_533, %max3A_535 : vector<16xf32>
      %mul3A_537 = arith.mulf %max3A_536, %get3A_270 : vector<16xf32>
      %add3A_538 = arith.addf %add3A_531, %mul3A_537 : vector<16xf32>
      %mul3A_539 = arith.mulf %get3A_517, %get3A_235 : vector<16xf32>
      %add3A_540 = arith.addf %mul3A_539, %get3A_255 : vector<16xf32>
      %max3A_541 = arith.constant 0.000000e+00 : f32
      %max3A_542 = vector.broadcast %max3A_541 : f32 to vector<16xf32>
      %max3A_543 = arith.maximumf %add3A_540, %max3A_542 : vector<16xf32>
      %mul3A_544 = arith.mulf %max3A_543, %get3A_275 : vector<16xf32>
      %add3A_545 = arith.addf %add3A_538, %mul3A_544 : vector<16xf32>
      %swap3A_546 = arith.constant 6 : i32
      %swap3A_547 = arith.index_cast %swap3A_546 : i32 to index
      %swap3A_548 = arith.index_cast %mul3A_216 : i32 to index
      %swap3A_549 = tpu.vector_load %arg8[%swap3A_547, %swap3A_548] {strides = array<i32>} : memref<8x1920xf32, #tpu.memory_space<vmem>>, vector<1x16xf32>,
      %swap3A_550 = vector.shape_cast %swap3A_549 : vector<1x16xf32> to vector<16xf32>
      %swap3A_551 = vector.shape_cast %add3A_545 : vector<16xf32> to vector<1x16xf32>
      tpu.vector_store %arg8[%swap3A_547, %swap3A_548], %swap3A_551 {strides = array<i32>} : memref<8x1920xf32, #tpu.memory_space<vmem>>, vector<1x16xf32>,
      %get3A_552 = arith.constant 7 : i32
      %get3A_553 = arith.index_cast %get3A_552 : i32 to index
      %get3A_554 = arith.index_cast %mul3A_216 : i32 to index
      %get3A_555 = tpu.vector_load %arg6[%get3A_553, %get3A_554] {strides = array<i32>} : memref<8x1920xf32, #tpu.memory_space<vmem>>, vector<1x16xf32>,
      %get3A_556 = vector.shape_cast %get3A_555 : vector<1x16xf32> to vector<16xf32>
      %mul3A_557 = arith.mulf %get3A_556, %get3A_220 : vector<16xf32>
      %add3A_558 = arith.addf %mul3A_557, %get3A_240 : vector<16xf32>
      %max3A_559 = arith.constant 0.000000e+00 : f32
      %max3A_560 = vector.broadcast %max3A_559 : f32 to vector<16xf32>
      %max3A_561 = arith.maximumf %add3A_558, %max3A_560 : vector<16xf32>
      %mul3A_562 = arith.mulf %max3A_561, %get3A_260 : vector<16xf32>
      %add3A_563 = arith.addf %get3A_280, %mul3A_562 : vector<16xf32>
      %mul3A_564 = arith.mulf %get3A_556, %get3A_225 : vector<16xf32>
      %add3A_565 = arith.addf %mul3A_564, %get3A_245 : vector<16xf32>
      %max3A_566 = arith.constant 0.000000e+00 : f32
      %max3A_567 = vector.broadcast %max3A_566 : f32 to vector<16xf32>
      %max3A_568 = arith.maximumf %add3A_565, %max3A_567 : vector<16xf32>
      %mul3A_569 = arith.mulf %max3A_568, %get3A_265 : vector<16xf32>
      %add3A_570 = arith.addf %add3A_563, %mul3A_569 : vector<16xf32>
      %mul3A_571 = arith.mulf %get3A_556, %get3A_230 : vector<16xf32>
      %add3A_572 = arith.addf %mul3A_571, %get3A_250 : vector<16xf32>
      %max3A_573 = arith.constant 0.000000e+00 : f32
      %max3A_574 = vector.broadcast %max3A_573 : f32 to vector<16xf32>
      %max3A_575 = arith.maximumf %add3A_572, %max3A_574 : vector<16xf32>
      %mul3A_576 = arith.mulf %max3A_575, %get3A_270 : vector<16xf32>
      %add3A_577 = arith.addf %add3A_570, %mul3A_576 : vector<16xf32>
      %mul3A_578 = arith.mulf %get3A_556, %get3A_235 : vector<16xf32>
      %add3A_579 = arith.addf %mul3A_578, %get3A_255 : vector<16xf32>
      %max3A_580 = arith.constant 0.000000e+00 : f32
      %max3A_581 = vector.broadcast %max3A_580 : f32 to vector<16xf32>
      %max3A_582 = arith.maximumf %add3A_579, %max3A_581 : vector<16xf32>
      %mul3A_583 = arith.mulf %max3A_582, %get3A_275 : vector<16xf32>
      %add3A_584 = arith.addf %add3A_577, %mul3A_583 : vector<16xf32>
      %swap3A_585 = arith.constant 7 : i32
      %swap3A_586 = arith.index_cast %swap3A_585 : i32 to index
      %swap3A_587 = arith.index_cast %mul3A_216 : i32 to index
      %swap3A_588 = tpu.vector_load %arg8[%swap3A_586, %swap3A_587] {strides = array<i32>} : memref<8x1920xf32, #tpu.memory_space<vmem>>, vector<1x16xf32>,
      %swap3A_589 = vector.shape_cast %swap3A_588 : vector<1x16xf32> to vector<16xf32>
      %swap3A_590 = vector.shape_cast %add3A_584 : vector<16xf32> to vector<1x16xf32>
      tpu.vector_store %arg8[%swap3A_586, %swap3A_587], %swap3A_590 {strides = array<i32>} : memref<8x1920xf32, #tpu.memory_space<vmem>>, vector<1x16xf32>,
    }
    %scan3A_37 = arith.constant 120 : i32
    %dma_start3A_38 = arith.constant 0 : i32
    %dma_start3A_39 = arith.constant 1920 : i32
    %dma_start3A_40 = tpu.memref_slice %arg3[%dma_start3A_38, %dma_start3A_39] : memref<13x10112xf32, #tpu.memory_space<hbm>> -> memref<13x1920xf32, #tpu.memory_space<hbm>>
    %dma_start3A_41 = arith.constant 0 : i32
    %dma_start3A_42 = arith.constant 1920 : i32
    %dma_start3A_43 = tpu.memref_slice %arg3[%dma_start3A_41, %dma_start3A_42] : memref<13x10112xf32, #tpu.memory_space<hbm>> -> memref<13x1920xf32, #tpu.memory_space<hbm>>
    tpu.enqueue_dma source(%dma_start3A_43 : memref<13x1920xf32, #tpu.memory_space<hbm>>) target(%arg5 : memref<13x1920xf32, #tpu.memory_space<vmem>>) target_semaphore(%arg13 : memref<!tpu.dma_semaphore, #tpu.memory_space<semaphore_mem>>)
    %add3A_44 = arith.constant 0 : i32
    %add3A_45 = arith.addi %mul3A_2, %add3A_44 : i32
    %dma_start3A_46 = arith.constant 0 : i32
    %dma_start3A_47 = tpu.memref_slice %arg4[%add3A_45, %dma_start3A_46] : memref<256x10000xf32, #tpu.memory_space<hbm>> -> memref<8x1920xf32, #tpu.memory_space<hbm>>
    %dma_start3A_48 = arith.constant 0 : i32
    %dma_start3A_49 = tpu.memref_slice %arg4[%add3A_45, %dma_start3A_48] : memref<256x10000xf32, #tpu.memory_space<hbm>> -> memref<8x1920xf32, #tpu.memory_space<hbm>>
    tpu.enqueue_dma source(%arg8 : memref<8x1920xf32, #tpu.memory_space<vmem>>) target(%dma_start3A_49 : memref<8x1920xf32, #tpu.memory_space<hbm>>) target_semaphore(%arg16 : memref<!tpu.dma_semaphore, #tpu.memory_space<semaphore_mem>>)
    %add3A_50 = arith.constant 768 : i32
    %add3A_51 = arith.addi %add3A_50, %mul3A_2 : i32
    %add3A_52 = arith.constant 0 : i32
    %add3A_53 = arith.addi %add3A_51, %add3A_52 : i32
    %dma_start3A_54 = arith.constant 3840 : i32
    %dma_start3A_55 = tpu.memref_slice %arg2[%add3A_53, %dma_start3A_54] : memref<1024x10000xf32, #tpu.memory_space<hbm>> -> memref<8x1920xf32, #tpu.memory_space<hbm>>
    %dma_start3A_56 = arith.constant 3840 : i32
    %dma_start3A_57 = tpu.memref_slice %arg2[%add3A_53, %dma_start3A_56] : memref<1024x10000xf32, #tpu.memory_space<hbm>> -> memref<8x1920xf32, #tpu.memory_space<hbm>>
    tpu.enqueue_dma source(%dma_start3A_57 : memref<8x1920xf32, #tpu.memory_space<hbm>>) target(%arg6 : memref<8x1920xf32, #tpu.memory_space<vmem>>) target_semaphore(%arg14 : memref<!tpu.dma_semaphore, #tpu.memory_space<semaphore_mem>>)
    %dma_wait3A_58 = arith.constant 0 : i32
    %dma_wait3A_59 = arith.constant 1920 : i32
    %dma_wait3A_60 = tpu.memref_slice %arg3[%dma_wait3A_58, %dma_wait3A_59] : memref<13x10112xf32, #tpu.memory_space<hbm>> -> memref<13x1920xf32, #tpu.memory_space<hbm>>
    %dma_wait3A_61 = arith.constant 0 : i32
    %dma_wait3A_62 = arith.constant 1920 : i32
    %dma_wait3A_63 = tpu.memref_slice %arg3[%dma_wait3A_61, %dma_wait3A_62] : memref<13x10112xf32, #tpu.memory_space<hbm>> -> memref<13x1920xf32, #tpu.memory_space<hbm>>
    tpu.wait_dma2 semaphore(%arg13 : memref<!tpu.dma_semaphore, #tpu.memory_space<semaphore_mem>>) src(%dma_wait3A_63 : memref<13x1920xf32, #tpu.memory_space<hbm>>) dst(%arg5 : memref<13x1920xf32, #tpu.memory_space<vmem>>)
    %dma_wait3A_64 = arith.constant 1920 : i32
    %dma_wait3A_65 = tpu.memref_slice %arg2[%add3A_19, %dma_wait3A_64] : memref<1024x10000xf32, #tpu.memory_space<hbm>> -> memref<8x1920xf32, #tpu.memory_space<hbm>>
    %dma_wait3A_66 = arith.constant 1920 : i32
    %dma_wait3A_67 = tpu.memref_slice %arg2[%add3A_19, %dma_wait3A_66] : memref<1024x10000xf32, #tpu.memory_space<hbm>> -> memref<8x1920xf32, #tpu.memory_space<hbm>>
    tpu.wait_dma2 semaphore(%arg15 : memref<!tpu.dma_semaphore, #tpu.memory_space<semaphore_mem>>) src(%dma_wait3A_67 : memref<8x1920xf32, #tpu.memory_space<hbm>>) dst(%arg7 : memref<8x1920xf32, #tpu.memory_space<vmem>>)
    %scan3A_68 = arith.constant 0 : i32
    %scan3A_69 = arith.constant 0 : i32
    %scan3A_70 = arith.constant 120 : i32
    %scan3A_71 = arith.addi %scan3A_69, %scan3A_70 : i32
    %scan3A_72 = arith.constant 1 : i32
    scf.for %scan3A_214 = %scan3A_69 to %scan3A_71 step %scan3A_72  : i32 {
      %mul3A_215 = arith.constant 16 : i32
      %mul3A_216 = arith.muli %scan3A_214, %mul3A_215 : i32
      %get3A = arith.constant 0 : i32
      %get3A_217 = arith.index_cast %get3A : i32 to index
      %get3A_218 = arith.index_cast %mul3A_216 : i32 to index
      %get3A_219 = tpu.vector_load %arg5[%get3A_217, %get3A_218] {strides = array<i32>} : memref<13x1920xf32, #tpu.memory_space<vmem>>, vector<1x16xf32>,
      %get3A_220 = vector.shape_cast %get3A_219 : vector<1x16xf32> to vector<16xf32>
      %get3A_221 = arith.constant 1 : i32
      %get3A_222 = arith.index_cast %get3A_221 : i32 to index
      %get3A_223 = arith.index_cast %mul3A_216 : i32 to index
      %get3A_224 = tpu.vector_load %arg5[%get3A_222, %get3A_223] {strides = array<i32>} : memref<13x1920xf32, #tpu.memory_space<vmem>>, vector<1x16xf32>,
      %get3A_225 = vector.shape_cast %get3A_224 : vector<1x16xf32> to vector<16xf32>
      %get3A_226 = arith.constant 2 : i32
      %get3A_227 = arith.index_cast %get3A_226 : i32 to index
      %get3A_228 = arith.index_cast %mul3A_216 : i32 to index
      %get3A_229 = tpu.vector_load %arg5[%get3A_227, %get3A_228] {strides = array<i32>} : memref<13x1920xf32, #tpu.memory_space<vmem>>, vector<1x16xf32>,
      %get3A_230 = vector.shape_cast %get3A_229 : vector<1x16xf32> to vector<16xf32>
      %get3A_231 = arith.constant 3 : i32
      %get3A_232 = arith.index_cast %get3A_231 : i32 to index
      %get3A_233 = arith.index_cast %mul3A_216 : i32 to index
      %get3A_234 = tpu.vector_load %arg5[%get3A_232, %get3A_233] {strides = array<i32>} : memref<13x1920xf32, #tpu.memory_space<vmem>>, vector<1x16xf32>,
      %get3A_235 = vector.shape_cast %get3A_234 : vector<1x16xf32> to vector<16xf32>
      %get3A_236 = arith.constant 4 : i32
      %get3A_237 = arith.index_cast %get3A_236 : i32 to index
      %get3A_238 = arith.index_cast %mul3A_216 : i32 to index
      %get3A_239 = tpu.vector_load %arg5[%get3A_237, %get3A_238] {strides = array<i32>} : memref<13x1920xf32, #tpu.memory_space<vmem>>, vector<1x16xf32>,
      %get3A_240 = vector.shape_cast %get3A_239 : vector<1x16xf32> to vector<16xf32>
      %get3A_241 = arith.constant 5 : i32
      %get3A_242 = arith.index_cast %get3A_241 : i32 to index
      %get3A_243 = arith.index_cast %mul3A_216 : i32 to index
      %get3A_244 = tpu.vector_load %arg5[%get3A_242, %get3A_243] {strides = array<i32>} : memref<13x1920xf32, #tpu.memory_space<vmem>>, vector<1x16xf32>,
      %get3A_245 = vector.shape_cast %get3A_244 : vector<1x16xf32> to vector<16xf32>
      %get3A_246 = arith.constant 6 : i32
      %get3A_247 = arith.index_cast %get3A_246 : i32 to index
      %get3A_248 = arith.index_cast %mul3A_216 : i32 to index
      %get3A_249 = tpu.vector_load %arg5[%get3A_247, %get3A_248] {strides = array<i32>} : memref<13x1920xf32, #tpu.memory_space<vmem>>, vector<1x16xf32>,
      %get3A_250 = vector.shape_cast %get3A_249 : vector<1x16xf32> to vector<16xf32>
      %get3A_251 = arith.constant 7 : i32
      %get3A_252 = arith.index_cast %get3A_251 : i32 to index
      %get3A_253 = arith.index_cast %mul3A_216 : i32 to index
      %get3A_254 = tpu.vector_load %arg5[%get3A_252, %get3A_253] {strides = array<i32>} : memref<13x1920xf32, #tpu.memory_space<vmem>>, vector<1x16xf32>,
      %get3A_255 = vector.shape_cast %get3A_254 : vector<1x16xf32> to vector<16xf32>
      %get3A_256 = arith.constant 8 : i32
      %get3A_257 = arith.index_cast %get3A_256 : i32 to index
      %get3A_258 = arith.index_cast %mul3A_216 : i32 to index
      %get3A_259 = tpu.vector_load %arg5[%get3A_257, %get3A_258] {strides = array<i32>} : memref<13x1920xf32, #tpu.memory_space<vmem>>, vector<1x16xf32>,
      %get3A_260 = vector.shape_cast %get3A_259 : vector<1x16xf32> to vector<16xf32>
      %get3A_261 = arith.constant 9 : i32
      %get3A_262 = arith.index_cast %get3A_261 : i32 to index
      %get3A_263 = arith.index_cast %mul3A_216 : i32 to index
      %get3A_264 = tpu.vector_load %arg5[%get3A_262, %get3A_263] {strides = array<i32>} : memref<13x1920xf32, #tpu.memory_space<vmem>>, vector<1x16xf32>,
      %get3A_265 = vector.shape_cast %get3A_264 : vector<1x16xf32> to vector<16xf32>
      %get3A_266 = arith.constant 10 : i32
      %get3A_267 = arith.index_cast %get3A_266 : i32 to index
      %get3A_268 = arith.index_cast %mul3A_216 : i32 to index
      %get3A_269 = tpu.vector_load %arg5[%get3A_267, %get3A_268] {strides = array<i32>} : memref<13x1920xf32, #tpu.memory_space<vmem>>, vector<1x16xf32>,
      %get3A_270 = vector.shape_cast %get3A_269 : vector<1x16xf32> to vector<16xf32>
      %get3A_271 = arith.constant 11 : i32
      %get3A_272 = arith.index_cast %get3A_271 : i32 to index
      %get3A_273 = arith.index_cast %mul3A_216 : i32 to index
      %get3A_274 = tpu.vector_load %arg5[%get3A_272, %get3A_273] {strides = array<i32>} : memref<13x1920xf32, #tpu.memory_space<vmem>>, vector<1x16xf32>,
      %get3A_275 = vector.shape_cast %get3A_274 : vector<1x16xf32> to vector<16xf32>
      %get3A_276 = arith.constant 12 : i32
      %get3A_277 = arith.index_cast %get3A_276 : i32 to index
      %get3A_278 = arith.index_cast %mul3A_216 : i32 to index
      %get3A_279 = tpu.vector_load %arg5[%get3A_277, %get3A_278] {strides = array<i32>} : memref<13x1920xf32, #tpu.memory_space<vmem>>, vector<1x16xf32>,
      %get3A_280 = vector.shape_cast %get3A_279 : vector<1x16xf32> to vector<16xf32>
      %get3A_281 = arith.constant 0 : i32
      %get3A_282 = arith.index_cast %get3A_281 : i32 to index
      %get3A_283 = arith.index_cast %mul3A_216 : i32 to index
      %get3A_284 = tpu.vector_load %arg7[%get3A_282, %get3A_283] {strides = array<i32>} : memref<8x1920xf32, #tpu.memory_space<vmem>>, vector<1x16xf32>,
      %get3A_285 = vector.shape_cast %get3A_284 : vector<1x16xf32> to vector<16xf32>
      %mul3A_286 = arith.mulf %get3A_285, %get3A_220 : vector<16xf32>
      %add3A_287 = arith.addf %mul3A_286, %get3A_240 : vector<16xf32>
      %max3A = arith.constant 0.000000e+00 : f32
      %max3A_288 = vector.broadcast %max3A : f32 to vector<16xf32>
      %max3A_289 = arith.maximumf %add3A_287, %max3A_288 : vector<16xf32>
      %mul3A_290 = arith.mulf %max3A_289, %get3A_260 : vector<16xf32>
      %add3A_291 = arith.addf %get3A_280, %mul3A_290 : vector<16xf32>
      %mul3A_292 = arith.mulf %get3A_285, %get3A_225 : vector<16xf32>
      %add3A_293 = arith.addf %mul3A_292, %get3A_245 : vector<16xf32>
      %max3A_294 = arith.constant 0.000000e+00 : f32
      %max3A_295 = vector.broadcast %max3A_294 : f32 to vector<16xf32>
      %max3A_296 = arith.maximumf %add3A_293, %max3A_295 : vector<16xf32>
      %mul3A_297 = arith.mulf %max3A_296, %get3A_265 : vector<16xf32>
      %add3A_298 = arith.addf %add3A_291, %mul3A_297 : vector<16xf32>
      %mul3A_299 = arith.mulf %get3A_285, %get3A_230 : vector<16xf32>
      %add3A_300 = arith.addf %mul3A_299, %get3A_250 : vector<16xf32>
      %max3A_301 = arith.constant 0.000000e+00 : f32
      %max3A_302 = vector.broadcast %max3A_301 : f32 to vector<16xf32>
      %max3A_303 = arith.maximumf %add3A_300, %max3A_302 : vector<16xf32>
      %mul3A_304 = arith.mulf %max3A_303, %get3A_270 : vector<16xf32>
      %add3A_305 = arith.addf %add3A_298, %mul3A_304 : vector<16xf32>
      %mul3A_306 = arith.mulf %get3A_285, %get3A_235 : vector<16xf32>
      %add3A_307 = arith.addf %mul3A_306, %get3A_255 : vector<16xf32>
      %max3A_308 = arith.constant 0.000000e+00 : f32
      %max3A_309 = vector.broadcast %max3A_308 : f32 to vector<16xf32>
      %max3A_310 = arith.maximumf %add3A_307, %max3A_309 : vector<16xf32>
      %mul3A_311 = arith.mulf %max3A_310, %get3A_275 : vector<16xf32>
      %add3A_312 = arith.addf %add3A_305, %mul3A_311 : vector<16xf32>
      %swap3A = arith.constant 0 : i32
      %swap3A_313 = arith.index_cast %swap3A : i32 to index
      %swap3A_314 = arith.index_cast %mul3A_216 : i32 to index
      %swap3A_315 = tpu.vector_load %arg9[%swap3A_313, %swap3A_314] {strides = array<i32>} : memref<8x1920xf32, #tpu.memory_space<vmem>>, vector<1x16xf32>,
      %swap3A_316 = vector.shape_cast %swap3A_315 : vector<1x16xf32> to vector<16xf32>
      %swap3A_317 = vector.shape_cast %add3A_312 : vector<16xf32> to vector<1x16xf32>
      tpu.vector_store %arg9[%swap3A_313, %swap3A_314], %swap3A_317 {strides = array<i32>} : memref<8x1920xf32, #tpu.memory_space<vmem>>, vector<1x16xf32>,
      %get3A_318 = arith.constant 1 : i32
      %get3A_319 = arith.index_cast %get3A_318 : i32 to index
      %get3A_320 = arith.index_cast %mul3A_216 : i32 to index
      %get3A_321 = tpu.vector_load %arg7[%get3A_319, %get3A_320] {strides = array<i32>} : memref<8x1920xf32, #tpu.memory_space<vmem>>, vector<1x16xf32>,
      %get3A_322 = vector.shape_cast %get3A_321 : vector<1x16xf32> to vector<16xf32>
      %mul3A_323 = arith.mulf %get3A_322, %get3A_220 : vector<16xf32>
      %add3A_324 = arith.addf %mul3A_323, %get3A_240 : vector<16xf32>
      %max3A_325 = arith.constant 0.000000e+00 : f32
      %max3A_326 = vector.broadcast %max3A_325 : f32 to vector<16xf32>
      %max3A_327 = arith.maximumf %add3A_324, %max3A_326 : vector<16xf32>
      %mul3A_328 = arith.mulf %max3A_327, %get3A_260 : vector<16xf32>
      %add3A_329 = arith.addf %get3A_280, %mul3A_328 : vector<16xf32>
      %mul3A_330 = arith.mulf %get3A_322, %get3A_225 : vector<16xf32>
      %add3A_331 = arith.addf %mul3A_330, %get3A_245 : vector<16xf32>
      %max3A_332 = arith.constant 0.000000e+00 : f32
      %max3A_333 = vector.broadcast %max3A_332 : f32 to vector<16xf32>
      %max3A_334 = arith.maximumf %add3A_331, %max3A_333 : vector<16xf32>
      %mul3A_335 = arith.mulf %max3A_334, %get3A_265 : vector<16xf32>
      %add3A_336 = arith.addf %add3A_329, %mul3A_335 : vector<16xf32>
      %mul3A_337 = arith.mulf %get3A_322, %get3A_230 : vector<16xf32>
      %add3A_338 = arith.addf %mul3A_337, %get3A_250 : vector<16xf32>
      %max3A_339 = arith.constant 0.000000e+00 : f32
      %max3A_340 = vector.broadcast %max3A_339 : f32 to vector<16xf32>
      %max3A_341 = arith.maximumf %add3A_338, %max3A_340 : vector<16xf32>
      %mul3A_342 = arith.mulf %max3A_341, %get3A_270 : vector<16xf32>
      %add3A_343 = arith.addf %add3A_336, %mul3A_342 : vector<16xf32>
      %mul3A_344 = arith.mulf %get3A_322, %get3A_235 : vector<16xf32>
      %add3A_345 = arith.addf %mul3A_344, %get3A_255 : vector<16xf32>
      %max3A_346 = arith.constant 0.000000e+00 : f32
      %max3A_347 = vector.broadcast %max3A_346 : f32 to vector<16xf32>
      %max3A_348 = arith.maximumf %add3A_345, %max3A_347 : vector<16xf32>
      %mul3A_349 = arith.mulf %max3A_348, %get3A_275 : vector<16xf32>
      %add3A_350 = arith.addf %add3A_343, %mul3A_349 : vector<16xf32>
      %swap3A_351 = arith.constant 1 : i32
      %swap3A_352 = arith.index_cast %swap3A_351 : i32 to index
      %swap3A_353 = arith.index_cast %mul3A_216 : i32 to index
      %swap3A_354 = tpu.vector_load %arg9[%swap3A_352, %swap3A_353] {strides = array<i32>} : memref<8x1920xf32, #tpu.memory_space<vmem>>, vector<1x16xf32>,
      %swap3A_355 = vector.shape_cast %swap3A_354 : vector<1x16xf32> to vector<16xf32>
      %swap3A_356 = vector.shape_cast %add3A_350 : vector<16xf32> to vector<1x16xf32>
      tpu.vector_store %arg9[%swap3A_352, %swap3A_353], %swap3A_356 {strides = array<i32>} : memref<8x1920xf32, #tpu.memory_space<vmem>>, vector<1x16xf32>,
      %get3A_357 = arith.constant 2 : i32
      %get3A_358 = arith.index_cast %get3A_357 : i32 to index
      %get3A_359 = arith.index_cast %mul3A_216 : i32 to index
      %get3A_360 = tpu.vector_load %arg7[%get3A_358, %get3A_359] {strides = array<i32>} : memref<8x1920xf32, #tpu.memory_space<vmem>>, vector<1x16xf32>,
      %get3A_361 = vector.shape_cast %get3A_360 : vector<1x16xf32> to vector<16xf32>
      %mul3A_362 = arith.mulf %get3A_361, %get3A_220 : vector<16xf32>
      %add3A_363 = arith.addf %mul3A_362, %get3A_240 : vector<16xf32>
      %max3A_364 = arith.constant 0.000000e+00 : f32
      %max3A_365 = vector.broadcast %max3A_364 : f32 to vector<16xf32>
      %max3A_366 = arith.maximumf %add3A_363, %max3A_365 : vector<16xf32>
      %mul3A_367 = arith.mulf %max3A_366, %get3A_260 : vector<16xf32>
      %add3A_368 = arith.addf %get3A_280, %mul3A_367 : vector<16xf32>
      %mul3A_369 = arith.mulf %get3A_361, %get3A_225 : vector<16xf32>
      %add3A_370 = arith.addf %mul3A_369, %get3A_245 : vector<16xf32>
      %max3A_371 = arith.constant 0.000000e+00 : f32
      %max3A_372 = vector.broadcast %max3A_371 : f32 to vector<16xf32>
      %max3A_373 = arith.maximumf %add3A_370, %max3A_372 : vector<16xf32>
      %mul3A_374 = arith.mulf %max3A_373, %get3A_265 : vector<16xf32>
      %add3A_375 = arith.addf %add3A_368, %mul3A_374 : vector<16xf32>
      %mul3A_376 = arith.mulf %get3A_361, %get3A_230 : vector<16xf32>
      %add3A_377 = arith.addf %mul3A_376, %get3A_250 : vector<16xf32>
      %max3A_378 = arith.constant 0.000000e+00 : f32
      %max3A_379 = vector.broadcast %max3A_378 : f32 to vector<16xf32>
      %max3A_380 = arith.maximumf %add3A_377, %max3A_379 : vector<16xf32>
      %mul3A_381 = arith.mulf %max3A_380, %get3A_270 : vector<16xf32>
      %add3A_382 = arith.addf %add3A_375, %mul3A_381 : vector<16xf32>
      %mul3A_383 = arith.mulf %get3A_361, %get3A_235 : vector<16xf32>
      %add3A_384 = arith.addf %mul3A_383, %get3A_255 : vector<16xf32>
      %max3A_385 = arith.constant 0.000000e+00 : f32
      %max3A_386 = vector.broadcast %max3A_385 : f32 to vector<16xf32>
      %max3A_387 = arith.maximumf %add3A_384, %max3A_386 : vector<16xf32>
      %mul3A_388 = arith.mulf %max3A_387, %get3A_275 : vector<16xf32>
      %add3A_389 = arith.addf %add3A_382, %mul3A_388 : vector<16xf32>
      %swap3A_390 = arith.constant 2 : i32
      %swap3A_391 = arith.index_cast %swap3A_390 : i32 to index
      %swap3A_392 = arith.index_cast %mul3A_216 : i32 to index
      %swap3A_393 = tpu.vector_load %arg9[%swap3A_391, %swap3A_392] {strides = array<i32>} : memref<8x1920xf32, #tpu.memory_space<vmem>>, vector<1x16xf32>,
      %swap3A_394 = vector.shape_cast %swap3A_393 : vector<1x16xf32> to vector<16xf32>
      %swap3A_395 = vector.shape_cast %add3A_389 : vector<16xf32> to vector<1x16xf32>
      tpu.vector_store %arg9[%swap3A_391, %swap3A_392], %swap3A_395 {strides = array<i32>} : memref<8x1920xf32, #tpu.memory_space<vmem>>, vector<1x16xf32>,
      %get3A_396 = arith.constant 3 : i32
      %get3A_397 = arith.index_cast %get3A_396 : i32 to index
      %get3A_398 = arith.index_cast %mul3A_216 : i32 to index
      %get3A_399 = tpu.vector_load %arg7[%get3A_397, %get3A_398] {strides = array<i32>} : memref<8x1920xf32, #tpu.memory_space<vmem>>, vector<1x16xf32>,
      %get3A_400 = vector.shape_cast %get3A_399 : vector<1x16xf32> to vector<16xf32>
      %mul3A_401 = arith.mulf %get3A_400, %get3A_220 : vector<16xf32>
      %add3A_402 = arith.addf %mul3A_401, %get3A_240 : vector<16xf32>
      %max3A_403 = arith.constant 0.000000e+00 : f32
      %max3A_404 = vector.broadcast %max3A_403 : f32 to vector<16xf32>
      %max3A_405 = arith.maximumf %add3A_402, %max3A_404 : vector<16xf32>
      %mul3A_406 = arith.mulf %max3A_405, %get3A_260 : vector<16xf32>
      %add3A_407 = arith.addf %get3A_280, %mul3A_406 : vector<16xf32>
      %mul3A_408 = arith.mulf %get3A_400, %get3A_225 : vector<16xf32>
      %add3A_409 = arith.addf %mul3A_408, %get3A_245 : vector<16xf32>
      %max3A_410 = arith.constant 0.000000e+00 : f32
      %max3A_411 = vector.broadcast %max3A_410 : f32 to vector<16xf32>
      %max3A_412 = arith.maximumf %add3A_409, %max3A_411 : vector<16xf32>
      %mul3A_413 = arith.mulf %max3A_412, %get3A_265 : vector<16xf32>
      %add3A_414 = arith.addf %add3A_407, %mul3A_413 : vector<16xf32>
      %mul3A_415 = arith.mulf %get3A_400, %get3A_230 : vector<16xf32>
      %add3A_416 = arith.addf %mul3A_415, %get3A_250 : vector<16xf32>
      %max3A_417 = arith.constant 0.000000e+00 : f32
      %max3A_418 = vector.broadcast %max3A_417 : f32 to vector<16xf32>
      %max3A_419 = arith.maximumf %add3A_416, %max3A_418 : vector<16xf32>
      %mul3A_420 = arith.mulf %max3A_419, %get3A_270 : vector<16xf32>
      %add3A_421 = arith.addf %add3A_414, %mul3A_420 : vector<16xf32>
      %mul3A_422 = arith.mulf %get3A_400, %get3A_235 : vector<16xf32>
      %add3A_423 = arith.addf %mul3A_422, %get3A_255 : vector<16xf32>
      %max3A_424 = arith.constant 0.000000e+00 : f32
      %max3A_425 = vector.broadcast %max3A_424 : f32 to vector<16xf32>
      %max3A_426 = arith.maximumf %add3A_423, %max3A_425 : vector<16xf32>
      %mul3A_427 = arith.mulf %max3A_426, %get3A_275 : vector<16xf32>
      %add3A_428 = arith.addf %add3A_421, %mul3A_427 : vector<16xf32>
      %swap3A_429 = arith.constant 3 : i32
      %swap3A_430 = arith.index_cast %swap3A_429 : i32 to index
      %swap3A_431 = arith.index_cast %mul3A_216 : i32 to index
      %swap3A_432 = tpu.vector_load %arg9[%swap3A_430, %swap3A_431] {strides = array<i32>} : memref<8x1920xf32, #tpu.memory_space<vmem>>, vector<1x16xf32>,
      %swap3A_433 = vector.shape_cast %swap3A_432 : vector<1x16xf32> to vector<16xf32>
      %swap3A_434 = vector.shape_cast %add3A_428 : vector<16xf32> to vector<1x16xf32>
      tpu.vector_store %arg9[%swap3A_430, %swap3A_431], %swap3A_434 {strides = array<i32>} : memref<8x1920xf32, #tpu.memory_space<vmem>>, vector<1x16xf32>,
      %get3A_435 = arith.constant 4 : i32
      %get3A_436 = arith.index_cast %get3A_435 : i32 to index
      %get3A_437 = arith.index_cast %mul3A_216 : i32 to index
      %get3A_438 = tpu.vector_load %arg7[%get3A_436, %get3A_437] {strides = array<i32>} : memref<8x1920xf32, #tpu.memory_space<vmem>>, vector<1x16xf32>,
      %get3A_439 = vector.shape_cast %get3A_438 : vector<1x16xf32> to vector<16xf32>
      %mul3A_440 = arith.mulf %get3A_439, %get3A_220 : vector<16xf32>
      %add3A_441 = arith.addf %mul3A_440, %get3A_240 : vector<16xf32>
      %max3A_442 = arith.constant 0.000000e+00 : f32
      %max3A_443 = vector.broadcast %max3A_442 : f32 to vector<16xf32>
      %max3A_444 = arith.maximumf %add3A_441, %max3A_443 : vector<16xf32>
      %mul3A_445 = arith.mulf %max3A_444, %get3A_260 : vector<16xf32>
      %add3A_446 = arith.addf %get3A_280, %mul3A_445 : vector<16xf32>
      %mul3A_447 = arith.mulf %get3A_439, %get3A_225 : vector<16xf32>
      %add3A_448 = arith.addf %mul3A_447, %get3A_245 : vector<16xf32>
      %max3A_449 = arith.constant 0.000000e+00 : f32
      %max3A_450 = vector.broadcast %max3A_449 : f32 to vector<16xf32>
      %max3A_451 = arith.maximumf %add3A_448, %max3A_450 : vector<16xf32>
      %mul3A_452 = arith.mulf %max3A_451, %get3A_265 : vector<16xf32>
      %add3A_453 = arith.addf %add3A_446, %mul3A_452 : vector<16xf32>
      %mul3A_454 = arith.mulf %get3A_439, %get3A_230 : vector<16xf32>
      %add3A_455 = arith.addf %mul3A_454, %get3A_250 : vector<16xf32>
      %max3A_456 = arith.constant 0.000000e+00 : f32
      %max3A_457 = vector.broadcast %max3A_456 : f32 to vector<16xf32>
      %max3A_458 = arith.maximumf %add3A_455, %max3A_457 : vector<16xf32>
      %mul3A_459 = arith.mulf %max3A_458, %get3A_270 : vector<16xf32>
      %add3A_460 = arith.addf %add3A_453, %mul3A_459 : vector<16xf32>
      %mul3A_461 = arith.mulf %get3A_439, %get3A_235 : vector<16xf32>
      %add3A_462 = arith.addf %mul3A_461, %get3A_255 : vector<16xf32>
      %max3A_463 = arith.constant 0.000000e+00 : f32
      %max3A_464 = vector.broadcast %max3A_463 : f32 to vector<16xf32>
      %max3A_465 = arith.maximumf %add3A_462, %max3A_464 : vector<16xf32>
      %mul3A_466 = arith.mulf %max3A_465, %get3A_275 : vector<16xf32>
      %add3A_467 = arith.addf %add3A_460, %mul3A_466 : vector<16xf32>
      %swap3A_468 = arith.constant 4 : i32
      %swap3A_469 = arith.index_cast %swap3A_468 : i32 to index
      %swap3A_470 = arith.index_cast %mul3A_216 : i32 to index
      %swap3A_471 = tpu.vector_load %arg9[%swap3A_469, %swap3A_470] {strides = array<i32>} : memref<8x1920xf32, #tpu.memory_space<vmem>>, vector<1x16xf32>,
      %swap3A_472 = vector.shape_cast %swap3A_471 : vector<1x16xf32> to vector<16xf32>
      %swap3A_473 = vector.shape_cast %add3A_467 : vector<16xf32> to vector<1x16xf32>
      tpu.vector_store %arg9[%swap3A_469, %swap3A_470], %swap3A_473 {strides = array<i32>} : memref<8x1920xf32, #tpu.memory_space<vmem>>, vector<1x16xf32>,
      %get3A_474 = arith.constant 5 : i32
      %get3A_475 = arith.index_cast %get3A_474 : i32 to index
      %get3A_476 = arith.index_cast %mul3A_216 : i32 to index
      %get3A_477 = tpu.vector_load %arg7[%get3A_475, %get3A_476] {strides = array<i32>} : memref<8x1920xf32, #tpu.memory_space<vmem>>, vector<1x16xf32>,
      %get3A_478 = vector.shape_cast %get3A_477 : vector<1x16xf32> to vector<16xf32>
      %mul3A_479 = arith.mulf %get3A_478, %get3A_220 : vector<16xf32>
      %add3A_480 = arith.addf %mul3A_479, %get3A_240 : vector<16xf32>
      %max3A_481 = arith.constant 0.000000e+00 : f32
      %max3A_482 = vector.broadcast %max3A_481 : f32 to vector<16xf32>
      %max3A_483 = arith.maximumf %add3A_480, %max3A_482 : vector<16xf32>
      %mul3A_484 = arith.mulf %max3A_483, %get3A_260 : vector<16xf32>
      %add3A_485 = arith.addf %get3A_280, %mul3A_484 : vector<16xf32>
      %mul3A_486 = arith.mulf %get3A_478, %get3A_225 : vector<16xf32>
      %add3A_487 = arith.addf %mul3A_486, %get3A_245 : vector<16xf32>
      %max3A_488 = arith.constant 0.000000e+00 : f32
      %max3A_489 = vector.broadcast %max3A_488 : f32 to vector<16xf32>
      %max3A_490 = arith.maximumf %add3A_487, %max3A_489 : vector<16xf32>
      %mul3A_491 = arith.mulf %max3A_490, %get3A_265 : vector<16xf32>
      %add3A_492 = arith.addf %add3A_485, %mul3A_491 : vector<16xf32>
      %mul3A_493 = arith.mulf %get3A_478, %get3A_230 : vector<16xf32>
      %add3A_494 = arith.addf %mul3A_493, %get3A_250 : vector<16xf32>
      %max3A_495 = arith.constant 0.000000e+00 : f32
      %max3A_496 = vector.broadcast %max3A_495 : f32 to vector<16xf32>
      %max3A_497 = arith.maximumf %add3A_494, %max3A_496 : vector<16xf32>
      %mul3A_498 = arith.mulf %max3A_497, %get3A_270 : vector<16xf32>
      %add3A_499 = arith.addf %add3A_492, %mul3A_498 : vector<16xf32>
      %mul3A_500 = arith.mulf %get3A_478, %get3A_235 : vector<16xf32>
      %add3A_501 = arith.addf %mul3A_500, %get3A_255 : vector<16xf32>
      %max3A_502 = arith.constant 0.000000e+00 : f32
      %max3A_503 = vector.broadcast %max3A_502 : f32 to vector<16xf32>
      %max3A_504 = arith.maximumf %add3A_501, %max3A_503 : vector<16xf32>
      %mul3A_505 = arith.mulf %max3A_504, %get3A_275 : vector<16xf32>
      %add3A_506 = arith.addf %add3A_499, %mul3A_505 : vector<16xf32>
      %swap3A_507 = arith.constant 5 : i32
      %swap3A_508 = arith.index_cast %swap3A_507 : i32 to index
      %swap3A_509 = arith.index_cast %mul3A_216 : i32 to index
      %swap3A_510 = tpu.vector_load %arg9[%swap3A_508, %swap3A_509] {strides = array<i32>} : memref<8x1920xf32, #tpu.memory_space<vmem>>, vector<1x16xf32>,
      %swap3A_511 = vector.shape_cast %swap3A_510 : vector<1x16xf32> to vector<16xf32>
      %swap3A_512 = vector.shape_cast %add3A_506 : vector<16xf32> to vector<1x16xf32>
      tpu.vector_store %arg9[%swap3A_508, %swap3A_509], %swap3A_512 {strides = array<i32>} : memref<8x1920xf32, #tpu.memory_space<vmem>>, vector<1x16xf32>,
      %get3A_513 = arith.constant 6 : i32
      %get3A_514 = arith.index_cast %get3A_513 : i32 to index
      %get3A_515 = arith.index_cast %mul3A_216 : i32 to index
      %get3A_516 = tpu.vector_load %arg7[%get3A_514, %get3A_515] {strides = array<i32>} : memref<8x1920xf32, #tpu.memory_space<vmem>>, vector<1x16xf32>,
      %get3A_517 = vector.shape_cast %get3A_516 : vector<1x16xf32> to vector<16xf32>
      %mul3A_518 = arith.mulf %get3A_517, %get3A_220 : vector<16xf32>
      %add3A_519 = arith.addf %mul3A_518, %get3A_240 : vector<16xf32>
      %max3A_520 = arith.constant 0.000000e+00 : f32
      %max3A_521 = vector.broadcast %max3A_520 : f32 to vector<16xf32>
      %max3A_522 = arith.maximumf %add3A_519, %max3A_521 : vector<16xf32>
      %mul3A_523 = arith.mulf %max3A_522, %get3A_260 : vector<16xf32>
      %add3A_524 = arith.addf %get3A_280, %mul3A_523 : vector<16xf32>
      %mul3A_525 = arith.mulf %get3A_517, %get3A_225 : vector<16xf32>
      %add3A_526 = arith.addf %mul3A_525, %get3A_245 : vector<16xf32>
      %max3A_527 = arith.constant 0.000000e+00 : f32
      %max3A_528 = vector.broadcast %max3A_527 : f32 to vector<16xf32>
      %max3A_529 = arith.maximumf %add3A_526, %max3A_528 : vector<16xf32>
      %mul3A_530 = arith.mulf %max3A_529, %get3A_265 : vector<16xf32>
      %add3A_531 = arith.addf %add3A_524, %mul3A_530 : vector<16xf32>
      %mul3A_532 = arith.mulf %get3A_517, %get3A_230 : vector<16xf32>
      %add3A_533 = arith.addf %mul3A_532, %get3A_250 : vector<16xf32>
      %max3A_534 = arith.constant 0.000000e+00 : f32
      %max3A_535 = vector.broadcast %max3A_534 : f32 to vector<16xf32>
      %max3A_536 = arith.maximumf %add3A_533, %max3A_535 : vector<16xf32>
      %mul3A_537 = arith.mulf %max3A_536, %get3A_270 : vector<16xf32>
      %add3A_538 = arith.addf %add3A_531, %mul3A_537 : vector<16xf32>
      %mul3A_539 = arith.mulf %get3A_517, %get3A_235 : vector<16xf32>
      %add3A_540 = arith.addf %mul3A_539, %get3A_255 : vector<16xf32>
      %max3A_541 = arith.constant 0.000000e+00 : f32
      %max3A_542 = vector.broadcast %max3A_541 : f32 to vector<16xf32>
      %max3A_543 = arith.maximumf %add3A_540, %max3A_542 : vector<16xf32>
      %mul3A_544 = arith.mulf %max3A_543, %get3A_275 : vector<16xf32>
      %add3A_545 = arith.addf %add3A_538, %mul3A_544 : vector<16xf32>
      %swap3A_546 = arith.constant 6 : i32
      %swap3A_547 = arith.index_cast %swap3A_546 : i32 to index
      %swap3A_548 = arith.index_cast %mul3A_216 : i32 to index
      %swap3A_549 = tpu.vector_load %arg9[%swap3A_547, %swap3A_548] {strides = array<i32>} : memref<8x1920xf32, #tpu.memory_space<vmem>>, vector<1x16xf32>,
      %swap3A_550 = vector.shape_cast %swap3A_549 : vector<1x16xf32> to vector<16xf32>
      %swap3A_551 = vector.shape_cast %add3A_545 : vector<16xf32> to vector<1x16xf32>
      tpu.vector_store %arg9[%swap3A_547, %swap3A_548], %swap3A_551 {strides = array<i32>} : memref<8x1920xf32, #tpu.memory_space<vmem>>, vector<1x16xf32>,
      %get3A_552 = arith.constant 7 : i32
      %get3A_553 = arith.index_cast %get3A_552 : i32 to index
      %get3A_554 = arith.index_cast %mul3A_216 : i32 to index
      %get3A_555 = tpu.vector_load %arg7[%get3A_553, %get3A_554] {strides = array<i32>} : memref<8x1920xf32, #tpu.memory_space<vmem>>, vector<1x16xf32>,
      %get3A_556 = vector.shape_cast %get3A_555 : vector<1x16xf32> to vector<16xf32>
      %mul3A_557 = arith.mulf %get3A_556, %get3A_220 : vector<16xf32>
      %add3A_558 = arith.addf %mul3A_557, %get3A_240 : vector<16xf32>
      %max3A_559 = arith.constant 0.000000e+00 : f32
      %max3A_560 = vector.broadcast %max3A_559 : f32 to vector<16xf32>
      %max3A_561 = arith.maximumf %add3A_558, %max3A_560 : vector<16xf32>
      %mul3A_562 = arith.mulf %max3A_561, %get3A_260 : vector<16xf32>
      %add3A_563 = arith.addf %get3A_280, %mul3A_562 : vector<16xf32>
      %mul3A_564 = arith.mulf %get3A_556, %get3A_225 : vector<16xf32>
      %add3A_565 = arith.addf %mul3A_564, %get3A_245 : vector<16xf32>
      %max3A_566 = arith.constant 0.000000e+00 : f32
      %max3A_567 = vector.broadcast %max3A_566 : f32 to vector<16xf32>
      %max3A_568 = arith.maximumf %add3A_565, %max3A_567 : vector<16xf32>
      %mul3A_569 = arith.mulf %max3A_568, %get3A_265 : vector<16xf32>
      %add3A_570 = arith.addf %add3A_563, %mul3A_569 : vector<16xf32>
      %mul3A_571 = arith.mulf %get3A_556, %get3A_230 : vector<16xf32>
      %add3A_572 = arith.addf %mul3A_571, %get3A_250 : vector<16xf32>
      %max3A_573 = arith.constant 0.000000e+00 : f32
      %max3A_574 = vector.broadcast %max3A_573 : f32 to vector<16xf32>
      %max3A_575 = arith.maximumf %add3A_572, %max3A_574 : vector<16xf32>
      %mul3A_576 = arith.mulf %max3A_575, %get3A_270 : vector<16xf32>
      %add3A_577 = arith.addf %add3A_570, %mul3A_576 : vector<16xf32>
      %mul3A_578 = arith.mulf %get3A_556, %get3A_235 : vector<16xf32>
      %add3A_579 = arith.addf %mul3A_578, %get3A_255 : vector<16xf32>
      %max3A_580 = arith.constant 0.000000e+00 : f32
      %max3A_581 = vector.broadcast %max3A_580 : f32 to vector<16xf32>
      %max3A_582 = arith.maximumf %add3A_579, %max3A_581 : vector<16xf32>
      %mul3A_583 = arith.mulf %max3A_582, %get3A_275 : vector<16xf32>
      %add3A_584 = arith.addf %add3A_577, %mul3A_583 : vector<16xf32>
      %swap3A_585 = arith.constant 7 : i32
      %swap3A_586 = arith.index_cast %swap3A_585 : i32 to index
      %swap3A_587 = arith.index_cast %mul3A_216 : i32 to index
      %swap3A_588 = tpu.vector_load %arg9[%swap3A_586, %swap3A_587] {strides = array<i32>} : memref<8x1920xf32, #tpu.memory_space<vmem>>, vector<1x16xf32>,
      %swap3A_589 = vector.shape_cast %swap3A_588 : vector<1x16xf32> to vector<16xf32>
      %swap3A_590 = vector.shape_cast %add3A_584 : vector<16xf32> to vector<1x16xf32>
      tpu.vector_store %arg9[%swap3A_586, %swap3A_587], %swap3A_590 {strides = array<i32>} : memref<8x1920xf32, #tpu.memory_space<vmem>>, vector<1x16xf32>,
    }
    %scan3A_73 = arith.constant 120 : i32
    %dma_start3A_74 = arith.constant 0 : i32
    %dma_start3A_75 = arith.constant 3840 : i32
    %dma_start3A_76 = tpu.memref_slice %arg3[%dma_start3A_74, %dma_start3A_75] : memref<13x10112xf32, #tpu.memory_space<hbm>> -> memref<13x1920xf32, #tpu.memory_space<hbm>>
    %dma_start3A_77 = arith.constant 0 : i32
    %dma_start3A_78 = arith.constant 3840 : i32
    %dma_start3A_79 = tpu.memref_slice %arg3[%dma_start3A_77, %dma_start3A_78] : memref<13x10112xf32, #tpu.memory_space<hbm>> -> memref<13x1920xf32, #tpu.memory_space<hbm>>
    tpu.enqueue_dma source(%dma_start3A_79 : memref<13x1920xf32, #tpu.memory_space<hbm>>) target(%arg5 : memref<13x1920xf32, #tpu.memory_space<vmem>>) target_semaphore(%arg13 : memref<!tpu.dma_semaphore, #tpu.memory_space<semaphore_mem>>)
    %add3A_80 = arith.constant 0 : i32
    %add3A_81 = arith.addi %mul3A_2, %add3A_80 : i32
    %dma_start3A_82 = arith.constant 1920 : i32
    %dma_start3A_83 = tpu.memref_slice %arg4[%add3A_81, %dma_start3A_82] : memref<256x10000xf32, #tpu.memory_space<hbm>> -> memref<8x1920xf32, #tpu.memory_space<hbm>>
    %dma_start3A_84 = arith.constant 1920 : i32
    %dma_start3A_85 = tpu.memref_slice %arg4[%add3A_81, %dma_start3A_84] : memref<256x10000xf32, #tpu.memory_space<hbm>> -> memref<8x1920xf32, #tpu.memory_space<hbm>>
    tpu.enqueue_dma source(%arg9 : memref<8x1920xf32, #tpu.memory_space<vmem>>) target(%dma_start3A_85 : memref<8x1920xf32, #tpu.memory_space<hbm>>) target_semaphore(%arg17 : memref<!tpu.dma_semaphore, #tpu.memory_space<semaphore_mem>>)
    %add3A_86 = arith.constant 768 : i32
    %add3A_87 = arith.addi %add3A_86, %mul3A_2 : i32
    %add3A_88 = arith.constant 0 : i32
    %add3A_89 = arith.addi %add3A_87, %add3A_88 : i32
    %dma_start3A_90 = arith.constant 5760 : i32
    %dma_start3A_91 = tpu.memref_slice %arg2[%add3A_89, %dma_start3A_90] : memref<1024x10000xf32, #tpu.memory_space<hbm>> -> memref<8x1920xf32, #tpu.memory_space<hbm>>
    %dma_start3A_92 = arith.constant 5760 : i32
    %dma_start3A_93 = tpu.memref_slice %arg2[%add3A_89, %dma_start3A_92] : memref<1024x10000xf32, #tpu.memory_space<hbm>> -> memref<8x1920xf32, #tpu.memory_space<hbm>>
    tpu.enqueue_dma source(%dma_start3A_93 : memref<8x1920xf32, #tpu.memory_space<hbm>>) target(%arg7 : memref<8x1920xf32, #tpu.memory_space<vmem>>) target_semaphore(%arg15 : memref<!tpu.dma_semaphore, #tpu.memory_space<semaphore_mem>>)
    %dma_wait3A_94 = arith.constant 0 : i32
    %dma_wait3A_95 = arith.constant 3840 : i32
    %dma_wait3A_96 = tpu.memref_slice %arg3[%dma_wait3A_94, %dma_wait3A_95] : memref<13x10112xf32, #tpu.memory_space<hbm>> -> memref<13x1920xf32, #tpu.memory_space<hbm>>
    %dma_wait3A_97 = arith.constant 0 : i32
    %dma_wait3A_98 = arith.constant 3840 : i32
    %dma_wait3A_99 = tpu.memref_slice %arg3[%dma_wait3A_97, %dma_wait3A_98] : memref<13x10112xf32, #tpu.memory_space<hbm>> -> memref<13x1920xf32, #tpu.memory_space<hbm>>
    tpu.wait_dma2 semaphore(%arg13 : memref<!tpu.dma_semaphore, #tpu.memory_space<semaphore_mem>>) src(%dma_wait3A_99 : memref<13x1920xf32, #tpu.memory_space<hbm>>) dst(%arg5 : memref<13x1920xf32, #tpu.memory_space<vmem>>)
    %dma_wait3A_100 = arith.constant 3840 : i32
    %dma_wait3A_101 = tpu.memref_slice %arg2[%add3A_53, %dma_wait3A_100] : memref<1024x10000xf32, #tpu.memory_space<hbm>> -> memref<8x1920xf32, #tpu.memory_space<hbm>>
    %dma_wait3A_102 = arith.constant 3840 : i32
    %dma_wait3A_103 = tpu.memref_slice %arg2[%add3A_53, %dma_wait3A_102] : memref<1024x10000xf32, #tpu.memory_space<hbm>> -> memref<8x1920xf32, #tpu.memory_space<hbm>>
    tpu.wait_dma2 semaphore(%arg14 : memref<!tpu.dma_semaphore, #tpu.memory_space<semaphore_mem>>) src(%dma_wait3A_103 : memref<8x1920xf32, #tpu.memory_space<hbm>>) dst(%arg6 : memref<8x1920xf32, #tpu.memory_space<vmem>>)
    %dma_wait3A_104 = arith.constant 0 : i32
    %dma_wait3A_105 = tpu.memref_slice %arg4[%add3A_45, %dma_wait3A_104] : memref<256x10000xf32, #tpu.memory_space<hbm>> -> memref<8x1920xf32, #tpu.memory_space<hbm>>
    %dma_wait3A_106 = arith.constant 0 : i32
    %dma_wait3A_107 = tpu.memref_slice %arg4[%add3A_45, %dma_wait3A_106] : memref<256x10000xf32, #tpu.memory_space<hbm>> -> memref<8x1920xf32, #tpu.memory_space<hbm>>
    tpu.wait_dma2 semaphore(%arg16 : memref<!tpu.dma_semaphore, #tpu.memory_space<semaphore_mem>>) src(%arg8 : memref<8x1920xf32, #tpu.memory_space<vmem>>) dst(%dma_wait3A_107 : memref<8x1920xf32, #tpu.memory_space<hbm>>)
    %scan3A_108 = arith.constant 0 : i32
    %scan3A_109 = arith.constant 0 : i32
    %scan3A_110 = arith.constant 120 : i32
    %scan3A_111 = arith.addi %scan3A_109, %scan3A_110 : i32
    %scan3A_112 = arith.constant 1 : i32
    scf.for %scan3A_214 = %scan3A_109 to %scan3A_111 step %scan3A_112  : i32 {
      %mul3A_215 = arith.constant 16 : i32
      %mul3A_216 = arith.muli %scan3A_214, %mul3A_215 : i32
      %get3A = arith.constant 0 : i32
      %get3A_217 = arith.index_cast %get3A : i32 to index
      %get3A_218 = arith.index_cast %mul3A_216 : i32 to index
      %get3A_219 = tpu.vector_load %arg5[%get3A_217, %get3A_218] {strides = array<i32>} : memref<13x1920xf32, #tpu.memory_space<vmem>>, vector<1x16xf32>,
      %get3A_220 = vector.shape_cast %get3A_219 : vector<1x16xf32> to vector<16xf32>
      %get3A_221 = arith.constant 1 : i32
      %get3A_222 = arith.index_cast %get3A_221 : i32 to index
      %get3A_223 = arith.index_cast %mul3A_216 : i32 to index
      %get3A_224 = tpu.vector_load %arg5[%get3A_222, %get3A_223] {strides = array<i32>} : memref<13x1920xf32, #tpu.memory_space<vmem>>, vector<1x16xf32>,
      %get3A_225 = vector.shape_cast %get3A_224 : vector<1x16xf32> to vector<16xf32>
      %get3A_226 = arith.constant 2 : i32
      %get3A_227 = arith.index_cast %get3A_226 : i32 to index
      %get3A_228 = arith.index_cast %mul3A_216 : i32 to index
      %get3A_229 = tpu.vector_load %arg5[%get3A_227, %get3A_228] {strides = array<i32>} : memref<13x1920xf32, #tpu.memory_space<vmem>>, vector<1x16xf32>,
      %get3A_230 = vector.shape_cast %get3A_229 : vector<1x16xf32> to vector<16xf32>
      %get3A_231 = arith.constant 3 : i32
      %get3A_232 = arith.index_cast %get3A_231 : i32 to index
      %get3A_233 = arith.index_cast %mul3A_216 : i32 to index
      %get3A_234 = tpu.vector_load %arg5[%get3A_232, %get3A_233] {strides = array<i32>} : memref<13x1920xf32, #tpu.memory_space<vmem>>, vector<1x16xf32>,
      %get3A_235 = vector.shape_cast %get3A_234 : vector<1x16xf32> to vector<16xf32>
      %get3A_236 = arith.constant 4 : i32
      %get3A_237 = arith.index_cast %get3A_236 : i32 to index
      %get3A_238 = arith.index_cast %mul3A_216 : i32 to index
      %get3A_239 = tpu.vector_load %arg5[%get3A_237, %get3A_238] {strides = array<i32>} : memref<13x1920xf32, #tpu.memory_space<vmem>>, vector<1x16xf32>,
      %get3A_240 = vector.shape_cast %get3A_239 : vector<1x16xf32> to vector<16xf32>
      %get3A_241 = arith.constant 5 : i32
      %get3A_242 = arith.index_cast %get3A_241 : i32 to index
      %get3A_243 = arith.index_cast %mul3A_216 : i32 to index
      %get3A_244 = tpu.vector_load %arg5[%get3A_242, %get3A_243] {strides = array<i32>} : memref<13x1920xf32, #tpu.memory_space<vmem>>, vector<1x16xf32>,
      %get3A_245 = vector.shape_cast %get3A_244 : vector<1x16xf32> to vector<16xf32>
      %get3A_246 = arith.constant 6 : i32
      %get3A_247 = arith.index_cast %get3A_246 : i32 to index
      %get3A_248 = arith.index_cast %mul3A_216 : i32 to index
      %get3A_249 = tpu.vector_load %arg5[%get3A_247, %get3A_248] {strides = array<i32>} : memref<13x1920xf32, #tpu.memory_space<vmem>>, vector<1x16xf32>,
      %get3A_250 = vector.shape_cast %get3A_249 : vector<1x16xf32> to vector<16xf32>
      %get3A_251 = arith.constant 7 : i32
      %get3A_252 = arith.index_cast %get3A_251 : i32 to index
      %get3A_253 = arith.index_cast %mul3A_216 : i32 to index
      %get3A_254 = tpu.vector_load %arg5[%get3A_252, %get3A_253] {strides = array<i32>} : memref<13x1920xf32, #tpu.memory_space<vmem>>, vector<1x16xf32>,
      %get3A_255 = vector.shape_cast %get3A_254 : vector<1x16xf32> to vector<16xf32>
      %get3A_256 = arith.constant 8 : i32
      %get3A_257 = arith.index_cast %get3A_256 : i32 to index
      %get3A_258 = arith.index_cast %mul3A_216 : i32 to index
      %get3A_259 = tpu.vector_load %arg5[%get3A_257, %get3A_258] {strides = array<i32>} : memref<13x1920xf32, #tpu.memory_space<vmem>>, vector<1x16xf32>,
      %get3A_260 = vector.shape_cast %get3A_259 : vector<1x16xf32> to vector<16xf32>
      %get3A_261 = arith.constant 9 : i32
      %get3A_262 = arith.index_cast %get3A_261 : i32 to index
      %get3A_263 = arith.index_cast %mul3A_216 : i32 to index
      %get3A_264 = tpu.vector_load %arg5[%get3A_262, %get3A_263] {strides = array<i32>} : memref<13x1920xf32, #tpu.memory_space<vmem>>, vector<1x16xf32>,
      %get3A_265 = vector.shape_cast %get3A_264 : vector<1x16xf32> to vector<16xf32>
      %get3A_266 = arith.constant 10 : i32
      %get3A_267 = arith.index_cast %get3A_266 : i32 to index
      %get3A_268 = arith.index_cast %mul3A_216 : i32 to index
      %get3A_269 = tpu.vector_load %arg5[%get3A_267, %get3A_268] {strides = array<i32>} : memref<13x1920xf32, #tpu.memory_space<vmem>>, vector<1x16xf32>,
      %get3A_270 = vector.shape_cast %get3A_269 : vector<1x16xf32> to vector<16xf32>
      %get3A_271 = arith.constant 11 : i32
      %get3A_272 = arith.index_cast %get3A_271 : i32 to index
      %get3A_273 = arith.index_cast %mul3A_216 : i32 to index
      %get3A_274 = tpu.vector_load %arg5[%get3A_272, %get3A_273] {strides = array<i32>} : memref<13x1920xf32, #tpu.memory_space<vmem>>, vector<1x16xf32>,
      %get3A_275 = vector.shape_cast %get3A_274 : vector<1x16xf32> to vector<16xf32>
      %get3A_276 = arith.constant 12 : i32
      %get3A_277 = arith.index_cast %get3A_276 : i32 to index
      %get3A_278 = arith.index_cast %mul3A_216 : i32 to index
      %get3A_279 = tpu.vector_load %arg5[%get3A_277, %get3A_278] {strides = array<i32>} : memref<13x1920xf32, #tpu.memory_space<vmem>>, vector<1x16xf32>,
      %get3A_280 = vector.shape_cast %get3A_279 : vector<1x16xf32> to vector<16xf32>
      %get3A_281 = arith.constant 0 : i32
      %get3A_282 = arith.index_cast %get3A_281 : i32 to index
      %get3A_283 = arith.index_cast %mul3A_216 : i32 to index
      %get3A_284 = tpu.vector_load %arg6[%get3A_282, %get3A_283] {strides = array<i32>} : memref<8x1920xf32, #tpu.memory_space<vmem>>, vector<1x16xf32>,
      %get3A_285 = vector.shape_cast %get3A_284 : vector<1x16xf32> to vector<16xf32>
      %mul3A_286 = arith.mulf %get3A_285, %get3A_220 : vector<16xf32>
      %add3A_287 = arith.addf %mul3A_286, %get3A_240 : vector<16xf32>
      %max3A = arith.constant 0.000000e+00 : f32
      %max3A_288 = vector.broadcast %max3A : f32 to vector<16xf32>
      %max3A_289 = arith.maximumf %add3A_287, %max3A_288 : vector<16xf32>
      %mul3A_290 = arith.mulf %max3A_289, %get3A_260 : vector<16xf32>
      %add3A_291 = arith.addf %get3A_280, %mul3A_290 : vector<16xf32>
      %mul3A_292 = arith.mulf %get3A_285, %get3A_225 : vector<16xf32>
      %add3A_293 = arith.addf %mul3A_292, %get3A_245 : vector<16xf32>
      %max3A_294 = arith.constant 0.000000e+00 : f32
      %max3A_295 = vector.broadcast %max3A_294 : f32 to vector<16xf32>
      %max3A_296 = arith.maximumf %add3A_293, %max3A_295 : vector<16xf32>
      %mul3A_297 = arith.mulf %max3A_296, %get3A_265 : vector<16xf32>
      %add3A_298 = arith.addf %add3A_291, %mul3A_297 : vector<16xf32>
      %mul3A_299 = arith.mulf %get3A_285, %get3A_230 : vector<16xf32>
      %add3A_300 = arith.addf %mul3A_299, %get3A_250 : vector<16xf32>
      %max3A_301 = arith.constant 0.000000e+00 : f32
      %max3A_302 = vector.broadcast %max3A_301 : f32 to vector<16xf32>
      %max3A_303 = arith.maximumf %add3A_300, %max3A_302 : vector<16xf32>
      %mul3A_304 = arith.mulf %max3A_303, %get3A_270 : vector<16xf32>
      %add3A_305 = arith.addf %add3A_298, %mul3A_304 : vector<16xf32>
      %mul3A_306 = arith.mulf %get3A_285, %get3A_235 : vector<16xf32>
      %add3A_307 = arith.addf %mul3A_306, %get3A_255 : vector<16xf32>
      %max3A_308 = arith.constant 0.000000e+00 : f32
      %max3A_309 = vector.broadcast %max3A_308 : f32 to vector<16xf32>
      %max3A_310 = arith.maximumf %add3A_307, %max3A_309 : vector<16xf32>
      %mul3A_311 = arith.mulf %max3A_310, %get3A_275 : vector<16xf32>
      %add3A_312 = arith.addf %add3A_305, %mul3A_311 : vector<16xf32>
      %swap3A = arith.constant 0 : i32
      %swap3A_313 = arith.index_cast %swap3A : i32 to index
      %swap3A_314 = arith.index_cast %mul3A_216 : i32 to index
      %swap3A_315 = tpu.vector_load %arg8[%swap3A_313, %swap3A_314] {strides = array<i32>} : memref<8x1920xf32, #tpu.memory_space<vmem>>, vector<1x16xf32>,
      %swap3A_316 = vector.shape_cast %swap3A_315 : vector<1x16xf32> to vector<16xf32>
      %swap3A_317 = vector.shape_cast %add3A_312 : vector<16xf32> to vector<1x16xf32>
      tpu.vector_store %arg8[%swap3A_313, %swap3A_314], %swap3A_317 {strides = array<i32>} : memref<8x1920xf32, #tpu.memory_space<vmem>>, vector<1x16xf32>,
      %get3A_318 = arith.constant 1 : i32
      %get3A_319 = arith.index_cast %get3A_318 : i32 to index
      %get3A_320 = arith.index_cast %mul3A_216 : i32 to index
      %get3A_321 = tpu.vector_load %arg6[%get3A_319, %get3A_320] {strides = array<i32>} : memref<8x1920xf32, #tpu.memory_space<vmem>>, vector<1x16xf32>,
      %get3A_322 = vector.shape_cast %get3A_321 : vector<1x16xf32> to vector<16xf32>
      %mul3A_323 = arith.mulf %get3A_322, %get3A_220 : vector<16xf32>
      %add3A_324 = arith.addf %mul3A_323, %get3A_240 : vector<16xf32>
      %max3A_325 = arith.constant 0.000000e+00 : f32
      %max3A_326 = vector.broadcast %max3A_325 : f32 to vector<16xf32>
      %max3A_327 = arith.maximumf %add3A_324, %max3A_326 : vector<16xf32>
      %mul3A_328 = arith.mulf %max3A_327, %get3A_260 : vector<16xf32>
      %add3A_329 = arith.addf %get3A_280, %mul3A_328 : vector<16xf32>
      %mul3A_330 = arith.mulf %get3A_322, %get3A_225 : vector<16xf32>
      %add3A_331 = arith.addf %mul3A_330, %get3A_245 : vector<16xf32>
      %max3A_332 = arith.constant 0.000000e+00 : f32
      %max3A_333 = vector.broadcast %max3A_332 : f32 to vector<16xf32>
      %max3A_334 = arith.maximumf %add3A_331, %max3A_333 : vector<16xf32>
      %mul3A_335 = arith.mulf %max3A_334, %get3A_265 : vector<16xf32>
      %add3A_336 = arith.addf %add3A_329, %mul3A_335 : vector<16xf32>
      %mul3A_337 = arith.mulf %get3A_322, %get3A_230 : vector<16xf32>
      %add3A_338 = arith.addf %mul3A_337, %get3A_250 : vector<16xf32>
      %max3A_339 = arith.constant 0.000000e+00 : f32
      %max3A_340 = vector.broadcast %max3A_339 : f32 to vector<16xf32>
      %max3A_341 = arith.maximumf %add3A_338, %max3A_340 : vector<16xf32>
      %mul3A_342 = arith.mulf %max3A_341, %get3A_270 : vector<16xf32>
      %add3A_343 = arith.addf %add3A_336, %mul3A_342 : vector<16xf32>
      %mul3A_344 = arith.mulf %get3A_322, %get3A_235 : vector<16xf32>
      %add3A_345 = arith.addf %mul3A_344, %get3A_255 : vector<16xf32>
      %max3A_346 = arith.constant 0.000000e+00 : f32
      %max3A_347 = vector.broadcast %max3A_346 : f32 to vector<16xf32>
      %max3A_348 = arith.maximumf %add3A_345, %max3A_347 : vector<16xf32>
      %mul3A_349 = arith.mulf %max3A_348, %get3A_275 : vector<16xf32>
      %add3A_350 = arith.addf %add3A_343, %mul3A_349 : vector<16xf32>
      %swap3A_351 = arith.constant 1 : i32
      %swap3A_352 = arith.index_cast %swap3A_351 : i32 to index
      %swap3A_353 = arith.index_cast %mul3A_216 : i32 to index
      %swap3A_354 = tpu.vector_load %arg8[%swap3A_352, %swap3A_353] {strides = array<i32>} : memref<8x1920xf32, #tpu.memory_space<vmem>>, vector<1x16xf32>,
      %swap3A_355 = vector.shape_cast %swap3A_354 : vector<1x16xf32> to vector<16xf32>
      %swap3A_356 = vector.shape_cast %add3A_350 : vector<16xf32> to vector<1x16xf32>
      tpu.vector_store %arg8[%swap3A_352, %swap3A_353], %swap3A_356 {strides = array<i32>} : memref<8x1920xf32, #tpu.memory_space<vmem>>, vector<1x16xf32>,
      %get3A_357 = arith.constant 2 : i32
      %get3A_358 = arith.index_cast %get3A_357 : i32 to index
      %get3A_359 = arith.index_cast %mul3A_216 : i32 to index
      %get3A_360 = tpu.vector_load %arg6[%get3A_358, %get3A_359] {strides = array<i32>} : memref<8x1920xf32, #tpu.memory_space<vmem>>, vector<1x16xf32>,
      %get3A_361 = vector.shape_cast %get3A_360 : vector<1x16xf32> to vector<16xf32>
      %mul3A_362 = arith.mulf %get3A_361, %get3A_220 : vector<16xf32>
      %add3A_363 = arith.addf %mul3A_362, %get3A_240 : vector<16xf32>
      %max3A_364 = arith.constant 0.000000e+00 : f32
      %max3A_365 = vector.broadcast %max3A_364 : f32 to vector<16xf32>
      %max3A_366 = arith.maximumf %add3A_363, %max3A_365 : vector<16xf32>
      %mul3A_367 = arith.mulf %max3A_366, %get3A_260 : vector<16xf32>
      %add3A_368 = arith.addf %get3A_280, %mul3A_367 : vector<16xf32>
      %mul3A_369 = arith.mulf %get3A_361, %get3A_225 : vector<16xf32>
      %add3A_370 = arith.addf %mul3A_369, %get3A_245 : vector<16xf32>
      %max3A_371 = arith.constant 0.000000e+00 : f32
      %max3A_372 = vector.broadcast %max3A_371 : f32 to vector<16xf32>
      %max3A_373 = arith.maximumf %add3A_370, %max3A_372 : vector<16xf32>
      %mul3A_374 = arith.mulf %max3A_373, %get3A_265 : vector<16xf32>
      %add3A_375 = arith.addf %add3A_368, %mul3A_374 : vector<16xf32>
      %mul3A_376 = arith.mulf %get3A_361, %get3A_230 : vector<16xf32>
      %add3A_377 = arith.addf %mul3A_376, %get3A_250 : vector<16xf32>
      %max3A_378 = arith.constant 0.000000e+00 : f32
      %max3A_379 = vector.broadcast %max3A_378 : f32 to vector<16xf32>
      %max3A_380 = arith.maximumf %add3A_377, %max3A_379 : vector<16xf32>
      %mul3A_381 = arith.mulf %max3A_380, %get3A_270 : vector<16xf32>
      %add3A_382 = arith.addf %add3A_375, %mul3A_381 : vector<16xf32>
      %mul3A_383 = arith.mulf %get3A_361, %get3A_235 : vector<16xf32>
      %add3A_384 = arith.addf %mul3A_383, %get3A_255 : vector<16xf32>
      %max3A_385 = arith.constant 0.000000e+00 : f32
      %max3A_386 = vector.broadcast %max3A_385 : f32 to vector<16xf32>
      %max3A_387 = arith.maximumf %add3A_384, %max3A_386 : vector<16xf32>
      %mul3A_388 = arith.mulf %max3A_387, %get3A_275 : vector<16xf32>
      %add3A_389 = arith.addf %add3A_382, %mul3A_388 : vector<16xf32>
      %swap3A_390 = arith.constant 2 : i32
      %swap3A_391 = arith.index_cast %swap3A_390 : i32 to index
      %swap3A_392 = arith.index_cast %mul3A_216 : i32 to index
      %swap3A_393 = tpu.vector_load %arg8[%swap3A_391, %swap3A_392] {strides = array<i32>} : memref<8x1920xf32, #tpu.memory_space<vmem>>, vector<1x16xf32>,
      %swap3A_394 = vector.shape_cast %swap3A_393 : vector<1x16xf32> to vector<16xf32>
      %swap3A_395 = vector.shape_cast %add3A_389 : vector<16xf32> to vector<1x16xf32>
      tpu.vector_store %arg8[%swap3A_391, %swap3A_392], %swap3A_395 {strides = array<i32>} : memref<8x1920xf32, #tpu.memory_space<vmem>>, vector<1x16xf32>,
      %get3A_396 = arith.constant 3 : i32
      %get3A_397 = arith.index_cast %get3A_396 : i32 to index
      %get3A_398 = arith.index_cast %mul3A_216 : i32 to index
      %get3A_399 = tpu.vector_load %arg6[%get3A_397, %get3A_398] {strides = array<i32>} : memref<8x1920xf32, #tpu.memory_space<vmem>>, vector<1x16xf32>,
      %get3A_400 = vector.shape_cast %get3A_399 : vector<1x16xf32> to vector<16xf32>
      %mul3A_401 = arith.mulf %get3A_400, %get3A_220 : vector<16xf32>
      %add3A_402 = arith.addf %mul3A_401, %get3A_240 : vector<16xf32>
      %max3A_403 = arith.constant 0.000000e+00 : f32
      %max3A_404 = vector.broadcast %max3A_403 : f32 to vector<16xf32>
      %max3A_405 = arith.maximumf %add3A_402, %max3A_404 : vector<16xf32>
      %mul3A_406 = arith.mulf %max3A_405, %get3A_260 : vector<16xf32>
      %add3A_407 = arith.addf %get3A_280, %mul3A_406 : vector<16xf32>
      %mul3A_408 = arith.mulf %get3A_400, %get3A_225 : vector<16xf32>
      %add3A_409 = arith.addf %mul3A_408, %get3A_245 : vector<16xf32>
      %max3A_410 = arith.constant 0.000000e+00 : f32
      %max3A_411 = vector.broadcast %max3A_410 : f32 to vector<16xf32>
      %max3A_412 = arith.maximumf %add3A_409, %max3A_411 : vector<16xf32>
      %mul3A_413 = arith.mulf %max3A_412, %get3A_265 : vector<16xf32>
      %add3A_414 = arith.addf %add3A_407, %mul3A_413 : vector<16xf32>
      %mul3A_415 = arith.mulf %get3A_400, %get3A_230 : vector<16xf32>
      %add3A_416 = arith.addf %mul3A_415, %get3A_250 : vector<16xf32>
      %max3A_417 = arith.constant 0.000000e+00 : f32
      %max3A_418 = vector.broadcast %max3A_417 : f32 to vector<16xf32>
      %max3A_419 = arith.maximumf %add3A_416, %max3A_418 : vector<16xf32>
      %mul3A_420 = arith.mulf %max3A_419, %get3A_270 : vector<16xf32>
      %add3A_421 = arith.addf %add3A_414, %mul3A_420 : vector<16xf32>
      %mul3A_422 = arith.mulf %get3A_400, %get3A_235 : vector<16xf32>
      %add3A_423 = arith.addf %mul3A_422, %get3A_255 : vector<16xf32>
      %max3A_424 = arith.constant 0.000000e+00 : f32
      %max3A_425 = vector.broadcast %max3A_424 : f32 to vector<16xf32>
      %max3A_426 = arith.maximumf %add3A_423, %max3A_425 : vector<16xf32>
      %mul3A_427 = arith.mulf %max3A_426, %get3A_275 : vector<16xf32>
      %add3A_428 = arith.addf %add3A_421, %mul3A_427 : vector<16xf32>
      %swap3A_429 = arith.constant 3 : i32
      %swap3A_430 = arith.index_cast %swap3A_429 : i32 to index
      %swap3A_431 = arith.index_cast %mul3A_216 : i32 to index
      %swap3A_432 = tpu.vector_load %arg8[%swap3A_430, %swap3A_431] {strides = array<i32>} : memref<8x1920xf32, #tpu.memory_space<vmem>>, vector<1x16xf32>,
      %swap3A_433 = vector.shape_cast %swap3A_432 : vector<1x16xf32> to vector<16xf32>
      %swap3A_434 = vector.shape_cast %add3A_428 : vector<16xf32> to vector<1x16xf32>
      tpu.vector_store %arg8[%swap3A_430, %swap3A_431], %swap3A_434 {strides = array<i32>} : memref<8x1920xf32, #tpu.memory_space<vmem>>, vector<1x16xf32>,
      %get3A_435 = arith.constant 4 : i32
      %get3A_436 = arith.index_cast %get3A_435 : i32 to index
      %get3A_437 = arith.index_cast %mul3A_216 : i32 to index
      %get3A_438 = tpu.vector_load %arg6[%get3A_436, %get3A_437] {strides = array<i32>} : memref<8x1920xf32, #tpu.memory_space<vmem>>, vector<1x16xf32>,
      %get3A_439 = vector.shape_cast %get3A_438 : vector<1x16xf32> to vector<16xf32>
      %mul3A_440 = arith.mulf %get3A_439, %get3A_220 : vector<16xf32>
      %add3A_441 = arith.addf %mul3A_440, %get3A_240 : vector<16xf32>
      %max3A_442 = arith.constant 0.000000e+00 : f32
      %max3A_443 = vector.broadcast %max3A_442 : f32 to vector<16xf32>
      %max3A_444 = arith.maximumf %add3A_441, %max3A_443 : vector<16xf32>
      %mul3A_445 = arith.mulf %max3A_444, %get3A_260 : vector<16xf32>
      %add3A_446 = arith.addf %get3A_280, %mul3A_445 : vector<16xf32>
      %mul3A_447 = arith.mulf %get3A_439, %get3A_225 : vector<16xf32>
      %add3A_448 = arith.addf %mul3A_447, %get3A_245 : vector<16xf32>
      %max3A_449 = arith.constant 0.000000e+00 : f32
      %max3A_450 = vector.broadcast %max3A_449 : f32 to vector<16xf32>
      %max3A_451 = arith.maximumf %add3A_448, %max3A_450 : vector<16xf32>
      %mul3A_452 = arith.mulf %max3A_451, %get3A_265 : vector<16xf32>
      %add3A_453 = arith.addf %add3A_446, %mul3A_452 : vector<16xf32>
      %mul3A_454 = arith.mulf %get3A_439, %get3A_230 : vector<16xf32>
      %add3A_455 = arith.addf %mul3A_454, %get3A_250 : vector<16xf32>
      %max3A_456 = arith.constant 0.000000e+00 : f32
      %max3A_457 = vector.broadcast %max3A_456 : f32 to vector<16xf32>
      %max3A_458 = arith.maximumf %add3A_455, %max3A_457 : vector<16xf32>
      %mul3A_459 = arith.mulf %max3A_458, %get3A_270 : vector<16xf32>
      %add3A_460 = arith.addf %add3A_453, %mul3A_459 : vector<16xf32>
      %mul3A_461 = arith.mulf %get3A_439, %get3A_235 : vector<16xf32>
      %add3A_462 = arith.addf %mul3A_461, %get3A_255 : vector<16xf32>
      %max3A_463 = arith.constant 0.000000e+00 : f32
      %max3A_464 = vector.broadcast %max3A_463 : f32 to vector<16xf32>
      %max3A_465 = arith.maximumf %add3A_462, %max3A_464 : vector<16xf32>
      %mul3A_466 = arith.mulf %max3A_465, %get3A_275 : vector<16xf32>
      %add3A_467 = arith.addf %add3A_460, %mul3A_466 : vector<16xf32>
      %swap3A_468 = arith.constant 4 : i32
      %swap3A_469 = arith.index_cast %swap3A_468 : i32 to index
      %swap3A_470 = arith.index_cast %mul3A_216 : i32 to index
      %swap3A_471 = tpu.vector_load %arg8[%swap3A_469, %swap3A_470] {strides = array<i32>} : memref<8x1920xf32, #tpu.memory_space<vmem>>, vector<1x16xf32>,
      %swap3A_472 = vector.shape_cast %swap3A_471 : vector<1x16xf32> to vector<16xf32>
      %swap3A_473 = vector.shape_cast %add3A_467 : vector<16xf32> to vector<1x16xf32>
      tpu.vector_store %arg8[%swap3A_469, %swap3A_470], %swap3A_473 {strides = array<i32>} : memref<8x1920xf32, #tpu.memory_space<vmem>>, vector<1x16xf32>,
      %get3A_474 = arith.constant 5 : i32
      %get3A_475 = arith.index_cast %get3A_474 : i32 to index
      %get3A_476 = arith.index_cast %mul3A_216 : i32 to index
      %get3A_477 = tpu.vector_load %arg6[%get3A_475, %get3A_476] {strides = array<i32>} : memref<8x1920xf32, #tpu.memory_space<vmem>>, vector<1x16xf32>,
      %get3A_478 = vector.shape_cast %get3A_477 : vector<1x16xf32> to vector<16xf32>
      %mul3A_479 = arith.mulf %get3A_478, %get3A_220 : vector<16xf32>
      %add3A_480 = arith.addf %mul3A_479, %get3A_240 : vector<16xf32>
      %max3A_481 = arith.constant 0.000000e+00 : f32
      %max3A_482 = vector.broadcast %max3A_481 : f32 to vector<16xf32>
      %max3A_483 = arith.maximumf %add3A_480, %max3A_482 : vector<16xf32>
      %mul3A_484 = arith.mulf %max3A_483, %get3A_260 : vector<16xf32>
      %add3A_485 = arith.addf %get3A_280, %mul3A_484 : vector<16xf32>
      %mul3A_486 = arith.mulf %get3A_478, %get3A_225 : vector<16xf32>
      %add3A_487 = arith.addf %mul3A_486, %get3A_245 : vector<16xf32>
      %max3A_488 = arith.constant 0.000000e+00 : f32
      %max3A_489 = vector.broadcast %max3A_488 : f32 to vector<16xf32>
      %max3A_490 = arith.maximumf %add3A_487, %max3A_489 : vector<16xf32>
      %mul3A_491 = arith.mulf %max3A_490, %get3A_265 : vector<16xf32>
      %add3A_492 = arith.addf %add3A_485, %mul3A_491 : vector<16xf32>
      %mul3A_493 = arith.mulf %get3A_478, %get3A_230 : vector<16xf32>
      %add3A_494 = arith.addf %mul3A_493, %get3A_250 : vector<16xf32>
      %max3A_495 = arith.constant 0.000000e+00 : f32
      %max3A_496 = vector.broadcast %max3A_495 : f32 to vector<16xf32>
      %max3A_497 = arith.maximumf %add3A_494, %max3A_496 : vector<16xf32>
      %mul3A_498 = arith.mulf %max3A_497, %get3A_270 : vector<16xf32>
      %add3A_499 = arith.addf %add3A_492, %mul3A_498 : vector<16xf32>
      %mul3A_500 = arith.mulf %get3A_478, %get3A_235 : vector<16xf32>
      %add3A_501 = arith.addf %mul3A_500, %get3A_255 : vector<16xf32>
      %max3A_502 = arith.constant 0.000000e+00 : f32
      %max3A_503 = vector.broadcast %max3A_502 : f32 to vector<16xf32>
      %max3A_504 = arith.maximumf %add3A_501, %max3A_503 : vector<16xf32>
      %mul3A_505 = arith.mulf %max3A_504, %get3A_275 : vector<16xf32>
      %add3A_506 = arith.addf %add3A_499, %mul3A_505 : vector<16xf32>
      %swap3A_507 = arith.constant 5 : i32
      %swap3A_508 = arith.index_cast %swap3A_507 : i32 to index
      %swap3A_509 = arith.index_cast %mul3A_216 : i32 to index
      %swap3A_510 = tpu.vector_load %arg8[%swap3A_508, %swap3A_509] {strides = array<i32>} : memref<8x1920xf32, #tpu.memory_space<vmem>>, vector<1x16xf32>,
      %swap3A_511 = vector.shape_cast %swap3A_510 : vector<1x16xf32> to vector<16xf32>
      %swap3A_512 = vector.shape_cast %add3A_506 : vector<16xf32> to vector<1x16xf32>
      tpu.vector_store %arg8[%swap3A_508, %swap3A_509], %swap3A_512 {strides = array<i32>} : memref<8x1920xf32, #tpu.memory_space<vmem>>, vector<1x16xf32>,
      %get3A_513 = arith.constant 6 : i32
      %get3A_514 = arith.index_cast %get3A_513 : i32 to index
      %get3A_515 = arith.index_cast %mul3A_216 : i32 to index
      %get3A_516 = tpu.vector_load %arg6[%get3A_514, %get3A_515] {strides = array<i32>} : memref<8x1920xf32, #tpu.memory_space<vmem>>, vector<1x16xf32>,
      %get3A_517 = vector.shape_cast %get3A_516 : vector<1x16xf32> to vector<16xf32>
      %mul3A_518 = arith.mulf %get3A_517, %get3A_220 : vector<16xf32>
      %add3A_519 = arith.addf %mul3A_518, %get3A_240 : vector<16xf32>
      %max3A_520 = arith.constant 0.000000e+00 : f32
      %max3A_521 = vector.broadcast %max3A_520 : f32 to vector<16xf32>
      %max3A_522 = arith.maximumf %add3A_519, %max3A_521 : vector<16xf32>
      %mul3A_523 = arith.mulf %max3A_522, %get3A_260 : vector<16xf32>
      %add3A_524 = arith.addf %get3A_280, %mul3A_523 : vector<16xf32>
      %mul3A_525 = arith.mulf %get3A_517, %get3A_225 : vector<16xf32>
      %add3A_526 = arith.addf %mul3A_525, %get3A_245 : vector<16xf32>
      %max3A_527 = arith.constant 0.000000e+00 : f32
      %max3A_528 = vector.broadcast %max3A_527 : f32 to vector<16xf32>
      %max3A_529 = arith.maximumf %add3A_526, %max3A_528 : vector<16xf32>
      %mul3A_530 = arith.mulf %max3A_529, %get3A_265 : vector<16xf32>
      %add3A_531 = arith.addf %add3A_524, %mul3A_530 : vector<16xf32>
      %mul3A_532 = arith.mulf %get3A_517, %get3A_230 : vector<16xf32>
      %add3A_533 = arith.addf %mul3A_532, %get3A_250 : vector<16xf32>
      %max3A_534 = arith.constant 0.000000e+00 : f32
      %max3A_535 = vector.broadcast %max3A_534 : f32 to vector<16xf32>
      %max3A_536 = arith.maximumf %add3A_533, %max3A_535 : vector<16xf32>
      %mul3A_537 = arith.mulf %max3A_536, %get3A_270 : vector<16xf32>
      %add3A_538 = arith.addf %add3A_531, %mul3A_537 : vector<16xf32>
      %mul3A_539 = arith.mulf %get3A_517, %get3A_235 : vector<16xf32>
      %add3A_540 = arith.addf %mul3A_539, %get3A_255 : vector<16xf32>
      %max3A_541 = arith.constant 0.000000e+00 : f32
      %max3A_542 = vector.broadcast %max3A_541 : f32 to vector<16xf32>
      %max3A_543 = arith.maximumf %add3A_540, %max3A_542 : vector<16xf32>
      %mul3A_544 = arith.mulf %max3A_543, %get3A_275 : vector<16xf32>
      %add3A_545 = arith.addf %add3A_538, %mul3A_544 : vector<16xf32>
      %swap3A_546 = arith.constant 6 : i32
      %swap3A_547 = arith.index_cast %swap3A_546 : i32 to index
      %swap3A_548 = arith.index_cast %mul3A_216 : i32 to index
      %swap3A_549 = tpu.vector_load %arg8[%swap3A_547, %swap3A_548] {strides = array<i32>} : memref<8x1920xf32, #tpu.memory_space<vmem>>, vector<1x16xf32>,
      %swap3A_550 = vector.shape_cast %swap3A_549 : vector<1x16xf32> to vector<16xf32>
      %swap3A_551 = vector.shape_cast %add3A_545 : vector<16xf32> to vector<1x16xf32>
      tpu.vector_store %arg8[%swap3A_547, %swap3A_548], %swap3A_551 {strides = array<i32>} : memref<8x1920xf32, #tpu.memory_space<vmem>>, vector<1x16xf32>,
      %get3A_552 = arith.constant 7 : i32
      %get3A_553 = arith.index_cast %get3A_552 : i32 to index
      %get3A_554 = arith.index_cast %mul3A_216 : i32 to index
      %get3A_555 = tpu.vector_load %arg6[%get3A_553, %get3A_554] {strides = array<i32>} : memref<8x1920xf32, #tpu.memory_space<vmem>>, vector<1x16xf32>,
      %get3A_556 = vector.shape_cast %get3A_555 : vector<1x16xf32> to vector<16xf32>
      %mul3A_557 = arith.mulf %get3A_556, %get3A_220 : vector<16xf32>
      %add3A_558 = arith.addf %mul3A_557, %get3A_240 : vector<16xf32>
      %max3A_559 = arith.constant 0.000000e+00 : f32
      %max3A_560 = vector.broadcast %max3A_559 : f32 to vector<16xf32>
      %max3A_561 = arith.maximumf %add3A_558, %max3A_560 : vector<16xf32>
      %mul3A_562 = arith.mulf %max3A_561, %get3A_260 : vector<16xf32>
      %add3A_563 = arith.addf %get3A_280, %mul3A_562 : vector<16xf32>
      %mul3A_564 = arith.mulf %get3A_556, %get3A_225 : vector<16xf32>
      %add3A_565 = arith.addf %mul3A_564, %get3A_245 : vector<16xf32>
      %max3A_566 = arith.constant 0.000000e+00 : f32
      %max3A_567 = vector.broadcast %max3A_566 : f32 to vector<16xf32>
      %max3A_568 = arith.maximumf %add3A_565, %max3A_567 : vector<16xf32>
      %mul3A_569 = arith.mulf %max3A_568, %get3A_265 : vector<16xf32>
      %add3A_570 = arith.addf %add3A_563, %mul3A_569 : vector<16xf32>
      %mul3A_571 = arith.mulf %get3A_556, %get3A_230 : vector<16xf32>
      %add3A_572 = arith.addf %mul3A_571, %get3A_250 : vector<16xf32>
      %max3A_573 = arith.constant 0.000000e+00 : f32
      %max3A_574 = vector.broadcast %max3A_573 : f32 to vector<16xf32>
      %max3A_575 = arith.maximumf %add3A_572, %max3A_574 : vector<16xf32>
      %mul3A_576 = arith.mulf %max3A_575, %get3A_270 : vector<16xf32>
      %add3A_577 = arith.addf %add3A_570, %mul3A_576 : vector<16xf32>
      %mul3A_578 = arith.mulf %get3A_556, %get3A_235 : vector<16xf32>
      %add3A_579 = arith.addf %mul3A_578, %get3A_255 : vector<16xf32>
      %max3A_580 = arith.constant 0.000000e+00 : f32
      %max3A_581 = vector.broadcast %max3A_580 : f32 to vector<16xf32>
      %max3A_582 = arith.maximumf %add3A_579, %max3A_581 : vector<16xf32>
      %mul3A_583 = arith.mulf %max3A_582, %get3A_275 : vector<16xf32>
      %add3A_584 = arith.addf %add3A_577, %mul3A_583 : vector<16xf32>
      %swap3A_585 = arith.constant 7 : i32
      %swap3A_586 = arith.index_cast %swap3A_585 : i32 to index
      %swap3A_587 = arith.index_cast %mul3A_216 : i32 to index
      %swap3A_588 = tpu.vector_load %arg8[%swap3A_586, %swap3A_587] {strides = array<i32>} : memref<8x1920xf32, #tpu.memory_space<vmem>>, vector<1x16xf32>,
      %swap3A_589 = vector.shape_cast %swap3A_588 : vector<1x16xf32> to vector<16xf32>
      %swap3A_590 = vector.shape_cast %add3A_584 : vector<16xf32> to vector<1x16xf32>
      tpu.vector_store %arg8[%swap3A_586, %swap3A_587], %swap3A_590 {strides = array<i32>} : memref<8x1920xf32, #tpu.memory_space<vmem>>, vector<1x16xf32>,
    }
    %scan3A_113 = arith.constant 120 : i32
    %dma_start3A_114 = arith.constant 0 : i32
    %dma_start3A_115 = arith.constant 5760 : i32
    %dma_start3A_116 = tpu.memref_slice %arg3[%dma_start3A_114, %dma_start3A_115] : memref<13x10112xf32, #tpu.memory_space<hbm>> -> memref<13x1920xf32, #tpu.memory_space<hbm>>
    %dma_start3A_117 = arith.constant 0 : i32
    %dma_start3A_118 = arith.constant 5760 : i32
    %dma_start3A_119 = tpu.memref_slice %arg3[%dma_start3A_117, %dma_start3A_118] : memref<13x10112xf32, #tpu.memory_space<hbm>> -> memref<13x1920xf32, #tpu.memory_space<hbm>>
    tpu.enqueue_dma source(%dma_start3A_119 : memref<13x1920xf32, #tpu.memory_space<hbm>>) target(%arg5 : memref<13x1920xf32, #tpu.memory_space<vmem>>) target_semaphore(%arg13 : memref<!tpu.dma_semaphore, #tpu.memory_space<semaphore_mem>>)
    %add3A_120 = arith.constant 0 : i32
    %add3A_121 = arith.addi %mul3A_2, %add3A_120 : i32
    %dma_start3A_122 = arith.constant 3840 : i32
    %dma_start3A_123 = tpu.memref_slice %arg4[%add3A_121, %dma_start3A_122] : memref<256x10000xf32, #tpu.memory_space<hbm>> -> memref<8x1920xf32, #tpu.memory_space<hbm>>
    %dma_start3A_124 = arith.constant 3840 : i32
    %dma_start3A_125 = tpu.memref_slice %arg4[%add3A_121, %dma_start3A_124] : memref<256x10000xf32, #tpu.memory_space<hbm>> -> memref<8x1920xf32, #tpu.memory_space<hbm>>
    tpu.enqueue_dma source(%arg8 : memref<8x1920xf32, #tpu.memory_space<vmem>>) target(%dma_start3A_125 : memref<8x1920xf32, #tpu.memory_space<hbm>>) target_semaphore(%arg16 : memref<!tpu.dma_semaphore, #tpu.memory_space<semaphore_mem>>)
    %add3A_126 = arith.constant 768 : i32
    %add3A_127 = arith.addi %add3A_126, %mul3A_2 : i32
    %add3A_128 = arith.constant 0 : i32
    %add3A_129 = arith.addi %add3A_127, %add3A_128 : i32
    %dma_start3A_130 = arith.constant 7680 : i32
    %dma_start3A_131 = tpu.memref_slice %arg2[%add3A_129, %dma_start3A_130] : memref<1024x10000xf32, #tpu.memory_space<hbm>> -> memref<8x1920xf32, #tpu.memory_space<hbm>>
    %dma_start3A_132 = arith.constant 7680 : i32
    %dma_start3A_133 = tpu.memref_slice %arg2[%add3A_129, %dma_start3A_132] : memref<1024x10000xf32, #tpu.memory_space<hbm>> -> memref<8x1920xf32, #tpu.memory_space<hbm>>
    tpu.enqueue_dma source(%dma_start3A_133 : memref<8x1920xf32, #tpu.memory_space<hbm>>) target(%arg6 : memref<8x1920xf32, #tpu.memory_space<vmem>>) target_semaphore(%arg14 : memref<!tpu.dma_semaphore, #tpu.memory_space<semaphore_mem>>)
    %dma_wait3A_134 = arith.constant 0 : i32
    %dma_wait3A_135 = arith.constant 5760 : i32
    %dma_wait3A_136 = tpu.memref_slice %arg3[%dma_wait3A_134, %dma_wait3A_135] : memref<13x10112xf32, #tpu.memory_space<hbm>> -> memref<13x1920xf32, #tpu.memory_space<hbm>>
    %dma_wait3A_137 = arith.constant 0 : i32
    %dma_wait3A_138 = arith.constant 5760 : i32
    %dma_wait3A_139 = tpu.memref_slice %arg3[%dma_wait3A_137, %dma_wait3A_138] : memref<13x10112xf32, #tpu.memory_space<hbm>> -> memref<13x1920xf32, #tpu.memory_space<hbm>>
    tpu.wait_dma2 semaphore(%arg13 : memref<!tpu.dma_semaphore, #tpu.memory_space<semaphore_mem>>) src(%dma_wait3A_139 : memref<13x1920xf32, #tpu.memory_space<hbm>>) dst(%arg5 : memref<13x1920xf32, #tpu.memory_space<vmem>>)
    %dma_wait3A_140 = arith.constant 5760 : i32
    %dma_wait3A_141 = tpu.memref_slice %arg2[%add3A_89, %dma_wait3A_140] : memref<1024x10000xf32, #tpu.memory_space<hbm>> -> memref<8x1920xf32, #tpu.memory_space<hbm>>
    %dma_wait3A_142 = arith.constant 5760 : i32
    %dma_wait3A_143 = tpu.memref_slice %arg2[%add3A_89, %dma_wait3A_142] : memref<1024x10000xf32, #tpu.memory_space<hbm>> -> memref<8x1920xf32, #tpu.memory_space<hbm>>
    tpu.wait_dma2 semaphore(%arg15 : memref<!tpu.dma_semaphore, #tpu.memory_space<semaphore_mem>>) src(%dma_wait3A_143 : memref<8x1920xf32, #tpu.memory_space<hbm>>) dst(%arg7 : memref<8x1920xf32, #tpu.memory_space<vmem>>)
    %dma_wait3A_144 = arith.constant 1920 : i32
    %dma_wait3A_145 = tpu.memref_slice %arg4[%add3A_81, %dma_wait3A_144] : memref<256x10000xf32, #tpu.memory_space<hbm>> -> memref<8x1920xf32, #tpu.memory_space<hbm>>
    %dma_wait3A_146 = arith.constant 1920 : i32
    %dma_wait3A_147 = tpu.memref_slice %arg4[%add3A_81, %dma_wait3A_146] : memref<256x10000xf32, #tpu.memory_space<hbm>> -> memref<8x1920xf32, #tpu.memory_space<hbm>>
    tpu.wait_dma2 semaphore(%arg17 : memref<!tpu.dma_semaphore, #tpu.memory_space<semaphore_mem>>) src(%arg9 : memref<8x1920xf32, #tpu.memory_space<vmem>>) dst(%dma_wait3A_147 : memref<8x1920xf32, #tpu.memory_space<hbm>>)
    %scan3A_148 = arith.constant 0 : i32
    %scan3A_149 = arith.constant 0 : i32
    %scan3A_150 = arith.constant 120 : i32
    %scan3A_151 = arith.addi %scan3A_149, %scan3A_150 : i32
    %scan3A_152 = arith.constant 1 : i32
    scf.for %scan3A_214 = %scan3A_149 to %scan3A_151 step %scan3A_152  : i32 {
      %mul3A_215 = arith.constant 16 : i32
      %mul3A_216 = arith.muli %scan3A_214, %mul3A_215 : i32
      %get3A = arith.constant 0 : i32
      %get3A_217 = arith.index_cast %get3A : i32 to index
      %get3A_218 = arith.index_cast %mul3A_216 : i32 to index
      %get3A_219 = tpu.vector_load %arg5[%get3A_217, %get3A_218] {strides = array<i32>} : memref<13x1920xf32, #tpu.memory_space<vmem>>, vector<1x16xf32>,
      %get3A_220 = vector.shape_cast %get3A_219 : vector<1x16xf32> to vector<16xf32>
      %get3A_221 = arith.constant 1 : i32
      %get3A_222 = arith.index_cast %get3A_221 : i32 to index
      %get3A_223 = arith.index_cast %mul3A_216 : i32 to index
      %get3A_224 = tpu.vector_load %arg5[%get3A_222, %get3A_223] {strides = array<i32>} : memref<13x1920xf32, #tpu.memory_space<vmem>>, vector<1x16xf32>,
      %get3A_225 = vector.shape_cast %get3A_224 : vector<1x16xf32> to vector<16xf32>
      %get3A_226 = arith.constant 2 : i32
      %get3A_227 = arith.index_cast %get3A_226 : i32 to index
      %get3A_228 = arith.index_cast %mul3A_216 : i32 to index
      %get3A_229 = tpu.vector_load %arg5[%get3A_227, %get3A_228] {strides = array<i32>} : memref<13x1920xf32, #tpu.memory_space<vmem>>, vector<1x16xf32>,
      %get3A_230 = vector.shape_cast %get3A_229 : vector<1x16xf32> to vector<16xf32>
      %get3A_231 = arith.constant 3 : i32
      %get3A_232 = arith.index_cast %get3A_231 : i32 to index
      %get3A_233 = arith.index_cast %mul3A_216 : i32 to index
      %get3A_234 = tpu.vector_load %arg5[%get3A_232, %get3A_233] {strides = array<i32>} : memref<13x1920xf32, #tpu.memory_space<vmem>>, vector<1x16xf32>,
      %get3A_235 = vector.shape_cast %get3A_234 : vector<1x16xf32> to vector<16xf32>
      %get3A_236 = arith.constant 4 : i32
      %get3A_237 = arith.index_cast %get3A_236 : i32 to index
      %get3A_238 = arith.index_cast %mul3A_216 : i32 to index
      %get3A_239 = tpu.vector_load %arg5[%get3A_237, %get3A_238] {strides = array<i32>} : memref<13x1920xf32, #tpu.memory_space<vmem>>, vector<1x16xf32>,
      %get3A_240 = vector.shape_cast %get3A_239 : vector<1x16xf32> to vector<16xf32>
      %get3A_241 = arith.constant 5 : i32
      %get3A_242 = arith.index_cast %get3A_241 : i32 to index
      %get3A_243 = arith.index_cast %mul3A_216 : i32 to index
      %get3A_244 = tpu.vector_load %arg5[%get3A_242, %get3A_243] {strides = array<i32>} : memref<13x1920xf32, #tpu.memory_space<vmem>>, vector<1x16xf32>,
      %get3A_245 = vector.shape_cast %get3A_244 : vector<1x16xf32> to vector<16xf32>
      %get3A_246 = arith.constant 6 : i32
      %get3A_247 = arith.index_cast %get3A_246 : i32 to index
      %get3A_248 = arith.index_cast %mul3A_216 : i32 to index
      %get3A_249 = tpu.vector_load %arg5[%get3A_247, %get3A_248] {strides = array<i32>} : memref<13x1920xf32, #tpu.memory_space<vmem>>, vector<1x16xf32>,
      %get3A_250 = vector.shape_cast %get3A_249 : vector<1x16xf32> to vector<16xf32>
      %get3A_251 = arith.constant 7 : i32
      %get3A_252 = arith.index_cast %get3A_251 : i32 to index
      %get3A_253 = arith.index_cast %mul3A_216 : i32 to index
      %get3A_254 = tpu.vector_load %arg5[%get3A_252, %get3A_253] {strides = array<i32>} : memref<13x1920xf32, #tpu.memory_space<vmem>>, vector<1x16xf32>,
      %get3A_255 = vector.shape_cast %get3A_254 : vector<1x16xf32> to vector<16xf32>
      %get3A_256 = arith.constant 8 : i32
      %get3A_257 = arith.index_cast %get3A_256 : i32 to index
      %get3A_258 = arith.index_cast %mul3A_216 : i32 to index
      %get3A_259 = tpu.vector_load %arg5[%get3A_257, %get3A_258] {strides = array<i32>} : memref<13x1920xf32, #tpu.memory_space<vmem>>, vector<1x16xf32>,
      %get3A_260 = vector.shape_cast %get3A_259 : vector<1x16xf32> to vector<16xf32>
      %get3A_261 = arith.constant 9 : i32
      %get3A_262 = arith.index_cast %get3A_261 : i32 to index
      %get3A_263 = arith.index_cast %mul3A_216 : i32 to index
      %get3A_264 = tpu.vector_load %arg5[%get3A_262, %get3A_263] {strides = array<i32>} : memref<13x1920xf32, #tpu.memory_space<vmem>>, vector<1x16xf32>,
      %get3A_265 = vector.shape_cast %get3A_264 : vector<1x16xf32> to vector<16xf32>
      %get3A_266 = arith.constant 10 : i32
      %get3A_267 = arith.index_cast %get3A_266 : i32 to index
      %get3A_268 = arith.index_cast %mul3A_216 : i32 to index
      %get3A_269 = tpu.vector_load %arg5[%get3A_267, %get3A_268] {strides = array<i32>} : memref<13x1920xf32, #tpu.memory_space<vmem>>, vector<1x16xf32>,
      %get3A_270 = vector.shape_cast %get3A_269 : vector<1x16xf32> to vector<16xf32>
      %get3A_271 = arith.constant 11 : i32
      %get3A_272 = arith.index_cast %get3A_271 : i32 to index
      %get3A_273 = arith.index_cast %mul3A_216 : i32 to index
      %get3A_274 = tpu.vector_load %arg5[%get3A_272, %get3A_273] {strides = array<i32>} : memref<13x1920xf32, #tpu.memory_space<vmem>>, vector<1x16xf32>,
      %get3A_275 = vector.shape_cast %get3A_274 : vector<1x16xf32> to vector<16xf32>
      %get3A_276 = arith.constant 12 : i32
      %get3A_277 = arith.index_cast %get3A_276 : i32 to index
      %get3A_278 = arith.index_cast %mul3A_216 : i32 to index
      %get3A_279 = tpu.vector_load %arg5[%get3A_277, %get3A_278] {strides = array<i32>} : memref<13x1920xf32, #tpu.memory_space<vmem>>, vector<1x16xf32>,
      %get3A_280 = vector.shape_cast %get3A_279 : vector<1x16xf32> to vector<16xf32>
      %get3A_281 = arith.constant 0 : i32
      %get3A_282 = arith.index_cast %get3A_281 : i32 to index
      %get3A_283 = arith.index_cast %mul3A_216 : i32 to index
      %get3A_284 = tpu.vector_load %arg7[%get3A_282, %get3A_283] {strides = array<i32>} : memref<8x1920xf32, #tpu.memory_space<vmem>>, vector<1x16xf32>,
      %get3A_285 = vector.shape_cast %get3A_284 : vector<1x16xf32> to vector<16xf32>
      %mul3A_286 = arith.mulf %get3A_285, %get3A_220 : vector<16xf32>
      %add3A_287 = arith.addf %mul3A_286, %get3A_240 : vector<16xf32>
      %max3A = arith.constant 0.000000e+00 : f32
      %max3A_288 = vector.broadcast %max3A : f32 to vector<16xf32>
      %max3A_289 = arith.maximumf %add3A_287, %max3A_288 : vector<16xf32>
      %mul3A_290 = arith.mulf %max3A_289, %get3A_260 : vector<16xf32>
      %add3A_291 = arith.addf %get3A_280, %mul3A_290 : vector<16xf32>
      %mul3A_292 = arith.mulf %get3A_285, %get3A_225 : vector<16xf32>
      %add3A_293 = arith.addf %mul3A_292, %get3A_245 : vector<16xf32>
      %max3A_294 = arith.constant 0.000000e+00 : f32
      %max3A_295 = vector.broadcast %max3A_294 : f32 to vector<16xf32>
      %max3A_296 = arith.maximumf %add3A_293, %max3A_295 : vector<16xf32>
      %mul3A_297 = arith.mulf %max3A_296, %get3A_265 : vector<16xf32>
      %add3A_298 = arith.addf %add3A_291, %mul3A_297 : vector<16xf32>
      %mul3A_299 = arith.mulf %get3A_285, %get3A_230 : vector<16xf32>
      %add3A_300 = arith.addf %mul3A_299, %get3A_250 : vector<16xf32>
      %max3A_301 = arith.constant 0.000000e+00 : f32
      %max3A_302 = vector.broadcast %max3A_301 : f32 to vector<16xf32>
      %max3A_303 = arith.maximumf %add3A_300, %max3A_302 : vector<16xf32>
      %mul3A_304 = arith.mulf %max3A_303, %get3A_270 : vector<16xf32>
      %add3A_305 = arith.addf %add3A_298, %mul3A_304 : vector<16xf32>
      %mul3A_306 = arith.mulf %get3A_285, %get3A_235 : vector<16xf32>
      %add3A_307 = arith.addf %mul3A_306, %get3A_255 : vector<16xf32>
      %max3A_308 = arith.constant 0.000000e+00 : f32
      %max3A_309 = vector.broadcast %max3A_308 : f32 to vector<16xf32>
      %max3A_310 = arith.maximumf %add3A_307, %max3A_309 : vector<16xf32>
      %mul3A_311 = arith.mulf %max3A_310, %get3A_275 : vector<16xf32>
      %add3A_312 = arith.addf %add3A_305, %mul3A_311 : vector<16xf32>
      %swap3A = arith.constant 0 : i32
      %swap3A_313 = arith.index_cast %swap3A : i32 to index
      %swap3A_314 = arith.index_cast %mul3A_216 : i32 to index
      %swap3A_315 = tpu.vector_load %arg9[%swap3A_313, %swap3A_314] {strides = array<i32>} : memref<8x1920xf32, #tpu.memory_space<vmem>>, vector<1x16xf32>,
      %swap3A_316 = vector.shape_cast %swap3A_315 : vector<1x16xf32> to vector<16xf32>
      %swap3A_317 = vector.shape_cast %add3A_312 : vector<16xf32> to vector<1x16xf32>
      tpu.vector_store %arg9[%swap3A_313, %swap3A_314], %swap3A_317 {strides = array<i32>} : memref<8x1920xf32, #tpu.memory_space<vmem>>, vector<1x16xf32>,
      %get3A_318 = arith.constant 1 : i32
      %get3A_319 = arith.index_cast %get3A_318 : i32 to index
      %get3A_320 = arith.index_cast %mul3A_216 : i32 to index
      %get3A_321 = tpu.vector_load %arg7[%get3A_319, %get3A_320] {strides = array<i32>} : memref<8x1920xf32, #tpu.memory_space<vmem>>, vector<1x16xf32>,
      %get3A_322 = vector.shape_cast %get3A_321 : vector<1x16xf32> to vector<16xf32>
      %mul3A_323 = arith.mulf %get3A_322, %get3A_220 : vector<16xf32>
      %add3A_324 = arith.addf %mul3A_323, %get3A_240 : vector<16xf32>
      %max3A_325 = arith.constant 0.000000e+00 : f32
      %max3A_326 = vector.broadcast %max3A_325 : f32 to vector<16xf32>
      %max3A_327 = arith.maximumf %add3A_324, %max3A_326 : vector<16xf32>
      %mul3A_328 = arith.mulf %max3A_327, %get3A_260 : vector<16xf32>
      %add3A_329 = arith.addf %get3A_280, %mul3A_328 : vector<16xf32>
      %mul3A_330 = arith.mulf %get3A_322, %get3A_225 : vector<16xf32>
      %add3A_331 = arith.addf %mul3A_330, %get3A_245 : vector<16xf32>
      %max3A_332 = arith.constant 0.000000e+00 : f32
      %max3A_333 = vector.broadcast %max3A_332 : f32 to vector<16xf32>
      %max3A_334 = arith.maximumf %add3A_331, %max3A_333 : vector<16xf32>
      %mul3A_335 = arith.mulf %max3A_334, %get3A_265 : vector<16xf32>
      %add3A_336 = arith.addf %add3A_329, %mul3A_335 : vector<16xf32>
      %mul3A_337 = arith.mulf %get3A_322, %get3A_230 : vector<16xf32>
      %add3A_338 = arith.addf %mul3A_337, %get3A_250 : vector<16xf32>
      %max3A_339 = arith.constant 0.000000e+00 : f32
      %max3A_340 = vector.broadcast %max3A_339 : f32 to vector<16xf32>
      %max3A_341 = arith.maximumf %add3A_338, %max3A_340 : vector<16xf32>
      %mul3A_342 = arith.mulf %max3A_341, %get3A_270 : vector<16xf32>
      %add3A_343 = arith.addf %add3A_336, %mul3A_342 : vector<16xf32>
      %mul3A_344 = arith.mulf %get3A_322, %get3A_235 : vector<16xf32>
      %add3A_345 = arith.addf %mul3A_344, %get3A_255 : vector<16xf32>
      %max3A_346 = arith.constant 0.000000e+00 : f32
      %max3A_347 = vector.broadcast %max3A_346 : f32 to vector<16xf32>
      %max3A_348 = arith.maximumf %add3A_345, %max3A_347 : vector<16xf32>
      %mul3A_349 = arith.mulf %max3A_348, %get3A_275 : vector<16xf32>
      %add3A_350 = arith.addf %add3A_343, %mul3A_349 : vector<16xf32>
      %swap3A_351 = arith.constant 1 : i32
      %swap3A_352 = arith.index_cast %swap3A_351 : i32 to index
      %swap3A_353 = arith.index_cast %mul3A_216 : i32 to index
      %swap3A_354 = tpu.vector_load %arg9[%swap3A_352, %swap3A_353] {strides = array<i32>} : memref<8x1920xf32, #tpu.memory_space<vmem>>, vector<1x16xf32>,
      %swap3A_355 = vector.shape_cast %swap3A_354 : vector<1x16xf32> to vector<16xf32>
      %swap3A_356 = vector.shape_cast %add3A_350 : vector<16xf32> to vector<1x16xf32>
      tpu.vector_store %arg9[%swap3A_352, %swap3A_353], %swap3A_356 {strides = array<i32>} : memref<8x1920xf32, #tpu.memory_space<vmem>>, vector<1x16xf32>,
      %get3A_357 = arith.constant 2 : i32
      %get3A_358 = arith.index_cast %get3A_357 : i32 to index
      %get3A_359 = arith.index_cast %mul3A_216 : i32 to index
      %get3A_360 = tpu.vector_load %arg7[%get3A_358, %get3A_359] {strides = array<i32>} : memref<8x1920xf32, #tpu.memory_space<vmem>>, vector<1x16xf32>,
      %get3A_361 = vector.shape_cast %get3A_360 : vector<1x16xf32> to vector<16xf32>
      %mul3A_362 = arith.mulf %get3A_361, %get3A_220 : vector<16xf32>
      %add3A_363 = arith.addf %mul3A_362, %get3A_240 : vector<16xf32>
      %max3A_364 = arith.constant 0.000000e+00 : f32
      %max3A_365 = vector.broadcast %max3A_364 : f32 to vector<16xf32>
      %max3A_366 = arith.maximumf %add3A_363, %max3A_365 : vector<16xf32>
      %mul3A_367 = arith.mulf %max3A_366, %get3A_260 : vector<16xf32>
      %add3A_368 = arith.addf %get3A_280, %mul3A_367 : vector<16xf32>
      %mul3A_369 = arith.mulf %get3A_361, %get3A_225 : vector<16xf32>
      %add3A_370 = arith.addf %mul3A_369, %get3A_245 : vector<16xf32>
      %max3A_371 = arith.constant 0.000000e+00 : f32
      %max3A_372 = vector.broadcast %max3A_371 : f32 to vector<16xf32>
      %max3A_373 = arith.maximumf %add3A_370, %max3A_372 : vector<16xf32>
      %mul3A_374 = arith.mulf %max3A_373, %get3A_265 : vector<16xf32>
      %add3A_375 = arith.addf %add3A_368, %mul3A_374 : vector<16xf32>
      %mul3A_376 = arith.mulf %get3A_361, %get3A_230 : vector<16xf32>
      %add3A_377 = arith.addf %mul3A_376, %get3A_250 : vector<16xf32>
      %max3A_378 = arith.constant 0.000000e+00 : f32
      %max3A_379 = vector.broadcast %max3A_378 : f32 to vector<16xf32>
      %max3A_380 = arith.maximumf %add3A_377, %max3A_379 : vector<16xf32>
      %mul3A_381 = arith.mulf %max3A_380, %get3A_270 : vector<16xf32>
      %add3A_382 = arith.addf %add3A_375, %mul3A_381 : vector<16xf32>
      %mul3A_383 = arith.mulf %get3A_361, %get3A_235 : vector<16xf32>
      %add3A_384 = arith.addf %mul3A_383, %get3A_255 : vector<16xf32>
      %max3A_385 = arith.constant 0.000000e+00 : f32
      %max3A_386 = vector.broadcast %max3A_385 : f32 to vector<16xf32>
      %max3A_387 = arith.maximumf %add3A_384, %max3A_386 : vector<16xf32>
      %mul3A_388 = arith.mulf %max3A_387, %get3A_275 : vector<16xf32>
      %add3A_389 = arith.addf %add3A_382, %mul3A_388 : vector<16xf32>
      %swap3A_390 = arith.constant 2 : i32
      %swap3A_391 = arith.index_cast %swap3A_390 : i32 to index
      %swap3A_392 = arith.index_cast %mul3A_216 : i32 to index
      %swap3A_393 = tpu.vector_load %arg9[%swap3A_391, %swap3A_392] {strides = array<i32>} : memref<8x1920xf32, #tpu.memory_space<vmem>>, vector<1x16xf32>,
      %swap3A_394 = vector.shape_cast %swap3A_393 : vector<1x16xf32> to vector<16xf32>
      %swap3A_395 = vector.shape_cast %add3A_389 : vector<16xf32> to vector<1x16xf32>
      tpu.vector_store %arg9[%swap3A_391, %swap3A_392], %swap3A_395 {strides = array<i32>} : memref<8x1920xf32, #tpu.memory_space<vmem>>, vector<1x16xf32>,
      %get3A_396 = arith.constant 3 : i32
      %get3A_397 = arith.index_cast %get3A_396 : i32 to index
      %get3A_398 = arith.index_cast %mul3A_216 : i32 to index
      %get3A_399 = tpu.vector_load %arg7[%get3A_397, %get3A_398] {strides = array<i32>} : memref<8x1920xf32, #tpu.memory_space<vmem>>, vector<1x16xf32>,
      %get3A_400 = vector.shape_cast %get3A_399 : vector<1x16xf32> to vector<16xf32>
      %mul3A_401 = arith.mulf %get3A_400, %get3A_220 : vector<16xf32>
      %add3A_402 = arith.addf %mul3A_401, %get3A_240 : vector<16xf32>
      %max3A_403 = arith.constant 0.000000e+00 : f32
      %max3A_404 = vector.broadcast %max3A_403 : f32 to vector<16xf32>
      %max3A_405 = arith.maximumf %add3A_402, %max3A_404 : vector<16xf32>
      %mul3A_406 = arith.mulf %max3A_405, %get3A_260 : vector<16xf32>
      %add3A_407 = arith.addf %get3A_280, %mul3A_406 : vector<16xf32>
      %mul3A_408 = arith.mulf %get3A_400, %get3A_225 : vector<16xf32>
      %add3A_409 = arith.addf %mul3A_408, %get3A_245 : vector<16xf32>
      %max3A_410 = arith.constant 0.000000e+00 : f32
      %max3A_411 = vector.broadcast %max3A_410 : f32 to vector<16xf32>
      %max3A_412 = arith.maximumf %add3A_409, %max3A_411 : vector<16xf32>
      %mul3A_413 = arith.mulf %max3A_412, %get3A_265 : vector<16xf32>
      %add3A_414 = arith.addf %add3A_407, %mul3A_413 : vector<16xf32>
      %mul3A_415 = arith.mulf %get3A_400, %get3A_230 : vector<16xf32>
      %add3A_416 = arith.addf %mul3A_415, %get3A_250 : vector<16xf32>
      %max3A_417 = arith.constant 0.000000e+00 : f32
      %max3A_418 = vector.broadcast %max3A_417 : f32 to vector<16xf32>
      %max3A_419 = arith.maximumf %add3A_416, %max3A_418 : vector<16xf32>
      %mul3A_420 = arith.mulf %max3A_419, %get3A_270 : vector<16xf32>
      %add3A_421 = arith.addf %add3A_414, %mul3A_420 : vector<16xf32>
      %mul3A_422 = arith.mulf %get3A_400, %get3A_235 : vector<16xf32>
      %add3A_423 = arith.addf %mul3A_422, %get3A_255 : vector<16xf32>
      %max3A_424 = arith.constant 0.000000e+00 : f32
      %max3A_425 = vector.broadcast %max3A_424 : f32 to vector<16xf32>
      %max3A_426 = arith.maximumf %add3A_423, %max3A_425 : vector<16xf32>
      %mul3A_427 = arith.mulf %max3A_426, %get3A_275 : vector<16xf32>
      %add3A_428 = arith.addf %add3A_421, %mul3A_427 : vector<16xf32>
      %swap3A_429 = arith.constant 3 : i32
      %swap3A_430 = arith.index_cast %swap3A_429 : i32 to index
      %swap3A_431 = arith.index_cast %mul3A_216 : i32 to index
      %swap3A_432 = tpu.vector_load %arg9[%swap3A_430, %swap3A_431] {strides = array<i32>} : memref<8x1920xf32, #tpu.memory_space<vmem>>, vector<1x16xf32>,
      %swap3A_433 = vector.shape_cast %swap3A_432 : vector<1x16xf32> to vector<16xf32>
      %swap3A_434 = vector.shape_cast %add3A_428 : vector<16xf32> to vector<1x16xf32>
      tpu.vector_store %arg9[%swap3A_430, %swap3A_431], %swap3A_434 {strides = array<i32>} : memref<8x1920xf32, #tpu.memory_space<vmem>>, vector<1x16xf32>,
      %get3A_435 = arith.constant 4 : i32
      %get3A_436 = arith.index_cast %get3A_435 : i32 to index
      %get3A_437 = arith.index_cast %mul3A_216 : i32 to index
      %get3A_438 = tpu.vector_load %arg7[%get3A_436, %get3A_437] {strides = array<i32>} : memref<8x1920xf32, #tpu.memory_space<vmem>>, vector<1x16xf32>,
      %get3A_439 = vector.shape_cast %get3A_438 : vector<1x16xf32> to vector<16xf32>
      %mul3A_440 = arith.mulf %get3A_439, %get3A_220 : vector<16xf32>
      %add3A_441 = arith.addf %mul3A_440, %get3A_240 : vector<16xf32>
      %max3A_442 = arith.constant 0.000000e+00 : f32
      %max3A_443 = vector.broadcast %max3A_442 : f32 to vector<16xf32>
      %max3A_444 = arith.maximumf %add3A_441, %max3A_443 : vector<16xf32>
      %mul3A_445 = arith.mulf %max3A_444, %get3A_260 : vector<16xf32>
      %add3A_446 = arith.addf %get3A_280, %mul3A_445 : vector<16xf32>
      %mul3A_447 = arith.mulf %get3A_439, %get3A_225 : vector<16xf32>
      %add3A_448 = arith.addf %mul3A_447, %get3A_245 : vector<16xf32>
      %max3A_449 = arith.constant 0.000000e+00 : f32
      %max3A_450 = vector.broadcast %max3A_449 : f32 to vector<16xf32>
      %max3A_451 = arith.maximumf %add3A_448, %max3A_450 : vector<16xf32>
      %mul3A_452 = arith.mulf %max3A_451, %get3A_265 : vector<16xf32>
      %add3A_453 = arith.addf %add3A_446, %mul3A_452 : vector<16xf32>
      %mul3A_454 = arith.mulf %get3A_439, %get3A_230 : vector<16xf32>
      %add3A_455 = arith.addf %mul3A_454, %get3A_250 : vector<16xf32>
      %max3A_456 = arith.constant 0.000000e+00 : f32
      %max3A_457 = vector.broadcast %max3A_456 : f32 to vector<16xf32>
      %max3A_458 = arith.maximumf %add3A_455, %max3A_457 : vector<16xf32>
      %mul3A_459 = arith.mulf %max3A_458, %get3A_270 : vector<16xf32>
      %add3A_460 = arith.addf %add3A_453, %mul3A_459 : vector<16xf32>
      %mul3A_461 = arith.mulf %get3A_439, %get3A_235 : vector<16xf32>
      %add3A_462 = arith.addf %mul3A_461, %get3A_255 : vector<16xf32>
      %max3A_463 = arith.constant 0.000000e+00 : f32
      %max3A_464 = vector.broadcast %max3A_463 : f32 to vector<16xf32>
      %max3A_465 = arith.maximumf %add3A_462, %max3A_464 : vector<16xf32>
      %mul3A_466 = arith.mulf %max3A_465, %get3A_275 : vector<16xf32>
      %add3A_467 = arith.addf %add3A_460, %mul3A_466 : vector<16xf32>
      %swap3A_468 = arith.constant 4 : i32
      %swap3A_469 = arith.index_cast %swap3A_468 : i32 to index
      %swap3A_470 = arith.index_cast %mul3A_216 : i32 to index
      %swap3A_471 = tpu.vector_load %arg9[%swap3A_469, %swap3A_470] {strides = array<i32>} : memref<8x1920xf32, #tpu.memory_space<vmem>>, vector<1x16xf32>,
      %swap3A_472 = vector.shape_cast %swap3A_471 : vector<1x16xf32> to vector<16xf32>
      %swap3A_473 = vector.shape_cast %add3A_467 : vector<16xf32> to vector<1x16xf32>
      tpu.vector_store %arg9[%swap3A_469, %swap3A_470], %swap3A_473 {strides = array<i32>} : memref<8x1920xf32, #tpu.memory_space<vmem>>, vector<1x16xf32>,
      %get3A_474 = arith.constant 5 : i32
      %get3A_475 = arith.index_cast %get3A_474 : i32 to index
      %get3A_476 = arith.index_cast %mul3A_216 : i32 to index
      %get3A_477 = tpu.vector_load %arg7[%get3A_475, %get3A_476] {strides = array<i32>} : memref<8x1920xf32, #tpu.memory_space<vmem>>, vector<1x16xf32>,
      %get3A_478 = vector.shape_cast %get3A_477 : vector<1x16xf32> to vector<16xf32>
      %mul3A_479 = arith.mulf %get3A_478, %get3A_220 : vector<16xf32>
      %add3A_480 = arith.addf %mul3A_479, %get3A_240 : vector<16xf32>
      %max3A_481 = arith.constant 0.000000e+00 : f32
      %max3A_482 = vector.broadcast %max3A_481 : f32 to vector<16xf32>
      %max3A_483 = arith.maximumf %add3A_480, %max3A_482 : vector<16xf32>
      %mul3A_484 = arith.mulf %max3A_483, %get3A_260 : vector<16xf32>
      %add3A_485 = arith.addf %get3A_280, %mul3A_484 : vector<16xf32>
      %mul3A_486 = arith.mulf %get3A_478, %get3A_225 : vector<16xf32>
      %add3A_487 = arith.addf %mul3A_486, %get3A_245 : vector<16xf32>
      %max3A_488 = arith.constant 0.000000e+00 : f32
      %max3A_489 = vector.broadcast %max3A_488 : f32 to vector<16xf32>
      %max3A_490 = arith.maximumf %add3A_487, %max3A_489 : vector<16xf32>
      %mul3A_491 = arith.mulf %max3A_490, %get3A_265 : vector<16xf32>
      %add3A_492 = arith.addf %add3A_485, %mul3A_491 : vector<16xf32>
      %mul3A_493 = arith.mulf %get3A_478, %get3A_230 : vector<16xf32>
      %add3A_494 = arith.addf %mul3A_493, %get3A_250 : vector<16xf32>
      %max3A_495 = arith.constant 0.000000e+00 : f32
      %max3A_496 = vector.broadcast %max3A_495 : f32 to vector<16xf32>
      %max3A_497 = arith.maximumf %add3A_494, %max3A_496 : vector<16xf32>
      %mul3A_498 = arith.mulf %max3A_497, %get3A_270 : vector<16xf32>
      %add3A_499 = arith.addf %add3A_492, %mul3A_498 : vector<16xf32>
      %mul3A_500 = arith.mulf %get3A_478, %get3A_235 : vector<16xf32>
      %add3A_501 = arith.addf %mul3A_500, %get3A_255 : vector<16xf32>
      %max3A_502 = arith.constant 0.000000e+00 : f32
      %max3A_503 = vector.broadcast %max3A_502 : f32 to vector<16xf32>
      %max3A_504 = arith.maximumf %add3A_501, %max3A_503 : vector<16xf32>
      %mul3A_505 = arith.mulf %max3A_504, %get3A_275 : vector<16xf32>
      %add3A_506 = arith.addf %add3A_499, %mul3A_505 : vector<16xf32>
      %swap3A_507 = arith.constant 5 : i32
      %swap3A_508 = arith.index_cast %swap3A_507 : i32 to index
      %swap3A_509 = arith.index_cast %mul3A_216 : i32 to index
      %swap3A_510 = tpu.vector_load %arg9[%swap3A_508, %swap3A_509] {strides = array<i32>} : memref<8x1920xf32, #tpu.memory_space<vmem>>, vector<1x16xf32>,
      %swap3A_511 = vector.shape_cast %swap3A_510 : vector<1x16xf32> to vector<16xf32>
      %swap3A_512 = vector.shape_cast %add3A_506 : vector<16xf32> to vector<1x16xf32>
      tpu.vector_store %arg9[%swap3A_508, %swap3A_509], %swap3A_512 {strides = array<i32>} : memref<8x1920xf32, #tpu.memory_space<vmem>>, vector<1x16xf32>,
      %get3A_513 = arith.constant 6 : i32
      %get3A_514 = arith.index_cast %get3A_513 : i32 to index
      %get3A_515 = arith.index_cast %mul3A_216 : i32 to index
      %get3A_516 = tpu.vector_load %arg7[%get3A_514, %get3A_515] {strides = array<i32>} : memref<8x1920xf32, #tpu.memory_space<vmem>>, vector<1x16xf32>,
      %get3A_517 = vector.shape_cast %get3A_516 : vector<1x16xf32> to vector<16xf32>
      %mul3A_518 = arith.mulf %get3A_517, %get3A_220 : vector<16xf32>
      %add3A_519 = arith.addf %mul3A_518, %get3A_240 : vector<16xf32>
      %max3A_520 = arith.constant 0.000000e+00 : f32
      %max3A_521 = vector.broadcast %max3A_520 : f32 to vector<16xf32>
      %max3A_522 = arith.maximumf %add3A_519, %max3A_521 : vector<16xf32>
      %mul3A_523 = arith.mulf %max3A_522, %get3A_260 : vector<16xf32>
      %add3A_524 = arith.addf %get3A_280, %mul3A_523 : vector<16xf32>
      %mul3A_525 = arith.mulf %get3A_517, %get3A_225 : vector<16xf32>
      %add3A_526 = arith.addf %mul3A_525, %get3A_245 : vector<16xf32>
      %max3A_527 = arith.constant 0.000000e+00 : f32
      %max3A_528 = vector.broadcast %max3A_527 : f32 to vector<16xf32>
      %max3A_529 = arith.maximumf %add3A_526, %max3A_528 : vector<16xf32>
      %mul3A_530 = arith.mulf %max3A_529, %get3A_265 : vector<16xf32>
      %add3A_531 = arith.addf %add3A_524, %mul3A_530 : vector<16xf32>
      %mul3A_532 = arith.mulf %get3A_517, %get3A_230 : vector<16xf32>
      %add3A_533 = arith.addf %mul3A_532, %get3A_250 : vector<16xf32>
      %max3A_534 = arith.constant 0.000000e+00 : f32
      %max3A_535 = vector.broadcast %max3A_534 : f32 to vector<16xf32>
      %max3A_536 = arith.maximumf %add3A_533, %max3A_535 : vector<16xf32>
      %mul3A_537 = arith.mulf %max3A_536, %get3A_270 : vector<16xf32>
      %add3A_538 = arith.addf %add3A_531, %mul3A_537 : vector<16xf32>
      %mul3A_539 = arith.mulf %get3A_517, %get3A_235 : vector<16xf32>
      %add3A_540 = arith.addf %mul3A_539, %get3A_255 : vector<16xf32>
      %max3A_541 = arith.constant 0.000000e+00 : f32
      %max3A_542 = vector.broadcast %max3A_541 : f32 to vector<16xf32>
      %max3A_543 = arith.maximumf %add3A_540, %max3A_542 : vector<16xf32>
      %mul3A_544 = arith.mulf %max3A_543, %get3A_275 : vector<16xf32>
      %add3A_545 = arith.addf %add3A_538, %mul3A_544 : vector<16xf32>
      %swap3A_546 = arith.constant 6 : i32
      %swap3A_547 = arith.index_cast %swap3A_546 : i32 to index
      %swap3A_548 = arith.index_cast %mul3A_216 : i32 to index
      %swap3A_549 = tpu.vector_load %arg9[%swap3A_547, %swap3A_548] {strides = array<i32>} : memref<8x1920xf32, #tpu.memory_space<vmem>>, vector<1x16xf32>,
      %swap3A_550 = vector.shape_cast %swap3A_549 : vector<1x16xf32> to vector<16xf32>
      %swap3A_551 = vector.shape_cast %add3A_545 : vector<16xf32> to vector<1x16xf32>
      tpu.vector_store %arg9[%swap3A_547, %swap3A_548], %swap3A_551 {strides = array<i32>} : memref<8x1920xf32, #tpu.memory_space<vmem>>, vector<1x16xf32>,
      %get3A_552 = arith.constant 7 : i32
      %get3A_553 = arith.index_cast %get3A_552 : i32 to index
      %get3A_554 = arith.index_cast %mul3A_216 : i32 to index
      %get3A_555 = tpu.vector_load %arg7[%get3A_553, %get3A_554] {strides = array<i32>} : memref<8x1920xf32, #tpu.memory_space<vmem>>, vector<1x16xf32>,
      %get3A_556 = vector.shape_cast %get3A_555 : vector<1x16xf32> to vector<16xf32>
      %mul3A_557 = arith.mulf %get3A_556, %get3A_220 : vector<16xf32>
      %add3A_558 = arith.addf %mul3A_557, %get3A_240 : vector<16xf32>
      %max3A_559 = arith.constant 0.000000e+00 : f32
      %max3A_560 = vector.broadcast %max3A_559 : f32 to vector<16xf32>
      %max3A_561 = arith.maximumf %add3A_558, %max3A_560 : vector<16xf32>
      %mul3A_562 = arith.mulf %max3A_561, %get3A_260 : vector<16xf32>
      %add3A_563 = arith.addf %get3A_280, %mul3A_562 : vector<16xf32>
      %mul3A_564 = arith.mulf %get3A_556, %get3A_225 : vector<16xf32>
      %add3A_565 = arith.addf %mul3A_564, %get3A_245 : vector<16xf32>
      %max3A_566 = arith.constant 0.000000e+00 : f32
      %max3A_567 = vector.broadcast %max3A_566 : f32 to vector<16xf32>
      %max3A_568 = arith.maximumf %add3A_565, %max3A_567 : vector<16xf32>
      %mul3A_569 = arith.mulf %max3A_568, %get3A_265 : vector<16xf32>
      %add3A_570 = arith.addf %add3A_563, %mul3A_569 : vector<16xf32>
      %mul3A_571 = arith.mulf %get3A_556, %get3A_230 : vector<16xf32>
      %add3A_572 = arith.addf %mul3A_571, %get3A_250 : vector<16xf32>
      %max3A_573 = arith.constant 0.000000e+00 : f32
      %max3A_574 = vector.broadcast %max3A_573 : f32 to vector<16xf32>
      %max3A_575 = arith.maximumf %add3A_572, %max3A_574 : vector<16xf32>
      %mul3A_576 = arith.mulf %max3A_575, %get3A_270 : vector<16xf32>
      %add3A_577 = arith.addf %add3A_570, %mul3A_576 : vector<16xf32>
      %mul3A_578 = arith.mulf %get3A_556, %get3A_235 : vector<16xf32>
      %add3A_579 = arith.addf %mul3A_578, %get3A_255 : vector<16xf32>
      %max3A_580 = arith.constant 0.000000e+00 : f32
      %max3A_581 = vector.broadcast %max3A_580 : f32 to vector<16xf32>
      %max3A_582 = arith.maximumf %add3A_579, %max3A_581 : vector<16xf32>
      %mul3A_583 = arith.mulf %max3A_582, %get3A_275 : vector<16xf32>
      %add3A_584 = arith.addf %add3A_577, %mul3A_583 : vector<16xf32>
      %swap3A_585 = arith.constant 7 : i32
      %swap3A_586 = arith.index_cast %swap3A_585 : i32 to index
      %swap3A_587 = arith.index_cast %mul3A_216 : i32 to index
      %swap3A_588 = tpu.vector_load %arg9[%swap3A_586, %swap3A_587] {strides = array<i32>} : memref<8x1920xf32, #tpu.memory_space<vmem>>, vector<1x16xf32>,
      %swap3A_589 = vector.shape_cast %swap3A_588 : vector<1x16xf32> to vector<16xf32>
      %swap3A_590 = vector.shape_cast %add3A_584 : vector<16xf32> to vector<1x16xf32>
      tpu.vector_store %arg9[%swap3A_586, %swap3A_587], %swap3A_590 {strides = array<i32>} : memref<8x1920xf32, #tpu.memory_space<vmem>>, vector<1x16xf32>,
    }
    %scan3A_153 = arith.constant 120 : i32
    %dma_start3A_154 = arith.constant 0 : i32
    %dma_start3A_155 = arith.constant 7680 : i32
    %dma_start3A_156 = tpu.memref_slice %arg3[%dma_start3A_154, %dma_start3A_155] : memref<13x10112xf32, #tpu.memory_space<hbm>> -> memref<13x1920xf32, #tpu.memory_space<hbm>>
    %dma_start3A_157 = arith.constant 0 : i32
    %dma_start3A_158 = arith.constant 7680 : i32
    %dma_start3A_159 = tpu.memref_slice %arg3[%dma_start3A_157, %dma_start3A_158] : memref<13x10112xf32, #tpu.memory_space<hbm>> -> memref<13x1920xf32, #tpu.memory_space<hbm>>
    tpu.enqueue_dma source(%dma_start3A_159 : memref<13x1920xf32, #tpu.memory_space<hbm>>) target(%arg5 : memref<13x1920xf32, #tpu.memory_space<vmem>>) target_semaphore(%arg13 : memref<!tpu.dma_semaphore, #tpu.memory_space<semaphore_mem>>)
    %add3A_160 = arith.constant 0 : i32
    %add3A_161 = arith.addi %mul3A_2, %add3A_160 : i32
    %dma_start3A_162 = arith.constant 5760 : i32
    %dma_start3A_163 = tpu.memref_slice %arg4[%add3A_161, %dma_start3A_162] : memref<256x10000xf32, #tpu.memory_space<hbm>> -> memref<8x1920xf32, #tpu.memory_space<hbm>>
    %dma_start3A_164 = arith.constant 5760 : i32
    %dma_start3A_165 = tpu.memref_slice %arg4[%add3A_161, %dma_start3A_164] : memref<256x10000xf32, #tpu.memory_space<hbm>> -> memref<8x1920xf32, #tpu.memory_space<hbm>>
    tpu.enqueue_dma source(%arg9 : memref<8x1920xf32, #tpu.memory_space<vmem>>) target(%dma_start3A_165 : memref<8x1920xf32, #tpu.memory_space<hbm>>) target_semaphore(%arg17 : memref<!tpu.dma_semaphore, #tpu.memory_space<semaphore_mem>>)
    %dma_wait3A_166 = arith.constant 0 : i32
    %dma_wait3A_167 = arith.constant 7680 : i32
    %dma_wait3A_168 = tpu.memref_slice %arg3[%dma_wait3A_166, %dma_wait3A_167] : memref<13x10112xf32, #tpu.memory_space<hbm>> -> memref<13x1920xf32, #tpu.memory_space<hbm>>
    %dma_wait3A_169 = arith.constant 0 : i32
    %dma_wait3A_170 = arith.constant 7680 : i32
    %dma_wait3A_171 = tpu.memref_slice %arg3[%dma_wait3A_169, %dma_wait3A_170] : memref<13x10112xf32, #tpu.memory_space<hbm>> -> memref<13x1920xf32, #tpu.memory_space<hbm>>
    tpu.wait_dma2 semaphore(%arg13 : memref<!tpu.dma_semaphore, #tpu.memory_space<semaphore_mem>>) src(%dma_wait3A_171 : memref<13x1920xf32, #tpu.memory_space<hbm>>) dst(%arg5 : memref<13x1920xf32, #tpu.memory_space<vmem>>)
    %dma_wait3A_172 = arith.constant 7680 : i32
    %dma_wait3A_173 = tpu.memref_slice %arg2[%add3A_129, %dma_wait3A_172] : memref<1024x10000xf32, #tpu.memory_space<hbm>> -> memref<8x1920xf32, #tpu.memory_space<hbm>>
    %dma_wait3A_174 = arith.constant 7680 : i32
    %dma_wait3A_175 = tpu.memref_slice %arg2[%add3A_129, %dma_wait3A_174] : memref<1024x10000xf32, #tpu.memory_space<hbm>> -> memref<8x1920xf32, #tpu.memory_space<hbm>>
    tpu.wait_dma2 semaphore(%arg14 : memref<!tpu.dma_semaphore, #tpu.memory_space<semaphore_mem>>) src(%dma_wait3A_175 : memref<8x1920xf32, #tpu.memory_space<hbm>>) dst(%arg6 : memref<8x1920xf32, #tpu.memory_space<vmem>>)
    %dma_wait3A_176 = arith.constant 3840 : i32
    %dma_wait3A_177 = tpu.memref_slice %arg4[%add3A_121, %dma_wait3A_176] : memref<256x10000xf32, #tpu.memory_space<hbm>> -> memref<8x1920xf32, #tpu.memory_space<hbm>>
    %dma_wait3A_178 = arith.constant 3840 : i32
    %dma_wait3A_179 = tpu.memref_slice %arg4[%add3A_121, %dma_wait3A_178] : memref<256x10000xf32, #tpu.memory_space<hbm>> -> memref<8x1920xf32, #tpu.memory_space<hbm>>
    tpu.wait_dma2 semaphore(%arg16 : memref<!tpu.dma_semaphore, #tpu.memory_space<semaphore_mem>>) src(%arg8 : memref<8x1920xf32, #tpu.memory_space<vmem>>) dst(%dma_wait3A_179 : memref<8x1920xf32, #tpu.memory_space<hbm>>)
    %scan3A_180 = arith.constant 0 : i32
    %scan3A_181 = arith.constant 0 : i32
    %scan3A_182 = arith.constant 120 : i32
    %scan3A_183 = arith.addi %scan3A_181, %scan3A_182 : i32
    %scan3A_184 = arith.constant 1 : i32
    scf.for %scan3A_214 = %scan3A_181 to %scan3A_183 step %scan3A_184  : i32 {
      %mul3A_215 = arith.constant 16 : i32
      %mul3A_216 = arith.muli %scan3A_214, %mul3A_215 : i32
      %get3A = arith.constant 0 : i32
      %get3A_217 = arith.index_cast %get3A : i32 to index
      %get3A_218 = arith.index_cast %mul3A_216 : i32 to index
      %get3A_219 = tpu.vector_load %arg5[%get3A_217, %get3A_218] {strides = array<i32>} : memref<13x1920xf32, #tpu.memory_space<vmem>>, vector<1x16xf32>,
      %get3A_220 = vector.shape_cast %get3A_219 : vector<1x16xf32> to vector<16xf32>
      %get3A_221 = arith.constant 1 : i32
      %get3A_222 = arith.index_cast %get3A_221 : i32 to index
      %get3A_223 = arith.index_cast %mul3A_216 : i32 to index
      %get3A_224 = tpu.vector_load %arg5[%get3A_222, %get3A_223] {strides = array<i32>} : memref<13x1920xf32, #tpu.memory_space<vmem>>, vector<1x16xf32>,
      %get3A_225 = vector.shape_cast %get3A_224 : vector<1x16xf32> to vector<16xf32>
      %get3A_226 = arith.constant 2 : i32
      %get3A_227 = arith.index_cast %get3A_226 : i32 to index
      %get3A_228 = arith.index_cast %mul3A_216 : i32 to index
      %get3A_229 = tpu.vector_load %arg5[%get3A_227, %get3A_228] {strides = array<i32>} : memref<13x1920xf32, #tpu.memory_space<vmem>>, vector<1x16xf32>,
      %get3A_230 = vector.shape_cast %get3A_229 : vector<1x16xf32> to vector<16xf32>
      %get3A_231 = arith.constant 3 : i32
      %get3A_232 = arith.index_cast %get3A_231 : i32 to index
      %get3A_233 = arith.index_cast %mul3A_216 : i32 to index
      %get3A_234 = tpu.vector_load %arg5[%get3A_232, %get3A_233] {strides = array<i32>} : memref<13x1920xf32, #tpu.memory_space<vmem>>, vector<1x16xf32>,
      %get3A_235 = vector.shape_cast %get3A_234 : vector<1x16xf32> to vector<16xf32>
      %get3A_236 = arith.constant 4 : i32
      %get3A_237 = arith.index_cast %get3A_236 : i32 to index
      %get3A_238 = arith.index_cast %mul3A_216 : i32 to index
      %get3A_239 = tpu.vector_load %arg5[%get3A_237, %get3A_238] {strides = array<i32>} : memref<13x1920xf32, #tpu.memory_space<vmem>>, vector<1x16xf32>,
      %get3A_240 = vector.shape_cast %get3A_239 : vector<1x16xf32> to vector<16xf32>
      %get3A_241 = arith.constant 5 : i32
      %get3A_242 = arith.index_cast %get3A_241 : i32 to index
      %get3A_243 = arith.index_cast %mul3A_216 : i32 to index
      %get3A_244 = tpu.vector_load %arg5[%get3A_242, %get3A_243] {strides = array<i32>} : memref<13x1920xf32, #tpu.memory_space<vmem>>, vector<1x16xf32>,
      %get3A_245 = vector.shape_cast %get3A_244 : vector<1x16xf32> to vector<16xf32>
      %get3A_246 = arith.constant 6 : i32
      %get3A_247 = arith.index_cast %get3A_246 : i32 to index
      %get3A_248 = arith.index_cast %mul3A_216 : i32 to index
      %get3A_249 = tpu.vector_load %arg5[%get3A_247, %get3A_248] {strides = array<i32>} : memref<13x1920xf32, #tpu.memory_space<vmem>>, vector<1x16xf32>,
      %get3A_250 = vector.shape_cast %get3A_249 : vector<1x16xf32> to vector<16xf32>
      %get3A_251 = arith.constant 7 : i32
      %get3A_252 = arith.index_cast %get3A_251 : i32 to index
      %get3A_253 = arith.index_cast %mul3A_216 : i32 to index
      %get3A_254 = tpu.vector_load %arg5[%get3A_252, %get3A_253] {strides = array<i32>} : memref<13x1920xf32, #tpu.memory_space<vmem>>, vector<1x16xf32>,
      %get3A_255 = vector.shape_cast %get3A_254 : vector<1x16xf32> to vector<16xf32>
      %get3A_256 = arith.constant 8 : i32
      %get3A_257 = arith.index_cast %get3A_256 : i32 to index
      %get3A_258 = arith.index_cast %mul3A_216 : i32 to index
      %get3A_259 = tpu.vector_load %arg5[%get3A_257, %get3A_258] {strides = array<i32>} : memref<13x1920xf32, #tpu.memory_space<vmem>>, vector<1x16xf32>,
      %get3A_260 = vector.shape_cast %get3A_259 : vector<1x16xf32> to vector<16xf32>
      %get3A_261 = arith.constant 9 : i32
      %get3A_262 = arith.index_cast %get3A_261 : i32 to index
      %get3A_263 = arith.index_cast %mul3A_216 : i32 to index
      %get3A_264 = tpu.vector_load %arg5[%get3A_262, %get3A_263] {strides = array<i32>} : memref<13x1920xf32, #tpu.memory_space<vmem>>, vector<1x16xf32>,
      %get3A_265 = vector.shape_cast %get3A_264 : vector<1x16xf32> to vector<16xf32>
      %get3A_266 = arith.constant 10 : i32
      %get3A_267 = arith.index_cast %get3A_266 : i32 to index
      %get3A_268 = arith.index_cast %mul3A_216 : i32 to index
      %get3A_269 = tpu.vector_load %arg5[%get3A_267, %get3A_268] {strides = array<i32>} : memref<13x1920xf32, #tpu.memory_space<vmem>>, vector<1x16xf32>,
      %get3A_270 = vector.shape_cast %get3A_269 : vector<1x16xf32> to vector<16xf32>
      %get3A_271 = arith.constant 11 : i32
      %get3A_272 = arith.index_cast %get3A_271 : i32 to index
      %get3A_273 = arith.index_cast %mul3A_216 : i32 to index
      %get3A_274 = tpu.vector_load %arg5[%get3A_272, %get3A_273] {strides = array<i32>} : memref<13x1920xf32, #tpu.memory_space<vmem>>, vector<1x16xf32>,
      %get3A_275 = vector.shape_cast %get3A_274 : vector<1x16xf32> to vector<16xf32>
      %get3A_276 = arith.constant 12 : i32
      %get3A_277 = arith.index_cast %get3A_276 : i32 to index
      %get3A_278 = arith.index_cast %mul3A_216 : i32 to index
      %get3A_279 = tpu.vector_load %arg5[%get3A_277, %get3A_278] {strides = array<i32>} : memref<13x1920xf32, #tpu.memory_space<vmem>>, vector<1x16xf32>,
      %get3A_280 = vector.shape_cast %get3A_279 : vector<1x16xf32> to vector<16xf32>
      %get3A_281 = arith.constant 0 : i32
      %get3A_282 = arith.index_cast %get3A_281 : i32 to index
      %get3A_283 = arith.index_cast %mul3A_216 : i32 to index
      %get3A_284 = tpu.vector_load %arg6[%get3A_282, %get3A_283] {strides = array<i32>} : memref<8x1920xf32, #tpu.memory_space<vmem>>, vector<1x16xf32>,
      %get3A_285 = vector.shape_cast %get3A_284 : vector<1x16xf32> to vector<16xf32>
      %mul3A_286 = arith.mulf %get3A_285, %get3A_220 : vector<16xf32>
      %add3A_287 = arith.addf %mul3A_286, %get3A_240 : vector<16xf32>
      %max3A = arith.constant 0.000000e+00 : f32
      %max3A_288 = vector.broadcast %max3A : f32 to vector<16xf32>
      %max3A_289 = arith.maximumf %add3A_287, %max3A_288 : vector<16xf32>
      %mul3A_290 = arith.mulf %max3A_289, %get3A_260 : vector<16xf32>
      %add3A_291 = arith.addf %get3A_280, %mul3A_290 : vector<16xf32>
      %mul3A_292 = arith.mulf %get3A_285, %get3A_225 : vector<16xf32>
      %add3A_293 = arith.addf %mul3A_292, %get3A_245 : vector<16xf32>
      %max3A_294 = arith.constant 0.000000e+00 : f32
      %max3A_295 = vector.broadcast %max3A_294 : f32 to vector<16xf32>
      %max3A_296 = arith.maximumf %add3A_293, %max3A_295 : vector<16xf32>
      %mul3A_297 = arith.mulf %max3A_296, %get3A_265 : vector<16xf32>
      %add3A_298 = arith.addf %add3A_291, %mul3A_297 : vector<16xf32>
      %mul3A_299 = arith.mulf %get3A_285, %get3A_230 : vector<16xf32>
      %add3A_300 = arith.addf %mul3A_299, %get3A_250 : vector<16xf32>
      %max3A_301 = arith.constant 0.000000e+00 : f32
      %max3A_302 = vector.broadcast %max3A_301 : f32 to vector<16xf32>
      %max3A_303 = arith.maximumf %add3A_300, %max3A_302 : vector<16xf32>
      %mul3A_304 = arith.mulf %max3A_303, %get3A_270 : vector<16xf32>
      %add3A_305 = arith.addf %add3A_298, %mul3A_304 : vector<16xf32>
      %mul3A_306 = arith.mulf %get3A_285, %get3A_235 : vector<16xf32>
      %add3A_307 = arith.addf %mul3A_306, %get3A_255 : vector<16xf32>
      %max3A_308 = arith.constant 0.000000e+00 : f32
      %max3A_309 = vector.broadcast %max3A_308 : f32 to vector<16xf32>
      %max3A_310 = arith.maximumf %add3A_307, %max3A_309 : vector<16xf32>
      %mul3A_311 = arith.mulf %max3A_310, %get3A_275 : vector<16xf32>
      %add3A_312 = arith.addf %add3A_305, %mul3A_311 : vector<16xf32>
      %swap3A = arith.constant 0 : i32
      %swap3A_313 = arith.index_cast %swap3A : i32 to index
      %swap3A_314 = arith.index_cast %mul3A_216 : i32 to index
      %swap3A_315 = tpu.vector_load %arg8[%swap3A_313, %swap3A_314] {strides = array<i32>} : memref<8x1920xf32, #tpu.memory_space<vmem>>, vector<1x16xf32>,
      %swap3A_316 = vector.shape_cast %swap3A_315 : vector<1x16xf32> to vector<16xf32>
      %swap3A_317 = vector.shape_cast %add3A_312 : vector<16xf32> to vector<1x16xf32>
      tpu.vector_store %arg8[%swap3A_313, %swap3A_314], %swap3A_317 {strides = array<i32>} : memref<8x1920xf32, #tpu.memory_space<vmem>>, vector<1x16xf32>,
      %get3A_318 = arith.constant 1 : i32
      %get3A_319 = arith.index_cast %get3A_318 : i32 to index
      %get3A_320 = arith.index_cast %mul3A_216 : i32 to index
      %get3A_321 = tpu.vector_load %arg6[%get3A_319, %get3A_320] {strides = array<i32>} : memref<8x1920xf32, #tpu.memory_space<vmem>>, vector<1x16xf32>,
      %get3A_322 = vector.shape_cast %get3A_321 : vector<1x16xf32> to vector<16xf32>
      %mul3A_323 = arith.mulf %get3A_322, %get3A_220 : vector<16xf32>
      %add3A_324 = arith.addf %mul3A_323, %get3A_240 : vector<16xf32>
      %max3A_325 = arith.constant 0.000000e+00 : f32
      %max3A_326 = vector.broadcast %max3A_325 : f32 to vector<16xf32>
      %max3A_327 = arith.maximumf %add3A_324, %max3A_326 : vector<16xf32>
      %mul3A_328 = arith.mulf %max3A_327, %get3A_260 : vector<16xf32>
      %add3A_329 = arith.addf %get3A_280, %mul3A_328 : vector<16xf32>
      %mul3A_330 = arith.mulf %get3A_322, %get3A_225 : vector<16xf32>
      %add3A_331 = arith.addf %mul3A_330, %get3A_245 : vector<16xf32>
      %max3A_332 = arith.constant 0.000000e+00 : f32
      %max3A_333 = vector.broadcast %max3A_332 : f32 to vector<16xf32>
      %max3A_334 = arith.maximumf %add3A_331, %max3A_333 : vector<16xf32>
      %mul3A_335 = arith.mulf %max3A_334, %get3A_265 : vector<16xf32>
      %add3A_336 = arith.addf %add3A_329, %mul3A_335 : vector<16xf32>
      %mul3A_337 = arith.mulf %get3A_322, %get3A_230 : vector<16xf32>
      %add3A_338 = arith.addf %mul3A_337, %get3A_250 : vector<16xf32>
      %max3A_339 = arith.constant 0.000000e+00 : f32
      %max3A_340 = vector.broadcast %max3A_339 : f32 to vector<16xf32>
      %max3A_341 = arith.maximumf %add3A_338, %max3A_340 : vector<16xf32>
      %mul3A_342 = arith.mulf %max3A_341, %get3A_270 : vector<16xf32>
      %add3A_343 = arith.addf %add3A_336, %mul3A_342 : vector<16xf32>
      %mul3A_344 = arith.mulf %get3A_322, %get3A_235 : vector<16xf32>
      %add3A_345 = arith.addf %mul3A_344, %get3A_255 : vector<16xf32>
      %max3A_346 = arith.constant 0.000000e+00 : f32
      %max3A_347 = vector.broadcast %max3A_346 : f32 to vector<16xf32>
      %max3A_348 = arith.maximumf %add3A_345, %max3A_347 : vector<16xf32>
      %mul3A_349 = arith.mulf %max3A_348, %get3A_275 : vector<16xf32>
      %add3A_350 = arith.addf %add3A_343, %mul3A_349 : vector<16xf32>
      %swap3A_351 = arith.constant 1 : i32
      %swap3A_352 = arith.index_cast %swap3A_351 : i32 to index
      %swap3A_353 = arith.index_cast %mul3A_216 : i32 to index
      %swap3A_354 = tpu.vector_load %arg8[%swap3A_352, %swap3A_353] {strides = array<i32>} : memref<8x1920xf32, #tpu.memory_space<vmem>>, vector<1x16xf32>,
      %swap3A_355 = vector.shape_cast %swap3A_354 : vector<1x16xf32> to vector<16xf32>
      %swap3A_356 = vector.shape_cast %add3A_350 : vector<16xf32> to vector<1x16xf32>
      tpu.vector_store %arg8[%swap3A_352, %swap3A_353], %swap3A_356 {strides = array<i32>} : memref<8x1920xf32, #tpu.memory_space<vmem>>, vector<1x16xf32>,
      %get3A_357 = arith.constant 2 : i32
      %get3A_358 = arith.index_cast %get3A_357 : i32 to index
      %get3A_359 = arith.index_cast %mul3A_216 : i32 to index
      %get3A_360 = tpu.vector_load %arg6[%get3A_358, %get3A_359] {strides = array<i32>} : memref<8x1920xf32, #tpu.memory_space<vmem>>, vector<1x16xf32>,
      %get3A_361 = vector.shape_cast %get3A_360 : vector<1x16xf32> to vector<16xf32>
      %mul3A_362 = arith.mulf %get3A_361, %get3A_220 : vector<16xf32>
      %add3A_363 = arith.addf %mul3A_362, %get3A_240 : vector<16xf32>
      %max3A_364 = arith.constant 0.000000e+00 : f32
      %max3A_365 = vector.broadcast %max3A_364 : f32 to vector<16xf32>
      %max3A_366 = arith.maximumf %add3A_363, %max3A_365 : vector<16xf32>
      %mul3A_367 = arith.mulf %max3A_366, %get3A_260 : vector<16xf32>
      %add3A_368 = arith.addf %get3A_280, %mul3A_367 : vector<16xf32>
      %mul3A_369 = arith.mulf %get3A_361, %get3A_225 : vector<16xf32>
      %add3A_370 = arith.addf %mul3A_369, %get3A_245 : vector<16xf32>
      %max3A_371 = arith.constant 0.000000e+00 : f32
      %max3A_372 = vector.broadcast %max3A_371 : f32 to vector<16xf32>
      %max3A_373 = arith.maximumf %add3A_370, %max3A_372 : vector<16xf32>
      %mul3A_374 = arith.mulf %max3A_373, %get3A_265 : vector<16xf32>
      %add3A_375 = arith.addf %add3A_368, %mul3A_374 : vector<16xf32>
      %mul3A_376 = arith.mulf %get3A_361, %get3A_230 : vector<16xf32>
      %add3A_377 = arith.addf %mul3A_376, %get3A_250 : vector<16xf32>
      %max3A_378 = arith.constant 0.000000e+00 : f32
      %max3A_379 = vector.broadcast %max3A_378 : f32 to vector<16xf32>
      %max3A_380 = arith.maximumf %add3A_377, %max3A_379 : vector<16xf32>
      %mul3A_381 = arith.mulf %max3A_380, %get3A_270 : vector<16xf32>
      %add3A_382 = arith.addf %add3A_375, %mul3A_381 : vector<16xf32>
      %mul3A_383 = arith.mulf %get3A_361, %get3A_235 : vector<16xf32>
      %add3A_384 = arith.addf %mul3A_383, %get3A_255 : vector<16xf32>
      %max3A_385 = arith.constant 0.000000e+00 : f32
      %max3A_386 = vector.broadcast %max3A_385 : f32 to vector<16xf32>
      %max3A_387 = arith.maximumf %add3A_384, %max3A_386 : vector<16xf32>
      %mul3A_388 = arith.mulf %max3A_387, %get3A_275 : vector<16xf32>
      %add3A_389 = arith.addf %add3A_382, %mul3A_388 : vector<16xf32>
      %swap3A_390 = arith.constant 2 : i32
      %swap3A_391 = arith.index_cast %swap3A_390 : i32 to index
      %swap3A_392 = arith.index_cast %mul3A_216 : i32 to index
      %swap3A_393 = tpu.vector_load %arg8[%swap3A_391, %swap3A_392] {strides = array<i32>} : memref<8x1920xf32, #tpu.memory_space<vmem>>, vector<1x16xf32>,
      %swap3A_394 = vector.shape_cast %swap3A_393 : vector<1x16xf32> to vector<16xf32>
      %swap3A_395 = vector.shape_cast %add3A_389 : vector<16xf32> to vector<1x16xf32>
      tpu.vector_store %arg8[%swap3A_391, %swap3A_392], %swap3A_395 {strides = array<i32>} : memref<8x1920xf32, #tpu.memory_space<vmem>>, vector<1x16xf32>,
      %get3A_396 = arith.constant 3 : i32
      %get3A_397 = arith.index_cast %get3A_396 : i32 to index
      %get3A_398 = arith.index_cast %mul3A_216 : i32 to index
      %get3A_399 = tpu.vector_load %arg6[%get3A_397, %get3A_398] {strides = array<i32>} : memref<8x1920xf32, #tpu.memory_space<vmem>>, vector<1x16xf32>,
      %get3A_400 = vector.shape_cast %get3A_399 : vector<1x16xf32> to vector<16xf32>
      %mul3A_401 = arith.mulf %get3A_400, %get3A_220 : vector<16xf32>
      %add3A_402 = arith.addf %mul3A_401, %get3A_240 : vector<16xf32>
      %max3A_403 = arith.constant 0.000000e+00 : f32
      %max3A_404 = vector.broadcast %max3A_403 : f32 to vector<16xf32>
      %max3A_405 = arith.maximumf %add3A_402, %max3A_404 : vector<16xf32>
      %mul3A_406 = arith.mulf %max3A_405, %get3A_260 : vector<16xf32>
      %add3A_407 = arith.addf %get3A_280, %mul3A_406 : vector<16xf32>
      %mul3A_408 = arith.mulf %get3A_400, %get3A_225 : vector<16xf32>
      %add3A_409 = arith.addf %mul3A_408, %get3A_245 : vector<16xf32>
      %max3A_410 = arith.constant 0.000000e+00 : f32
      %max3A_411 = vector.broadcast %max3A_410 : f32 to vector<16xf32>
      %max3A_412 = arith.maximumf %add3A_409, %max3A_411 : vector<16xf32>
      %mul3A_413 = arith.mulf %max3A_412, %get3A_265 : vector<16xf32>
      %add3A_414 = arith.addf %add3A_407, %mul3A_413 : vector<16xf32>
      %mul3A_415 = arith.mulf %get3A_400, %get3A_230 : vector<16xf32>
      %add3A_416 = arith.addf %mul3A_415, %get3A_250 : vector<16xf32>
      %max3A_417 = arith.constant 0.000000e+00 : f32
      %max3A_418 = vector.broadcast %max3A_417 : f32 to vector<16xf32>
      %max3A_419 = arith.maximumf %add3A_416, %max3A_418 : vector<16xf32>
      %mul3A_420 = arith.mulf %max3A_419, %get3A_270 : vector<16xf32>
      %add3A_421 = arith.addf %add3A_414, %mul3A_420 : vector<16xf32>
      %mul3A_422 = arith.mulf %get3A_400, %get3A_235 : vector<16xf32>
      %add3A_423 = arith.addf %mul3A_422, %get3A_255 : vector<16xf32>
      %max3A_424 = arith.constant 0.000000e+00 : f32
      %max3A_425 = vector.broadcast %max3A_424 : f32 to vector<16xf32>
      %max3A_426 = arith.maximumf %add3A_423, %max3A_425 : vector<16xf32>
      %mul3A_427 = arith.mulf %max3A_426, %get3A_275 : vector<16xf32>
      %add3A_428 = arith.addf %add3A_421, %mul3A_427 : vector<16xf32>
      %swap3A_429 = arith.constant 3 : i32
      %swap3A_430 = arith.index_cast %swap3A_429 : i32 to index
      %swap3A_431 = arith.index_cast %mul3A_216 : i32 to index
      %swap3A_432 = tpu.vector_load %arg8[%swap3A_430, %swap3A_431] {strides = array<i32>} : memref<8x1920xf32, #tpu.memory_space<vmem>>, vector<1x16xf32>,
      %swap3A_433 = vector.shape_cast %swap3A_432 : vector<1x16xf32> to vector<16xf32>
      %swap3A_434 = vector.shape_cast %add3A_428 : vector<16xf32> to vector<1x16xf32>
      tpu.vector_store %arg8[%swap3A_430, %swap3A_431], %swap3A_434 {strides = array<i32>} : memref<8x1920xf32, #tpu.memory_space<vmem>>, vector<1x16xf32>,
      %get3A_435 = arith.constant 4 : i32
      %get3A_436 = arith.index_cast %get3A_435 : i32 to index
      %get3A_437 = arith.index_cast %mul3A_216 : i32 to index
      %get3A_438 = tpu.vector_load %arg6[%get3A_436, %get3A_437] {strides = array<i32>} : memref<8x1920xf32, #tpu.memory_space<vmem>>, vector<1x16xf32>,
      %get3A_439 = vector.shape_cast %get3A_438 : vector<1x16xf32> to vector<16xf32>
      %mul3A_440 = arith.mulf %get3A_439, %get3A_220 : vector<16xf32>
      %add3A_441 = arith.addf %mul3A_440, %get3A_240 : vector<16xf32>
      %max3A_442 = arith.constant 0.000000e+00 : f32
      %max3A_443 = vector.broadcast %max3A_442 : f32 to vector<16xf32>
      %max3A_444 = arith.maximumf %add3A_441, %max3A_443 : vector<16xf32>
      %mul3A_445 = arith.mulf %max3A_444, %get3A_260 : vector<16xf32>
      %add3A_446 = arith.addf %get3A_280, %mul3A_445 : vector<16xf32>
      %mul3A_447 = arith.mulf %get3A_439, %get3A_225 : vector<16xf32>
      %add3A_448 = arith.addf %mul3A_447, %get3A_245 : vector<16xf32>
      %max3A_449 = arith.constant 0.000000e+00 : f32
      %max3A_450 = vector.broadcast %max3A_449 : f32 to vector<16xf32>
      %max3A_451 = arith.maximumf %add3A_448, %max3A_450 : vector<16xf32>
      %mul3A_452 = arith.mulf %max3A_451, %get3A_265 : vector<16xf32>
      %add3A_453 = arith.addf %add3A_446, %mul3A_452 : vector<16xf32>
      %mul3A_454 = arith.mulf %get3A_439, %get3A_230 : vector<16xf32>
      %add3A_455 = arith.addf %mul3A_454, %get3A_250 : vector<16xf32>
      %max3A_456 = arith.constant 0.000000e+00 : f32
      %max3A_457 = vector.broadcast %max3A_456 : f32 to vector<16xf32>
      %max3A_458 = arith.maximumf %add3A_455, %max3A_457 : vector<16xf32>
      %mul3A_459 = arith.mulf %max3A_458, %get3A_270 : vector<16xf32>
      %add3A_460 = arith.addf %add3A_453, %mul3A_459 : vector<16xf32>
      %mul3A_461 = arith.mulf %get3A_439, %get3A_235 : vector<16xf32>
      %add3A_462 = arith.addf %mul3A_461, %get3A_255 : vector<16xf32>
      %max3A_463 = arith.constant 0.000000e+00 : f32
      %max3A_464 = vector.broadcast %max3A_463 : f32 to vector<16xf32>
      %max3A_465 = arith.maximumf %add3A_462, %max3A_464 : vector<16xf32>
      %mul3A_466 = arith.mulf %max3A_465, %get3A_275 : vector<16xf32>
      %add3A_467 = arith.addf %add3A_460, %mul3A_466 : vector<16xf32>
      %swap3A_468 = arith.constant 4 : i32
      %swap3A_469 = arith.index_cast %swap3A_468 : i32 to index
      %swap3A_470 = arith.index_cast %mul3A_216 : i32 to index
      %swap3A_471 = tpu.vector_load %arg8[%swap3A_469, %swap3A_470] {strides = array<i32>} : memref<8x1920xf32, #tpu.memory_space<vmem>>, vector<1x16xf32>,
      %swap3A_472 = vector.shape_cast %swap3A_471 : vector<1x16xf32> to vector<16xf32>
      %swap3A_473 = vector.shape_cast %add3A_467 : vector<16xf32> to vector<1x16xf32>
      tpu.vector_store %arg8[%swap3A_469, %swap3A_470], %swap3A_473 {strides = array<i32>} : memref<8x1920xf32, #tpu.memory_space<vmem>>, vector<1x16xf32>,
      %get3A_474 = arith.constant 5 : i32
      %get3A_475 = arith.index_cast %get3A_474 : i32 to index
      %get3A_476 = arith.index_cast %mul3A_216 : i32 to index
      %get3A_477 = tpu.vector_load %arg6[%get3A_475, %get3A_476] {strides = array<i32>} : memref<8x1920xf32, #tpu.memory_space<vmem>>, vector<1x16xf32>,
      %get3A_478 = vector.shape_cast %get3A_477 : vector<1x16xf32> to vector<16xf32>
      %mul3A_479 = arith.mulf %get3A_478, %get3A_220 : vector<16xf32>
      %add3A_480 = arith.addf %mul3A_479, %get3A_240 : vector<16xf32>
      %max3A_481 = arith.constant 0.000000e+00 : f32
      %max3A_482 = vector.broadcast %max3A_481 : f32 to vector<16xf32>
      %max3A_483 = arith.maximumf %add3A_480, %max3A_482 : vector<16xf32>
      %mul3A_484 = arith.mulf %max3A_483, %get3A_260 : vector<16xf32>
      %add3A_485 = arith.addf %get3A_280, %mul3A_484 : vector<16xf32>
      %mul3A_486 = arith.mulf %get3A_478, %get3A_225 : vector<16xf32>
      %add3A_487 = arith.addf %mul3A_486, %get3A_245 : vector<16xf32>
      %max3A_488 = arith.constant 0.000000e+00 : f32
      %max3A_489 = vector.broadcast %max3A_488 : f32 to vector<16xf32>
      %max3A_490 = arith.maximumf %add3A_487, %max3A_489 : vector<16xf32>
      %mul3A_491 = arith.mulf %max3A_490, %get3A_265 : vector<16xf32>
      %add3A_492 = arith.addf %add3A_485, %mul3A_491 : vector<16xf32>
      %mul3A_493 = arith.mulf %get3A_478, %get3A_230 : vector<16xf32>
      %add3A_494 = arith.addf %mul3A_493, %get3A_250 : vector<16xf32>
      %max3A_495 = arith.constant 0.000000e+00 : f32
      %max3A_496 = vector.broadcast %max3A_495 : f32 to vector<16xf32>
      %max3A_497 = arith.maximumf %add3A_494, %max3A_496 : vector<16xf32>
      %mul3A_498 = arith.mulf %max3A_497, %get3A_270 : vector<16xf32>
      %add3A_499 = arith.addf %add3A_492, %mul3A_498 : vector<16xf32>
      %mul3A_500 = arith.mulf %get3A_478, %get3A_235 : vector<16xf32>
      %add3A_501 = arith.addf %mul3A_500, %get3A_255 : vector<16xf32>
      %max3A_502 = arith.constant 0.000000e+00 : f32
      %max3A_503 = vector.broadcast %max3A_502 : f32 to vector<16xf32>
      %max3A_504 = arith.maximumf %add3A_501, %max3A_503 : vector<16xf32>
      %mul3A_505 = arith.mulf %max3A_504, %get3A_275 : vector<16xf32>
      %add3A_506 = arith.addf %add3A_499, %mul3A_505 : vector<16xf32>
      %swap3A_507 = arith.constant 5 : i32
      %swap3A_508 = arith.index_cast %swap3A_507 : i32 to index
      %swap3A_509 = arith.index_cast %mul3A_216 : i32 to index
      %swap3A_510 = tpu.vector_load %arg8[%swap3A_508, %swap3A_509] {strides = array<i32>} : memref<8x1920xf32, #tpu.memory_space<vmem>>, vector<1x16xf32>,
      %swap3A_511 = vector.shape_cast %swap3A_510 : vector<1x16xf32> to vector<16xf32>
      %swap3A_512 = vector.shape_cast %add3A_506 : vector<16xf32> to vector<1x16xf32>
      tpu.vector_store %arg8[%swap3A_508, %swap3A_509], %swap3A_512 {strides = array<i32>} : memref<8x1920xf32, #tpu.memory_space<vmem>>, vector<1x16xf32>,
      %get3A_513 = arith.constant 6 : i32
      %get3A_514 = arith.index_cast %get3A_513 : i32 to index
      %get3A_515 = arith.index_cast %mul3A_216 : i32 to index
      %get3A_516 = tpu.vector_load %arg6[%get3A_514, %get3A_515] {strides = array<i32>} : memref<8x1920xf32, #tpu.memory_space<vmem>>, vector<1x16xf32>,
      %get3A_517 = vector.shape_cast %get3A_516 : vector<1x16xf32> to vector<16xf32>
      %mul3A_518 = arith.mulf %get3A_517, %get3A_220 : vector<16xf32>
      %add3A_519 = arith.addf %mul3A_518, %get3A_240 : vector<16xf32>
      %max3A_520 = arith.constant 0.000000e+00 : f32
      %max3A_521 = vector.broadcast %max3A_520 : f32 to vector<16xf32>
      %max3A_522 = arith.maximumf %add3A_519, %max3A_521 : vector<16xf32>
      %mul3A_523 = arith.mulf %max3A_522, %get3A_260 : vector<16xf32>
      %add3A_524 = arith.addf %get3A_280, %mul3A_523 : vector<16xf32>
      %mul3A_525 = arith.mulf %get3A_517, %get3A_225 : vector<16xf32>
      %add3A_526 = arith.addf %mul3A_525, %get3A_245 : vector<16xf32>
      %max3A_527 = arith.constant 0.000000e+00 : f32
      %max3A_528 = vector.broadcast %max3A_527 : f32 to vector<16xf32>
      %max3A_529 = arith.maximumf %add3A_526, %max3A_528 : vector<16xf32>
      %mul3A_530 = arith.mulf %max3A_529, %get3A_265 : vector<16xf32>
      %add3A_531 = arith.addf %add3A_524, %mul3A_530 : vector<16xf32>
      %mul3A_532 = arith.mulf %get3A_517, %get3A_230 : vector<16xf32>
      %add3A_533 = arith.addf %mul3A_532, %get3A_250 : vector<16xf32>
      %max3A_534 = arith.constant 0.000000e+00 : f32
      %max3A_535 = vector.broadcast %max3A_534 : f32 to vector<16xf32>
      %max3A_536 = arith.maximumf %add3A_533, %max3A_535 : vector<16xf32>
      %mul3A_537 = arith.mulf %max3A_536, %get3A_270 : vector<16xf32>
      %add3A_538 = arith.addf %add3A_531, %mul3A_537 : vector<16xf32>
      %mul3A_539 = arith.mulf %get3A_517, %get3A_235 : vector<16xf32>
      %add3A_540 = arith.addf %mul3A_539, %get3A_255 : vector<16xf32>
      %max3A_541 = arith.constant 0.000000e+00 : f32
      %max3A_542 = vector.broadcast %max3A_541 : f32 to vector<16xf32>
      %max3A_543 = arith.maximumf %add3A_540, %max3A_542 : vector<16xf32>
      %mul3A_544 = arith.mulf %max3A_543, %get3A_275 : vector<16xf32>
      %add3A_545 = arith.addf %add3A_538, %mul3A_544 : vector<16xf32>
      %swap3A_546 = arith.constant 6 : i32
      %swap3A_547 = arith.index_cast %swap3A_546 : i32 to index
      %swap3A_548 = arith.index_cast %mul3A_216 : i32 to index
      %swap3A_549 = tpu.vector_load %arg8[%swap3A_547, %swap3A_548] {strides = array<i32>} : memref<8x1920xf32, #tpu.memory_space<vmem>>, vector<1x16xf32>,
      %swap3A_550 = vector.shape_cast %swap3A_549 : vector<1x16xf32> to vector<16xf32>
      %swap3A_551 = vector.shape_cast %add3A_545 : vector<16xf32> to vector<1x16xf32>
      tpu.vector_store %arg8[%swap3A_547, %swap3A_548], %swap3A_551 {strides = array<i32>} : memref<8x1920xf32, #tpu.memory_space<vmem>>, vector<1x16xf32>,
      %get3A_552 = arith.constant 7 : i32
      %get3A_553 = arith.index_cast %get3A_552 : i32 to index
      %get3A_554 = arith.index_cast %mul3A_216 : i32 to index
      %get3A_555 = tpu.vector_load %arg6[%get3A_553, %get3A_554] {strides = array<i32>} : memref<8x1920xf32, #tpu.memory_space<vmem>>, vector<1x16xf32>,
      %get3A_556 = vector.shape_cast %get3A_555 : vector<1x16xf32> to vector<16xf32>
      %mul3A_557 = arith.mulf %get3A_556, %get3A_220 : vector<16xf32>
      %add3A_558 = arith.addf %mul3A_557, %get3A_240 : vector<16xf32>
      %max3A_559 = arith.constant 0.000000e+00 : f32
      %max3A_560 = vector.broadcast %max3A_559 : f32 to vector<16xf32>
      %max3A_561 = arith.maximumf %add3A_558, %max3A_560 : vector<16xf32>
      %mul3A_562 = arith.mulf %max3A_561, %get3A_260 : vector<16xf32>
      %add3A_563 = arith.addf %get3A_280, %mul3A_562 : vector<16xf32>
      %mul3A_564 = arith.mulf %get3A_556, %get3A_225 : vector<16xf32>
      %add3A_565 = arith.addf %mul3A_564, %get3A_245 : vector<16xf32>
      %max3A_566 = arith.constant 0.000000e+00 : f32
      %max3A_567 = vector.broadcast %max3A_566 : f32 to vector<16xf32>
      %max3A_568 = arith.maximumf %add3A_565, %max3A_567 : vector<16xf32>
      %mul3A_569 = arith.mulf %max3A_568, %get3A_265 : vector<16xf32>
      %add3A_570 = arith.addf %add3A_563, %mul3A_569 : vector<16xf32>
      %mul3A_571 = arith.mulf %get3A_556, %get3A_230 : vector<16xf32>
      %add3A_572 = arith.addf %mul3A_571, %get3A_250 : vector<16xf32>
      %max3A_573 = arith.constant 0.000000e+00 : f32
      %max3A_574 = vector.broadcast %max3A_573 : f32 to vector<16xf32>
      %max3A_575 = arith.maximumf %add3A_572, %max3A_574 : vector<16xf32>
      %mul3A_576 = arith.mulf %max3A_575, %get3A_270 : vector<16xf32>
      %add3A_577 = arith.addf %add3A_570, %mul3A_576 : vector<16xf32>
      %mul3A_578 = arith.mulf %get3A_556, %get3A_235 : vector<16xf32>
      %add3A_579 = arith.addf %mul3A_578, %get3A_255 : vector<16xf32>
      %max3A_580 = arith.constant 0.000000e+00 : f32
      %max3A_581 = vector.broadcast %max3A_580 : f32 to vector<16xf32>
      %max3A_582 = arith.maximumf %add3A_579, %max3A_581 : vector<16xf32>
      %mul3A_583 = arith.mulf %max3A_582, %get3A_275 : vector<16xf32>
      %add3A_584 = arith.addf %add3A_577, %mul3A_583 : vector<16xf32>
      %swap3A_585 = arith.constant 7 : i32
      %swap3A_586 = arith.index_cast %swap3A_585 : i32 to index
      %swap3A_587 = arith.index_cast %mul3A_216 : i32 to index
      %swap3A_588 = tpu.vector_load %arg8[%swap3A_586, %swap3A_587] {strides = array<i32>} : memref<8x1920xf32, #tpu.memory_space<vmem>>, vector<1x16xf32>,
      %swap3A_589 = vector.shape_cast %swap3A_588 : vector<1x16xf32> to vector<16xf32>
      %swap3A_590 = vector.shape_cast %add3A_584 : vector<16xf32> to vector<1x16xf32>
      tpu.vector_store %arg8[%swap3A_586, %swap3A_587], %swap3A_590 {strides = array<i32>} : memref<8x1920xf32, #tpu.memory_space<vmem>>, vector<1x16xf32>,
    }
    %scan3A_185 = arith.constant 120 : i32
    %add3A_186 = arith.constant 0 : i32
    %add3A_187 = arith.addi %mul3A_2, %add3A_186 : i32
    %dma_start3A_188 = arith.constant 7680 : i32
    %dma_start3A_189 = tpu.memref_slice %arg4[%add3A_187, %dma_start3A_188] : memref<256x10000xf32, #tpu.memory_space<hbm>> -> memref<8x1920xf32, #tpu.memory_space<hbm>>
    %dma_start3A_190 = arith.constant 7680 : i32
    %dma_start3A_191 = tpu.memref_slice %arg4[%add3A_187, %dma_start3A_190] : memref<256x10000xf32, #tpu.memory_space<hbm>> -> memref<8x1920xf32, #tpu.memory_space<hbm>>
    tpu.enqueue_dma source(%arg8 : memref<8x1920xf32, #tpu.memory_space<vmem>>) target(%dma_start3A_191 : memref<8x1920xf32, #tpu.memory_space<hbm>>) target_semaphore(%arg16 : memref<!tpu.dma_semaphore, #tpu.memory_space<semaphore_mem>>)
    %dma_wait3A_192 = arith.constant 5760 : i32
    %dma_wait3A_193 = tpu.memref_slice %arg4[%add3A_161, %dma_wait3A_192] : memref<256x10000xf32, #tpu.memory_space<hbm>> -> memref<8x1920xf32, #tpu.memory_space<hbm>>
    %dma_wait3A_194 = arith.constant 5760 : i32
    %dma_wait3A_195 = tpu.memref_slice %arg4[%add3A_161, %dma_wait3A_194] : memref<256x10000xf32, #tpu.memory_space<hbm>> -> memref<8x1920xf32, #tpu.memory_space<hbm>>
    tpu.wait_dma2 semaphore(%arg17 : memref<!tpu.dma_semaphore, #tpu.memory_space<semaphore_mem>>) src(%arg9 : memref<8x1920xf32, #tpu.memory_space<vmem>>) dst(%dma_wait3A_195 : memref<8x1920xf32, #tpu.memory_space<hbm>>)
    %dma_wait3A_196 = arith.constant 7680 : i32
    %dma_wait3A_197 = tpu.memref_slice %arg4[%add3A_187, %dma_wait3A_196] : memref<256x10000xf32, #tpu.memory_space<hbm>> -> memref<8x1920xf32, #tpu.memory_space<hbm>>
    %dma_wait3A_198 = arith.constant 7680 : i32
    %dma_wait3A_199 = tpu.memref_slice %arg4[%add3A_187, %dma_wait3A_198] : memref<256x10000xf32, #tpu.memory_space<hbm>> -> memref<8x1920xf32, #tpu.memory_space<hbm>>
    tpu.wait_dma2 semaphore(%arg16 : memref<!tpu.dma_semaphore, #tpu.memory_space<semaphore_mem>>) src(%arg8 : memref<8x1920xf32, #tpu.memory_space<vmem>>) dst(%dma_wait3A_199 : memref<8x1920xf32, #tpu.memory_space<hbm>>)
    "tpu.region"() ({
      %run_scoped3A = tpu.sem_alloc : memref<!tpu.dma_semaphore, #tpu.memory_space<semaphore_mem>>
      %dma_start3A_214 = arith.constant 0 : i32
      %dma_start3A_215 = arith.constant 9600 : i32
      %dma_start3A_216 = tpu.memref_slice %arg3[%dma_start3A_214, %dma_start3A_215] : memref<13x10112xf32, #tpu.memory_space<hbm>> -> memref<13x512xf32, #tpu.memory_space<hbm>>
      %dma_start3A_217 = arith.constant 0 : i32
      %dma_start3A_218 = arith.constant 9600 : i32
      %dma_start3A_219 = tpu.memref_slice %arg3[%dma_start3A_217, %dma_start3A_218] : memref<13x10112xf32, #tpu.memory_space<hbm>> -> memref<13x512xf32, #tpu.memory_space<hbm>>
      tpu.enqueue_dma source(%dma_start3A_219 : memref<13x512xf32, #tpu.memory_space<hbm>>) target(%arg10 : memref<13x512xf32, #tpu.memory_space<vmem>>) target_semaphore(%run_scoped3A : memref<!tpu.dma_semaphore, #tpu.memory_space<semaphore_mem>>)
      %dma_wait3A_220 = arith.constant 0 : i32
      %dma_wait3A_221 = arith.constant 9600 : i32
      %dma_wait3A_222 = tpu.memref_slice %arg3[%dma_wait3A_220, %dma_wait3A_221] : memref<13x10112xf32, #tpu.memory_space<hbm>> -> memref<13x512xf32, #tpu.memory_space<hbm>>
      %dma_wait3A_223 = arith.constant 0 : i32
      %dma_wait3A_224 = arith.constant 9600 : i32
      %dma_wait3A_225 = tpu.memref_slice %arg3[%dma_wait3A_223, %dma_wait3A_224] : memref<13x10112xf32, #tpu.memory_space<hbm>> -> memref<13x512xf32, #tpu.memory_space<hbm>>
      tpu.wait_dma2 semaphore(%run_scoped3A : memref<!tpu.dma_semaphore, #tpu.memory_space<semaphore_mem>>) src(%dma_wait3A_225 : memref<13x512xf32, #tpu.memory_space<hbm>>) dst(%arg10 : memref<13x512xf32, #tpu.memory_space<vmem>>)
      tpu.yield
    }) : () -> ()
    %scan3A_200 = arith.constant 0 : i32
    %scan3A_201 = arith.constant 0 : i32
    %mul3A_202 = arith.constant 8 : i32
    %mul3A_203 = arith.muli %scan3A_201, %mul3A_202 : i32
    %add3A_204 = arith.addi %mul3A_2, %mul3A_203 : i32
    %add3A_205 = arith.constant 768 : i32
    %add3A_206 = arith.addi %add3A_205, %add3A_204 : i32
    "tpu.region"() ({
      %run_scoped3A = tpu.sem_alloc : memref<!tpu.dma_semaphore, #tpu.memory_space<semaphore_mem>>
      %dma_start3A_214 = arith.constant 9600 : i32
      %dma_start3A_215 = tpu.memref_slice %arg2[%add3A_206, %dma_start3A_214] : memref<1024x10000xf32, #tpu.memory_space<hbm>> -> memref<8x400xf32, #tpu.memory_space<hbm>>
      %dma_start3A_216 = arith.constant 9600 : i32
      %dma_start3A_217 = tpu.memref_slice %arg2[%add3A_206, %dma_start3A_216] : memref<1024x10000xf32, #tpu.memory_space<hbm>> -> memref<8x400xf32, #tpu.memory_space<hbm>>
      tpu.enqueue_dma source(%dma_start3A_217 : memref<8x400xf32, #tpu.memory_space<hbm>>) target(%arg11 : memref<8x400xf32, #tpu.memory_space<vmem>>) target_semaphore(%run_scoped3A : memref<!tpu.dma_semaphore, #tpu.memory_space<semaphore_mem>>)
      %dma_wait3A_218 = arith.constant 9600 : i32
      %dma_wait3A_219 = tpu.memref_slice %arg2[%add3A_206, %dma_wait3A_218] : memref<1024x10000xf32, #tpu.memory_space<hbm>> -> memref<8x400xf32, #tpu.memory_space<hbm>>
      %dma_wait3A_220 = arith.constant 9600 : i32
      %dma_wait3A_221 = tpu.memref_slice %arg2[%add3A_206, %dma_wait3A_220] : memref<1024x10000xf32, #tpu.memory_space<hbm>> -> memref<8x400xf32, #tpu.memory_space<hbm>>
      tpu.wait_dma2 semaphore(%run_scoped3A : memref<!tpu.dma_semaphore, #tpu.memory_space<semaphore_mem>>) src(%dma_wait3A_221 : memref<8x400xf32, #tpu.memory_space<hbm>>) dst(%arg11 : memref<8x400xf32, #tpu.memory_space<vmem>>)
      tpu.yield
    }) : () -> ()
    %scan3A_207 = arith.constant 0 : i32
    %scan3A_208 = arith.constant 0 : i32
    %scan3A_209 = arith.constant 25 : i32
    %scan3A_210 = arith.addi %scan3A_208, %scan3A_209 : i32
    %scan3A_211 = arith.constant 1 : i32
    scf.for %scan3A_214 = %scan3A_208 to %scan3A_210 step %scan3A_211  : i32 {
      %mul3A_215 = arith.constant 16 : i32
      %mul3A_216 = arith.muli %scan3A_214, %mul3A_215 : i32
      %get3A = arith.constant 0 : i32
      %get3A_217 = arith.index_cast %get3A : i32 to index
      %get3A_218 = arith.index_cast %mul3A_216 : i32 to index
      %get3A_219 = tpu.vector_load %arg10[%get3A_217, %get3A_218] {strides = array<i32>} : memref<13x512xf32, #tpu.memory_space<vmem>>, vector<1x16xf32>,
      %get3A_220 = vector.shape_cast %get3A_219 : vector<1x16xf32> to vector<16xf32>
      %get3A_221 = arith.constant 1 : i32
      %get3A_222 = arith.index_cast %get3A_221 : i32 to index
      %get3A_223 = arith.index_cast %mul3A_216 : i32 to index
      %get3A_224 = tpu.vector_load %arg10[%get3A_222, %get3A_223] {strides = array<i32>} : memref<13x512xf32, #tpu.memory_space<vmem>>, vector<1x16xf32>,
      %get3A_225 = vector.shape_cast %get3A_224 : vector<1x16xf32> to vector<16xf32>
      %get3A_226 = arith.constant 2 : i32
      %get3A_227 = arith.index_cast %get3A_226 : i32 to index
      %get3A_228 = arith.index_cast %mul3A_216 : i32 to index
      %get3A_229 = tpu.vector_load %arg10[%get3A_227, %get3A_228] {strides = array<i32>} : memref<13x512xf32, #tpu.memory_space<vmem>>, vector<1x16xf32>,
      %get3A_230 = vector.shape_cast %get3A_229 : vector<1x16xf32> to vector<16xf32>
      %get3A_231 = arith.constant 3 : i32
      %get3A_232 = arith.index_cast %get3A_231 : i32 to index
      %get3A_233 = arith.index_cast %mul3A_216 : i32 to index
      %get3A_234 = tpu.vector_load %arg10[%get3A_232, %get3A_233] {strides = array<i32>} : memref<13x512xf32, #tpu.memory_space<vmem>>, vector<1x16xf32>,
      %get3A_235 = vector.shape_cast %get3A_234 : vector<1x16xf32> to vector<16xf32>
      %get3A_236 = arith.constant 4 : i32
      %get3A_237 = arith.index_cast %get3A_236 : i32 to index
      %get3A_238 = arith.index_cast %mul3A_216 : i32 to index
      %get3A_239 = tpu.vector_load %arg10[%get3A_237, %get3A_238] {strides = array<i32>} : memref<13x512xf32, #tpu.memory_space<vmem>>, vector<1x16xf32>,
      %get3A_240 = vector.shape_cast %get3A_239 : vector<1x16xf32> to vector<16xf32>
      %get3A_241 = arith.constant 5 : i32
      %get3A_242 = arith.index_cast %get3A_241 : i32 to index
      %get3A_243 = arith.index_cast %mul3A_216 : i32 to index
      %get3A_244 = tpu.vector_load %arg10[%get3A_242, %get3A_243] {strides = array<i32>} : memref<13x512xf32, #tpu.memory_space<vmem>>, vector<1x16xf32>,
      %get3A_245 = vector.shape_cast %get3A_244 : vector<1x16xf32> to vector<16xf32>
      %get3A_246 = arith.constant 6 : i32
      %get3A_247 = arith.index_cast %get3A_246 : i32 to index
      %get3A_248 = arith.index_cast %mul3A_216 : i32 to index
      %get3A_249 = tpu.vector_load %arg10[%get3A_247, %get3A_248] {strides = array<i32>} : memref<13x512xf32, #tpu.memory_space<vmem>>, vector<1x16xf32>,
      %get3A_250 = vector.shape_cast %get3A_249 : vector<1x16xf32> to vector<16xf32>
      %get3A_251 = arith.constant 7 : i32
      %get3A_252 = arith.index_cast %get3A_251 : i32 to index
      %get3A_253 = arith.index_cast %mul3A_216 : i32 to index
      %get3A_254 = tpu.vector_load %arg10[%get3A_252, %get3A_253] {strides = array<i32>} : memref<13x512xf32, #tpu.memory_space<vmem>>, vector<1x16xf32>,
      %get3A_255 = vector.shape_cast %get3A_254 : vector<1x16xf32> to vector<16xf32>
      %get3A_256 = arith.constant 8 : i32
      %get3A_257 = arith.index_cast %get3A_256 : i32 to index
      %get3A_258 = arith.index_cast %mul3A_216 : i32 to index
      %get3A_259 = tpu.vector_load %arg10[%get3A_257, %get3A_258] {strides = array<i32>} : memref<13x512xf32, #tpu.memory_space<vmem>>, vector<1x16xf32>,
      %get3A_260 = vector.shape_cast %get3A_259 : vector<1x16xf32> to vector<16xf32>
      %get3A_261 = arith.constant 9 : i32
      %get3A_262 = arith.index_cast %get3A_261 : i32 to index
      %get3A_263 = arith.index_cast %mul3A_216 : i32 to index
      %get3A_264 = tpu.vector_load %arg10[%get3A_262, %get3A_263] {strides = array<i32>} : memref<13x512xf32, #tpu.memory_space<vmem>>, vector<1x16xf32>,
      %get3A_265 = vector.shape_cast %get3A_264 : vector<1x16xf32> to vector<16xf32>
      %get3A_266 = arith.constant 10 : i32
      %get3A_267 = arith.index_cast %get3A_266 : i32 to index
      %get3A_268 = arith.index_cast %mul3A_216 : i32 to index
      %get3A_269 = tpu.vector_load %arg10[%get3A_267, %get3A_268] {strides = array<i32>} : memref<13x512xf32, #tpu.memory_space<vmem>>, vector<1x16xf32>,
      %get3A_270 = vector.shape_cast %get3A_269 : vector<1x16xf32> to vector<16xf32>
      %get3A_271 = arith.constant 11 : i32
      %get3A_272 = arith.index_cast %get3A_271 : i32 to index
      %get3A_273 = arith.index_cast %mul3A_216 : i32 to index
      %get3A_274 = tpu.vector_load %arg10[%get3A_272, %get3A_273] {strides = array<i32>} : memref<13x512xf32, #tpu.memory_space<vmem>>, vector<1x16xf32>,
      %get3A_275 = vector.shape_cast %get3A_274 : vector<1x16xf32> to vector<16xf32>
      %get3A_276 = arith.constant 12 : i32
      %get3A_277 = arith.index_cast %get3A_276 : i32 to index
      %get3A_278 = arith.index_cast %mul3A_216 : i32 to index
      %get3A_279 = tpu.vector_load %arg10[%get3A_277, %get3A_278] {strides = array<i32>} : memref<13x512xf32, #tpu.memory_space<vmem>>, vector<1x16xf32>,
      %get3A_280 = vector.shape_cast %get3A_279 : vector<1x16xf32> to vector<16xf32>
      %get3A_281 = arith.constant 0 : i32
      %get3A_282 = arith.index_cast %get3A_281 : i32 to index
      %get3A_283 = arith.index_cast %mul3A_216 : i32 to index
      %get3A_284 = tpu.vector_load %arg11[%get3A_282, %get3A_283] {strides = array<i32>} : memref<8x400xf32, #tpu.memory_space<vmem>>, vector<1x16xf32>,
      %get3A_285 = vector.shape_cast %get3A_284 : vector<1x16xf32> to vector<16xf32>
      %mul3A_286 = arith.mulf %get3A_285, %get3A_220 : vector<16xf32>
      %add3A_287 = arith.addf %mul3A_286, %get3A_240 : vector<16xf32>
      %max3A = arith.constant 0.000000e+00 : f32
      %max3A_288 = vector.broadcast %max3A : f32 to vector<16xf32>
      %max3A_289 = arith.maximumf %add3A_287, %max3A_288 : vector<16xf32>
      %mul3A_290 = arith.mulf %max3A_289, %get3A_260 : vector<16xf32>
      %add3A_291 = arith.addf %get3A_280, %mul3A_290 : vector<16xf32>
      %mul3A_292 = arith.mulf %get3A_285, %get3A_225 : vector<16xf32>
      %add3A_293 = arith.addf %mul3A_292, %get3A_245 : vector<16xf32>
      %max3A_294 = arith.constant 0.000000e+00 : f32
      %max3A_295 = vector.broadcast %max3A_294 : f32 to vector<16xf32>
      %max3A_296 = arith.maximumf %add3A_293, %max3A_295 : vector<16xf32>
      %mul3A_297 = arith.mulf %max3A_296, %get3A_265 : vector<16xf32>
      %add3A_298 = arith.addf %add3A_291, %mul3A_297 : vector<16xf32>
      %mul3A_299 = arith.mulf %get3A_285, %get3A_230 : vector<16xf32>
      %add3A_300 = arith.addf %mul3A_299, %get3A_250 : vector<16xf32>
      %max3A_301 = arith.constant 0.000000e+00 : f32
      %max3A_302 = vector.broadcast %max3A_301 : f32 to vector<16xf32>
      %max3A_303 = arith.maximumf %add3A_300, %max3A_302 : vector<16xf32>
      %mul3A_304 = arith.mulf %max3A_303, %get3A_270 : vector<16xf32>
      %add3A_305 = arith.addf %add3A_298, %mul3A_304 : vector<16xf32>
      %mul3A_306 = arith.mulf %get3A_285, %get3A_235 : vector<16xf32>
      %add3A_307 = arith.addf %mul3A_306, %get3A_255 : vector<16xf32>
      %max3A_308 = arith.constant 0.000000e+00 : f32
      %max3A_309 = vector.broadcast %max3A_308 : f32 to vector<16xf32>
      %max3A_310 = arith.maximumf %add3A_307, %max3A_309 : vector<16xf32>
      %mul3A_311 = arith.mulf %max3A_310, %get3A_275 : vector<16xf32>
      %add3A_312 = arith.addf %add3A_305, %mul3A_311 : vector<16xf32>
      %swap3A = arith.constant 0 : i32
      %swap3A_313 = arith.index_cast %swap3A : i32 to index
      %swap3A_314 = arith.index_cast %mul3A_216 : i32 to index
      %swap3A_315 = tpu.vector_load %arg12[%swap3A_313, %swap3A_314] {strides = array<i32>} : memref<8x400xf32, #tpu.memory_space<vmem>>, vector<1x16xf32>,
      %swap3A_316 = vector.shape_cast %swap3A_315 : vector<1x16xf32> to vector<16xf32>
      %swap3A_317 = vector.shape_cast %add3A_312 : vector<16xf32> to vector<1x16xf32>
      tpu.vector_store %arg12[%swap3A_313, %swap3A_314], %swap3A_317 {strides = array<i32>} : memref<8x400xf32, #tpu.memory_space<vmem>>, vector<1x16xf32>,
      %get3A_318 = arith.constant 1 : i32
      %get3A_319 = arith.index_cast %get3A_318 : i32 to index
      %get3A_320 = arith.index_cast %mul3A_216 : i32 to index
      %get3A_321 = tpu.vector_load %arg11[%get3A_319, %get3A_320] {strides = array<i32>} : memref<8x400xf32, #tpu.memory_space<vmem>>, vector<1x16xf32>,
      %get3A_322 = vector.shape_cast %get3A_321 : vector<1x16xf32> to vector<16xf32>
      %mul3A_323 = arith.mulf %get3A_322, %get3A_220 : vector<16xf32>
      %add3A_324 = arith.addf %mul3A_323, %get3A_240 : vector<16xf32>
      %max3A_325 = arith.constant 0.000000e+00 : f32
      %max3A_326 = vector.broadcast %max3A_325 : f32 to vector<16xf32>
      %max3A_327 = arith.maximumf %add3A_324, %max3A_326 : vector<16xf32>
      %mul3A_328 = arith.mulf %max3A_327, %get3A_260 : vector<16xf32>
      %add3A_329 = arith.addf %get3A_280, %mul3A_328 : vector<16xf32>
      %mul3A_330 = arith.mulf %get3A_322, %get3A_225 : vector<16xf32>
      %add3A_331 = arith.addf %mul3A_330, %get3A_245 : vector<16xf32>
      %max3A_332 = arith.constant 0.000000e+00 : f32
      %max3A_333 = vector.broadcast %max3A_332 : f32 to vector<16xf32>
      %max3A_334 = arith.maximumf %add3A_331, %max3A_333 : vector<16xf32>
      %mul3A_335 = arith.mulf %max3A_334, %get3A_265 : vector<16xf32>
      %add3A_336 = arith.addf %add3A_329, %mul3A_335 : vector<16xf32>
      %mul3A_337 = arith.mulf %get3A_322, %get3A_230 : vector<16xf32>
      %add3A_338 = arith.addf %mul3A_337, %get3A_250 : vector<16xf32>
      %max3A_339 = arith.constant 0.000000e+00 : f32
      %max3A_340 = vector.broadcast %max3A_339 : f32 to vector<16xf32>
      %max3A_341 = arith.maximumf %add3A_338, %max3A_340 : vector<16xf32>
      %mul3A_342 = arith.mulf %max3A_341, %get3A_270 : vector<16xf32>
      %add3A_343 = arith.addf %add3A_336, %mul3A_342 : vector<16xf32>
      %mul3A_344 = arith.mulf %get3A_322, %get3A_235 : vector<16xf32>
      %add3A_345 = arith.addf %mul3A_344, %get3A_255 : vector<16xf32>
      %max3A_346 = arith.constant 0.000000e+00 : f32
      %max3A_347 = vector.broadcast %max3A_346 : f32 to vector<16xf32>
      %max3A_348 = arith.maximumf %add3A_345, %max3A_347 : vector<16xf32>
      %mul3A_349 = arith.mulf %max3A_348, %get3A_275 : vector<16xf32>
      %add3A_350 = arith.addf %add3A_343, %mul3A_349 : vector<16xf32>
      %swap3A_351 = arith.constant 1 : i32
      %swap3A_352 = arith.index_cast %swap3A_351 : i32 to index
      %swap3A_353 = arith.index_cast %mul3A_216 : i32 to index
      %swap3A_354 = tpu.vector_load %arg12[%swap3A_352, %swap3A_353] {strides = array<i32>} : memref<8x400xf32, #tpu.memory_space<vmem>>, vector<1x16xf32>,
      %swap3A_355 = vector.shape_cast %swap3A_354 : vector<1x16xf32> to vector<16xf32>
      %swap3A_356 = vector.shape_cast %add3A_350 : vector<16xf32> to vector<1x16xf32>
      tpu.vector_store %arg12[%swap3A_352, %swap3A_353], %swap3A_356 {strides = array<i32>} : memref<8x400xf32, #tpu.memory_space<vmem>>, vector<1x16xf32>,
      %get3A_357 = arith.constant 2 : i32
      %get3A_358 = arith.index_cast %get3A_357 : i32 to index
      %get3A_359 = arith.index_cast %mul3A_216 : i32 to index
      %get3A_360 = tpu.vector_load %arg11[%get3A_358, %get3A_359] {strides = array<i32>} : memref<8x400xf32, #tpu.memory_space<vmem>>, vector<1x16xf32>,
      %get3A_361 = vector.shape_cast %get3A_360 : vector<1x16xf32> to vector<16xf32>
      %mul3A_362 = arith.mulf %get3A_361, %get3A_220 : vector<16xf32>
      %add3A_363 = arith.addf %mul3A_362, %get3A_240 : vector<16xf32>
      %max3A_364 = arith.constant 0.000000e+00 : f32
      %max3A_365 = vector.broadcast %max3A_364 : f32 to vector<16xf32>
      %max3A_366 = arith.maximumf %add3A_363, %max3A_365 : vector<16xf32>
      %mul3A_367 = arith.mulf %max3A_366, %get3A_260 : vector<16xf32>
      %add3A_368 = arith.addf %get3A_280, %mul3A_367 : vector<16xf32>
      %mul3A_369 = arith.mulf %get3A_361, %get3A_225 : vector<16xf32>
      %add3A_370 = arith.addf %mul3A_369, %get3A_245 : vector<16xf32>
      %max3A_371 = arith.constant 0.000000e+00 : f32
      %max3A_372 = vector.broadcast %max3A_371 : f32 to vector<16xf32>
      %max3A_373 = arith.maximumf %add3A_370, %max3A_372 : vector<16xf32>
      %mul3A_374 = arith.mulf %max3A_373, %get3A_265 : vector<16xf32>
      %add3A_375 = arith.addf %add3A_368, %mul3A_374 : vector<16xf32>
      %mul3A_376 = arith.mulf %get3A_361, %get3A_230 : vector<16xf32>
      %add3A_377 = arith.addf %mul3A_376, %get3A_250 : vector<16xf32>
      %max3A_378 = arith.constant 0.000000e+00 : f32
      %max3A_379 = vector.broadcast %max3A_378 : f32 to vector<16xf32>
      %max3A_380 = arith.maximumf %add3A_377, %max3A_379 : vector<16xf32>
      %mul3A_381 = arith.mulf %max3A_380, %get3A_270 : vector<16xf32>
      %add3A_382 = arith.addf %add3A_375, %mul3A_381 : vector<16xf32>
      %mul3A_383 = arith.mulf %get3A_361, %get3A_235 : vector<16xf32>
      %add3A_384 = arith.addf %mul3A_383, %get3A_255 : vector<16xf32>
      %max3A_385 = arith.constant 0.000000e+00 : f32
      %max3A_386 = vector.broadcast %max3A_385 : f32 to vector<16xf32>
      %max3A_387 = arith.maximumf %add3A_384, %max3A_386 : vector<16xf32>
      %mul3A_388 = arith.mulf %max3A_387, %get3A_275 : vector<16xf32>
      %add3A_389 = arith.addf %add3A_382, %mul3A_388 : vector<16xf32>
      %swap3A_390 = arith.constant 2 : i32
      %swap3A_391 = arith.index_cast %swap3A_390 : i32 to index
      %swap3A_392 = arith.index_cast %mul3A_216 : i32 to index
      %swap3A_393 = tpu.vector_load %arg12[%swap3A_391, %swap3A_392] {strides = array<i32>} : memref<8x400xf32, #tpu.memory_space<vmem>>, vector<1x16xf32>,
      %swap3A_394 = vector.shape_cast %swap3A_393 : vector<1x16xf32> to vector<16xf32>
      %swap3A_395 = vector.shape_cast %add3A_389 : vector<16xf32> to vector<1x16xf32>
      tpu.vector_store %arg12[%swap3A_391, %swap3A_392], %swap3A_395 {strides = array<i32>} : memref<8x400xf32, #tpu.memory_space<vmem>>, vector<1x16xf32>,
      %get3A_396 = arith.constant 3 : i32
      %get3A_397 = arith.index_cast %get3A_396 : i32 to index
      %get3A_398 = arith.index_cast %mul3A_216 : i32 to index
      %get3A_399 = tpu.vector_load %arg11[%get3A_397, %get3A_398] {strides = array<i32>} : memref<8x400xf32, #tpu.memory_space<vmem>>, vector<1x16xf32>,
      %get3A_400 = vector.shape_cast %get3A_399 : vector<1x16xf32> to vector<16xf32>
      %mul3A_401 = arith.mulf %get3A_400, %get3A_220 : vector<16xf32>
      %add3A_402 = arith.addf %mul3A_401, %get3A_240 : vector<16xf32>
      %max3A_403 = arith.constant 0.000000e+00 : f32
      %max3A_404 = vector.broadcast %max3A_403 : f32 to vector<16xf32>
      %max3A_405 = arith.maximumf %add3A_402, %max3A_404 : vector<16xf32>
      %mul3A_406 = arith.mulf %max3A_405, %get3A_260 : vector<16xf32>
      %add3A_407 = arith.addf %get3A_280, %mul3A_406 : vector<16xf32>
      %mul3A_408 = arith.mulf %get3A_400, %get3A_225 : vector<16xf32>
      %add3A_409 = arith.addf %mul3A_408, %get3A_245 : vector<16xf32>
      %max3A_410 = arith.constant 0.000000e+00 : f32
      %max3A_411 = vector.broadcast %max3A_410 : f32 to vector<16xf32>
      %max3A_412 = arith.maximumf %add3A_409, %max3A_411 : vector<16xf32>
      %mul3A_413 = arith.mulf %max3A_412, %get3A_265 : vector<16xf32>
      %add3A_414 = arith.addf %add3A_407, %mul3A_413 : vector<16xf32>
      %mul3A_415 = arith.mulf %get3A_400, %get3A_230 : vector<16xf32>
      %add3A_416 = arith.addf %mul3A_415, %get3A_250 : vector<16xf32>
      %max3A_417 = arith.constant 0.000000e+00 : f32
      %max3A_418 = vector.broadcast %max3A_417 : f32 to vector<16xf32>
      %max3A_419 = arith.maximumf %add3A_416, %max3A_418 : vector<16xf32>
      %mul3A_420 = arith.mulf %max3A_419, %get3A_270 : vector<16xf32>
      %add3A_421 = arith.addf %add3A_414, %mul3A_420 : vector<16xf32>
      %mul3A_422 = arith.mulf %get3A_400, %get3A_235 : vector<16xf32>
      %add3A_423 = arith.addf %mul3A_422, %get3A_255 : vector<16xf32>
      %max3A_424 = arith.constant 0.000000e+00 : f32
      %max3A_425 = vector.broadcast %max3A_424 : f32 to vector<16xf32>
      %max3A_426 = arith.maximumf %add3A_423, %max3A_425 : vector<16xf32>
      %mul3A_427 = arith.mulf %max3A_426, %get3A_275 : vector<16xf32>
      %add3A_428 = arith.addf %add3A_421, %mul3A_427 : vector<16xf32>
      %swap3A_429 = arith.constant 3 : i32
      %swap3A_430 = arith.index_cast %swap3A_429 : i32 to index
      %swap3A_431 = arith.index_cast %mul3A_216 : i32 to index
      %swap3A_432 = tpu.vector_load %arg12[%swap3A_430, %swap3A_431] {strides = array<i32>} : memref<8x400xf32, #tpu.memory_space<vmem>>, vector<1x16xf32>,
      %swap3A_433 = vector.shape_cast %swap3A_432 : vector<1x16xf32> to vector<16xf32>
      %swap3A_434 = vector.shape_cast %add3A_428 : vector<16xf32> to vector<1x16xf32>
      tpu.vector_store %arg12[%swap3A_430, %swap3A_431], %swap3A_434 {strides = array<i32>} : memref<8x400xf32, #tpu.memory_space<vmem>>, vector<1x16xf32>,
      %get3A_435 = arith.constant 4 : i32
      %get3A_436 = arith.index_cast %get3A_435 : i32 to index
      %get3A_437 = arith.index_cast %mul3A_216 : i32 to index
      %get3A_438 = tpu.vector_load %arg11[%get3A_436, %get3A_437] {strides = array<i32>} : memref<8x400xf32, #tpu.memory_space<vmem>>, vector<1x16xf32>,
      %get3A_439 = vector.shape_cast %get3A_438 : vector<1x16xf32> to vector<16xf32>
      %mul3A_440 = arith.mulf %get3A_439, %get3A_220 : vector<16xf32>
      %add3A_441 = arith.addf %mul3A_440, %get3A_240 : vector<16xf32>
      %max3A_442 = arith.constant 0.000000e+00 : f32
      %max3A_443 = vector.broadcast %max3A_442 : f32 to vector<16xf32>
      %max3A_444 = arith.maximumf %add3A_441, %max3A_443 : vector<16xf32>
      %mul3A_445 = arith.mulf %max3A_444, %get3A_260 : vector<16xf32>
      %add3A_446 = arith.addf %get3A_280, %mul3A_445 : vector<16xf32>
      %mul3A_447 = arith.mulf %get3A_439, %get3A_225 : vector<16xf32>
      %add3A_448 = arith.addf %mul3A_447, %get3A_245 : vector<16xf32>
      %max3A_449 = arith.constant 0.000000e+00 : f32
      %max3A_450 = vector.broadcast %max3A_449 : f32 to vector<16xf32>
      %max3A_451 = arith.maximumf %add3A_448, %max3A_450 : vector<16xf32>
      %mul3A_452 = arith.mulf %max3A_451, %get3A_265 : vector<16xf32>
      %add3A_453 = arith.addf %add3A_446, %mul3A_452 : vector<16xf32>
      %mul3A_454 = arith.mulf %get3A_439, %get3A_230 : vector<16xf32>
      %add3A_455 = arith.addf %mul3A_454, %get3A_250 : vector<16xf32>
      %max3A_456 = arith.constant 0.000000e+00 : f32
      %max3A_457 = vector.broadcast %max3A_456 : f32 to vector<16xf32>
      %max3A_458 = arith.maximumf %add3A_455, %max3A_457 : vector<16xf32>
      %mul3A_459 = arith.mulf %max3A_458, %get3A_270 : vector<16xf32>
      %add3A_460 = arith.addf %add3A_453, %mul3A_459 : vector<16xf32>
      %mul3A_461 = arith.mulf %get3A_439, %get3A_235 : vector<16xf32>
      %add3A_462 = arith.addf %mul3A_461, %get3A_255 : vector<16xf32>
      %max3A_463 = arith.constant 0.000000e+00 : f32
      %max3A_464 = vector.broadcast %max3A_463 : f32 to vector<16xf32>
      %max3A_465 = arith.maximumf %add3A_462, %max3A_464 : vector<16xf32>
      %mul3A_466 = arith.mulf %max3A_465, %get3A_275 : vector<16xf32>
      %add3A_467 = arith.addf %add3A_460, %mul3A_466 : vector<16xf32>
      %swap3A_468 = arith.constant 4 : i32
      %swap3A_469 = arith.index_cast %swap3A_468 : i32 to index
      %swap3A_470 = arith.index_cast %mul3A_216 : i32 to index
      %swap3A_471 = tpu.vector_load %arg12[%swap3A_469, %swap3A_470] {strides = array<i32>} : memref<8x400xf32, #tpu.memory_space<vmem>>, vector<1x16xf32>,
      %swap3A_472 = vector.shape_cast %swap3A_471 : vector<1x16xf32> to vector<16xf32>
      %swap3A_473 = vector.shape_cast %add3A_467 : vector<16xf32> to vector<1x16xf32>
      tpu.vector_store %arg12[%swap3A_469, %swap3A_470], %swap3A_473 {strides = array<i32>} : memref<8x400xf32, #tpu.memory_space<vmem>>, vector<1x16xf32>,
      %get3A_474 = arith.constant 5 : i32
      %get3A_475 = arith.index_cast %get3A_474 : i32 to index
      %get3A_476 = arith.index_cast %mul3A_216 : i32 to index
      %get3A_477 = tpu.vector_load %arg11[%get3A_475, %get3A_476] {strides = array<i32>} : memref<8x400xf32, #tpu.memory_space<vmem>>, vector<1x16xf32>,
      %get3A_478 = vector.shape_cast %get3A_477 : vector<1x16xf32> to vector<16xf32>
      %mul3A_479 = arith.mulf %get3A_478, %get3A_220 : vector<16xf32>
      %add3A_480 = arith.addf %mul3A_479, %get3A_240 : vector<16xf32>
      %max3A_481 = arith.constant 0.000000e+00 : f32
      %max3A_482 = vector.broadcast %max3A_481 : f32 to vector<16xf32>
      %max3A_483 = arith.maximumf %add3A_480, %max3A_482 : vector<16xf32>
      %mul3A_484 = arith.mulf %max3A_483, %get3A_260 : vector<16xf32>
      %add3A_485 = arith.addf %get3A_280, %mul3A_484 : vector<16xf32>
      %mul3A_486 = arith.mulf %get3A_478, %get3A_225 : vector<16xf32>
      %add3A_487 = arith.addf %mul3A_486, %get3A_245 : vector<16xf32>
      %max3A_488 = arith.constant 0.000000e+00 : f32
      %max3A_489 = vector.broadcast %max3A_488 : f32 to vector<16xf32>
      %max3A_490 = arith.maximumf %add3A_487, %max3A_489 : vector<16xf32>
      %mul3A_491 = arith.mulf %max3A_490, %get3A_265 : vector<16xf32>
      %add3A_492 = arith.addf %add3A_485, %mul3A_491 : vector<16xf32>
      %mul3A_493 = arith.mulf %get3A_478, %get3A_230 : vector<16xf32>
      %add3A_494 = arith.addf %mul3A_493, %get3A_250 : vector<16xf32>
      %max3A_495 = arith.constant 0.000000e+00 : f32
      %max3A_496 = vector.broadcast %max3A_495 : f32 to vector<16xf32>
      %max3A_497 = arith.maximumf %add3A_494, %max3A_496 : vector<16xf32>
      %mul3A_498 = arith.mulf %max3A_497, %get3A_270 : vector<16xf32>
      %add3A_499 = arith.addf %add3A_492, %mul3A_498 : vector<16xf32>
      %mul3A_500 = arith.mulf %get3A_478, %get3A_235 : vector<16xf32>
      %add3A_501 = arith.addf %mul3A_500, %get3A_255 : vector<16xf32>
      %max3A_502 = arith.constant 0.000000e+00 : f32
      %max3A_503 = vector.broadcast %max3A_502 : f32 to vector<16xf32>
      %max3A_504 = arith.maximumf %add3A_501, %max3A_503 : vector<16xf32>
      %mul3A_505 = arith.mulf %max3A_504, %get3A_275 : vector<16xf32>
      %add3A_506 = arith.addf %add3A_499, %mul3A_505 : vector<16xf32>
      %swap3A_507 = arith.constant 5 : i32
      %swap3A_508 = arith.index_cast %swap3A_507 : i32 to index
      %swap3A_509 = arith.index_cast %mul3A_216 : i32 to index
      %swap3A_510 = tpu.vector_load %arg12[%swap3A_508, %swap3A_509] {strides = array<i32>} : memref<8x400xf32, #tpu.memory_space<vmem>>, vector<1x16xf32>,
      %swap3A_511 = vector.shape_cast %swap3A_510 : vector<1x16xf32> to vector<16xf32>
      %swap3A_512 = vector.shape_cast %add3A_506 : vector<16xf32> to vector<1x16xf32>
      tpu.vector_store %arg12[%swap3A_508, %swap3A_509], %swap3A_512 {strides = array<i32>} : memref<8x400xf32, #tpu.memory_space<vmem>>, vector<1x16xf32>,
      %get3A_513 = arith.constant 6 : i32
      %get3A_514 = arith.index_cast %get3A_513 : i32 to index
      %get3A_515 = arith.index_cast %mul3A_216 : i32 to index
      %get3A_516 = tpu.vector_load %arg11[%get3A_514, %get3A_515] {strides = array<i32>} : memref<8x400xf32, #tpu.memory_space<vmem>>, vector<1x16xf32>,
      %get3A_517 = vector.shape_cast %get3A_516 : vector<1x16xf32> to vector<16xf32>
      %mul3A_518 = arith.mulf %get3A_517, %get3A_220 : vector<16xf32>
      %add3A_519 = arith.addf %mul3A_518, %get3A_240 : vector<16xf32>
      %max3A_520 = arith.constant 0.000000e+00 : f32
      %max3A_521 = vector.broadcast %max3A_520 : f32 to vector<16xf32>
      %max3A_522 = arith.maximumf %add3A_519, %max3A_521 : vector<16xf32>
      %mul3A_523 = arith.mulf %max3A_522, %get3A_260 : vector<16xf32>
      %add3A_524 = arith.addf %get3A_280, %mul3A_523 : vector<16xf32>
      %mul3A_525 = arith.mulf %get3A_517, %get3A_225 : vector<16xf32>
      %add3A_526 = arith.addf %mul3A_525, %get3A_245 : vector<16xf32>
      %max3A_527 = arith.constant 0.000000e+00 : f32
      %max3A_528 = vector.broadcast %max3A_527 : f32 to vector<16xf32>
      %max3A_529 = arith.maximumf %add3A_526, %max3A_528 : vector<16xf32>
      %mul3A_530 = arith.mulf %max3A_529, %get3A_265 : vector<16xf32>
      %add3A_531 = arith.addf %add3A_524, %mul3A_530 : vector<16xf32>
      %mul3A_532 = arith.mulf %get3A_517, %get3A_230 : vector<16xf32>
      %add3A_533 = arith.addf %mul3A_532, %get3A_250 : vector<16xf32>
      %max3A_534 = arith.constant 0.000000e+00 : f32
      %max3A_535 = vector.broadcast %max3A_534 : f32 to vector<16xf32>
      %max3A_536 = arith.maximumf %add3A_533, %max3A_535 : vector<16xf32>
      %mul3A_537 = arith.mulf %max3A_536, %get3A_270 : vector<16xf32>
      %add3A_538 = arith.addf %add3A_531, %mul3A_537 : vector<16xf32>
      %mul3A_539 = arith.mulf %get3A_517, %get3A_235 : vector<16xf32>
      %add3A_540 = arith.addf %mul3A_539, %get3A_255 : vector<16xf32>
      %max3A_541 = arith.constant 0.000000e+00 : f32
      %max3A_542 = vector.broadcast %max3A_541 : f32 to vector<16xf32>
      %max3A_543 = arith.maximumf %add3A_540, %max3A_542 : vector<16xf32>
      %mul3A_544 = arith.mulf %max3A_543, %get3A_275 : vector<16xf32>
      %add3A_545 = arith.addf %add3A_538, %mul3A_544 : vector<16xf32>
      %swap3A_546 = arith.constant 6 : i32
      %swap3A_547 = arith.index_cast %swap3A_546 : i32 to index
      %swap3A_548 = arith.index_cast %mul3A_216 : i32 to index
      %swap3A_549 = tpu.vector_load %arg12[%swap3A_547, %swap3A_548] {strides = array<i32>} : memref<8x400xf32, #tpu.memory_space<vmem>>, vector<1x16xf32>,
      %swap3A_550 = vector.shape_cast %swap3A_549 : vector<1x16xf32> to vector<16xf32>
      %swap3A_551 = vector.shape_cast %add3A_545 : vector<16xf32> to vector<1x16xf32>
      tpu.vector_store %arg12[%swap3A_547, %swap3A_548], %swap3A_551 {strides = array<i32>} : memref<8x400xf32, #tpu.memory_space<vmem>>, vector<1x16xf32>,
      %get3A_552 = arith.constant 7 : i32
      %get3A_553 = arith.index_cast %get3A_552 : i32 to index
      %get3A_554 = arith.index_cast %mul3A_216 : i32 to index
      %get3A_555 = tpu.vector_load %arg11[%get3A_553, %get3A_554] {strides = array<i32>} : memref<8x400xf32, #tpu.memory_space<vmem>>, vector<1x16xf32>,
      %get3A_556 = vector.shape_cast %get3A_555 : vector<1x16xf32> to vector<16xf32>
      %mul3A_557 = arith.mulf %get3A_556, %get3A_220 : vector<16xf32>
      %add3A_558 = arith.addf %mul3A_557, %get3A_240 : vector<16xf32>
      %max3A_559 = arith.constant 0.000000e+00 : f32
      %max3A_560 = vector.broadcast %max3A_559 : f32 to vector<16xf32>
      %max3A_561 = arith.maximumf %add3A_558, %max3A_560 : vector<16xf32>
      %mul3A_562 = arith.mulf %max3A_561, %get3A_260 : vector<16xf32>
      %add3A_563 = arith.addf %get3A_280, %mul3A_562 : vector<16xf32>
      %mul3A_564 = arith.mulf %get3A_556, %get3A_225 : vector<16xf32>
      %add3A_565 = arith.addf %mul3A_564, %get3A_245 : vector<16xf32>
      %max3A_566 = arith.constant 0.000000e+00 : f32
      %max3A_567 = vector.broadcast %max3A_566 : f32 to vector<16xf32>
      %max3A_568 = arith.maximumf %add3A_565, %max3A_567 : vector<16xf32>
      %mul3A_569 = arith.mulf %max3A_568, %get3A_265 : vector<16xf32>
      %add3A_570 = arith.addf %add3A_563, %mul3A_569 : vector<16xf32>
      %mul3A_571 = arith.mulf %get3A_556, %get3A_230 : vector<16xf32>
      %add3A_572 = arith.addf %mul3A_571, %get3A_250 : vector<16xf32>
      %max3A_573 = arith.constant 0.000000e+00 : f32
      %max3A_574 = vector.broadcast %max3A_573 : f32 to vector<16xf32>
      %max3A_575 = arith.maximumf %add3A_572, %max3A_574 : vector<16xf32>
      %mul3A_576 = arith.mulf %max3A_575, %get3A_270 : vector<16xf32>
      %add3A_577 = arith.addf %add3A_570, %mul3A_576 : vector<16xf32>
      %mul3A_578 = arith.mulf %get3A_556, %get3A_235 : vector<16xf32>
      %add3A_579 = arith.addf %mul3A_578, %get3A_255 : vector<16xf32>
      %max3A_580 = arith.constant 0.000000e+00 : f32
      %max3A_581 = vector.broadcast %max3A_580 : f32 to vector<16xf32>
      %max3A_582 = arith.maximumf %add3A_579, %max3A_581 : vector<16xf32>
      %mul3A_583 = arith.mulf %max3A_582, %get3A_275 : vector<16xf32>
      %add3A_584 = arith.addf %add3A_577, %mul3A_583 : vector<16xf32>
      %swap3A_585 = arith.constant 7 : i32
      %swap3A_586 = arith.index_cast %swap3A_585 : i32 to index
      %swap3A_587 = arith.index_cast %mul3A_216 : i32 to index
      %swap3A_588 = tpu.vector_load %arg12[%swap3A_586, %swap3A_587] {strides = array<i32>} : memref<8x400xf32, #tpu.memory_space<vmem>>, vector<1x16xf32>,
      %swap3A_589 = vector.shape_cast %swap3A_588 : vector<1x16xf32> to vector<16xf32>
      %swap3A_590 = vector.shape_cast %add3A_584 : vector<16xf32> to vector<1x16xf32>
      tpu.vector_store %arg12[%swap3A_586, %swap3A_587], %swap3A_590 {strides = array<i32>} : memref<8x400xf32, #tpu.memory_space<vmem>>, vector<1x16xf32>,
    }
    %scan3A_212 = arith.constant 25 : i32
    "tpu.region"() ({
      %run_scoped3A = tpu.sem_alloc : memref<!tpu.dma_semaphore, #tpu.memory_space<semaphore_mem>>
      %dma_start3A_214 = arith.constant 9600 : i32
      %dma_start3A_215 = tpu.memref_slice %arg4[%add3A_204, %dma_start3A_214] : memref<256x10000xf32, #tpu.memory_space<hbm>> -> memref<8x400xf32, #tpu.memory_space<hbm>>
      %dma_start3A_216 = arith.constant 9600 : i32
      %dma_start3A_217 = tpu.memref_slice %arg4[%add3A_204, %dma_start3A_216] : memref<256x10000xf32, #tpu.memory_space<hbm>> -> memref<8x400xf32, #tpu.memory_space<hbm>>
      tpu.enqueue_dma source(%arg12 : memref<8x400xf32, #tpu.memory_space<vmem>>) target(%dma_start3A_217 : memref<8x400xf32, #tpu.memory_space<hbm>>) target_semaphore(%run_scoped3A : memref<!tpu.dma_semaphore, #tpu.memory_space<semaphore_mem>>)
      %dma_wait3A_218 = arith.constant 9600 : i32
      %dma_wait3A_219 = tpu.memref_slice %arg4[%add3A_204, %dma_wait3A_218] : memref<256x10000xf32, #tpu.memory_space<hbm>> -> memref<8x400xf32, #tpu.memory_space<hbm>>
      %dma_wait3A_220 = arith.constant 9600 : i32
      %dma_wait3A_221 = tpu.memref_slice %arg4[%add3A_204, %dma_wait3A_220] : memref<256x10000xf32, #tpu.memory_space<hbm>> -> memref<8x400xf32, #tpu.memory_space<hbm>>
      tpu.wait_dma2 semaphore(%run_scoped3A : memref<!tpu.dma_semaphore, #tpu.memory_space<semaphore_mem>>) src(%arg12 : memref<8x400xf32, #tpu.memory_space<vmem>>) dst(%dma_wait3A_221 : memref<8x400xf32, #tpu.memory_space<hbm>>)
      tpu.yield
    }) : () -> ()
    %scan3A_213 = arith.constant 1 : i32
    return
  }
}

module attributes {stable_mosaic.version = 14 : i64} {
  func.func @_tc_body(%arg0: i32, %arg1: memref<128x10000xf32, #tpu.memory_space<vmem>>, %arg2: memref<13x10112xf32, #tpu.memory_space<vmem>>, %arg3: memref<128x10000xf32, #tpu.memory_space<vmem>>) attributes {dimension_semantics = [#tpu.dimension_semantics<arbitrary>], iteration_bounds = array<i64: 6>, scalar_prefetch = 0 : i64, scratch_operands = 0 : i64, tpu.core_type = #tpu.core_type<tc>, window_params = [{transform_indices = @transform_0, window_bounds = array<i64: 128, 10000>}, {pipeline_mode = #tpu.pipeline_mode<synchronous>, transform_indices = @transform_1, window_bounds = array<i64: 13, 10112>}, {transform_indices = @transform_2, window_bounds = array<i64: 128, 10000>}]} {
    %get3A = arith.constant 0 : index
    %get3A_0 = arith.constant 0 : index
    %get3A_1 = vector.load %arg1[%get3A, %get3A_0] : memref<128x10000xf32, #tpu.memory_space<vmem>>, vector<128x10000xf32>
    %get3A_2 = arith.constant 12 : index
    %get3A_3 = arith.constant 0 : index
    %get3A_4 = vector.load %arg2[%get3A_2, %get3A_3] : memref<13x10112xf32, #tpu.memory_space<vmem>>, vector<1x10000xf32>
    %broadcast_in_dim3A = vector.shape_cast %get3A_4 : vector<1x10000xf32> to vector<1x10000xf32>
    %broadcast_in_dim3A_5 = vector.broadcast %broadcast_in_dim3A : vector<1x10000xf32> to vector<128x10000xf32>
    %get3A_6 = arith.constant 0 : index
    %get3A_7 = arith.constant 0 : index
    %get3A_8 = vector.load %arg2[%get3A_6, %get3A_7] : memref<13x10112xf32, #tpu.memory_space<vmem>>, vector<1x10000xf32>
    %mul3A = vector.broadcast %get3A_8 : vector<1x10000xf32> to vector<128x10000xf32>
    %mul3A_9 = arith.mulf %get3A_1, %mul3A : vector<128x10000xf32>
    %get3A_10 = arith.constant 4 : index
    %get3A_11 = arith.constant 0 : index
    %get3A_12 = vector.load %arg2[%get3A_10, %get3A_11] : memref<13x10112xf32, #tpu.memory_space<vmem>>, vector<1x10000xf32>
    %add3A = vector.broadcast %get3A_12 : vector<1x10000xf32> to vector<128x10000xf32>
    %add3A_13 = arith.addf %mul3A_9, %add3A : vector<128x10000xf32>
    %max3A = arith.constant 0.000000e+00 : f32
    %max3A_14 = vector.broadcast %max3A : f32 to vector<128x10000xf32>
    %max3A_15 = arith.maximumf %add3A_13, %max3A_14 : vector<128x10000xf32>
    %get3A_16 = arith.constant 8 : index
    %get3A_17 = arith.constant 0 : index
    %get3A_18 = vector.load %arg2[%get3A_16, %get3A_17] : memref<13x10112xf32, #tpu.memory_space<vmem>>, vector<1x10000xf32>
    %mul3A_19 = vector.broadcast %get3A_18 : vector<1x10000xf32> to vector<128x10000xf32>
    %mul3A_20 = arith.mulf %max3A_15, %mul3A_19 : vector<128x10000xf32>
    %add3A_21 = arith.addf %broadcast_in_dim3A_5, %mul3A_20 : vector<128x10000xf32>
    %get3A_22 = arith.constant 1 : index
    %get3A_23 = arith.constant 0 : index
    %get3A_24 = vector.load %arg2[%get3A_22, %get3A_23] : memref<13x10112xf32, #tpu.memory_space<vmem>>, vector<1x10000xf32>
    %mul3A_25 = vector.broadcast %get3A_24 : vector<1x10000xf32> to vector<128x10000xf32>
    %mul3A_26 = arith.mulf %get3A_1, %mul3A_25 : vector<128x10000xf32>
    %get3A_27 = arith.constant 5 : index
    %get3A_28 = arith.constant 0 : index
    %get3A_29 = vector.load %arg2[%get3A_27, %get3A_28] : memref<13x10112xf32, #tpu.memory_space<vmem>>, vector<1x10000xf32>
    %add3A_30 = vector.broadcast %get3A_29 : vector<1x10000xf32> to vector<128x10000xf32>
    %add3A_31 = arith.addf %mul3A_26, %add3A_30 : vector<128x10000xf32>
    %max3A_32 = arith.constant 0.000000e+00 : f32
    %max3A_33 = vector.broadcast %max3A_32 : f32 to vector<128x10000xf32>
    %max3A_34 = arith.maximumf %add3A_31, %max3A_33 : vector<128x10000xf32>
    %get3A_35 = arith.constant 9 : index
    %get3A_36 = arith.constant 0 : index
    %get3A_37 = vector.load %arg2[%get3A_35, %get3A_36] : memref<13x10112xf32, #tpu.memory_space<vmem>>, vector<1x10000xf32>
    %mul3A_38 = vector.broadcast %get3A_37 : vector<1x10000xf32> to vector<128x10000xf32>
    %mul3A_39 = arith.mulf %max3A_34, %mul3A_38 : vector<128x10000xf32>
    %add3A_40 = arith.addf %add3A_21, %mul3A_39 : vector<128x10000xf32>
    %get3A_41 = arith.constant 2 : index
    %get3A_42 = arith.constant 0 : index
    %get3A_43 = vector.load %arg2[%get3A_41, %get3A_42] : memref<13x10112xf32, #tpu.memory_space<vmem>>, vector<1x10000xf32>
    %mul3A_44 = vector.broadcast %get3A_43 : vector<1x10000xf32> to vector<128x10000xf32>
    %mul3A_45 = arith.mulf %get3A_1, %mul3A_44 : vector<128x10000xf32>
    %get3A_46 = arith.constant 6 : index
    %get3A_47 = arith.constant 0 : index
    %get3A_48 = vector.load %arg2[%get3A_46, %get3A_47] : memref<13x10112xf32, #tpu.memory_space<vmem>>, vector<1x10000xf32>
    %add3A_49 = vector.broadcast %get3A_48 : vector<1x10000xf32> to vector<128x10000xf32>
    %add3A_50 = arith.addf %mul3A_45, %add3A_49 : vector<128x10000xf32>
    %max3A_51 = arith.constant 0.000000e+00 : f32
    %max3A_52 = vector.broadcast %max3A_51 : f32 to vector<128x10000xf32>
    %max3A_53 = arith.maximumf %add3A_50, %max3A_52 : vector<128x10000xf32>
    %get3A_54 = arith.constant 10 : index
    %get3A_55 = arith.constant 0 : index
    %get3A_56 = vector.load %arg2[%get3A_54, %get3A_55] : memref<13x10112xf32, #tpu.memory_space<vmem>>, vector<1x10000xf32>
    %mul3A_57 = vector.broadcast %get3A_56 : vector<1x10000xf32> to vector<128x10000xf32>
    %mul3A_58 = arith.mulf %max3A_53, %mul3A_57 : vector<128x10000xf32>
    %add3A_59 = arith.addf %add3A_40, %mul3A_58 : vector<128x10000xf32>
    %get3A_60 = arith.constant 3 : index
    %get3A_61 = arith.constant 0 : index
    %get3A_62 = vector.load %arg2[%get3A_60, %get3A_61] : memref<13x10112xf32, #tpu.memory_space<vmem>>, vector<1x10000xf32>
    %mul3A_63 = vector.broadcast %get3A_62 : vector<1x10000xf32> to vector<128x10000xf32>
    %mul3A_64 = arith.mulf %get3A_1, %mul3A_63 : vector<128x10000xf32>
    %get3A_65 = arith.constant 7 : index
    %get3A_66 = arith.constant 0 : index
    %get3A_67 = vector.load %arg2[%get3A_65, %get3A_66] : memref<13x10112xf32, #tpu.memory_space<vmem>>, vector<1x10000xf32>
    %add3A_68 = vector.broadcast %get3A_67 : vector<1x10000xf32> to vector<128x10000xf32>
    %add3A_69 = arith.addf %mul3A_64, %add3A_68 : vector<128x10000xf32>
    %max3A_70 = arith.constant 0.000000e+00 : f32
    %max3A_71 = vector.broadcast %max3A_70 : f32 to vector<128x10000xf32>
    %max3A_72 = arith.maximumf %add3A_69, %max3A_71 : vector<128x10000xf32>
    %get3A_73 = arith.constant 11 : index
    %get3A_74 = arith.constant 0 : index
    %get3A_75 = vector.load %arg2[%get3A_73, %get3A_74] : memref<13x10112xf32, #tpu.memory_space<vmem>>, vector<1x10000xf32>
    %mul3A_76 = vector.broadcast %get3A_75 : vector<1x10000xf32> to vector<128x10000xf32>
    %mul3A_77 = arith.mulf %max3A_72, %mul3A_76 : vector<128x10000xf32>
    %add3A_78 = arith.addf %add3A_59, %mul3A_77 : vector<128x10000xf32>
    %swap3A = arith.constant 0 : index
    %swap3A_79 = arith.constant 0 : index
    %swap3A_80 = vector.load %arg3[%swap3A, %swap3A_79] : memref<128x10000xf32, #tpu.memory_space<vmem>>, vector<128x10000xf32>
    tpu.vector_store %arg3[%swap3A, %swap3A_79], %add3A_78 {strides = array<i32>} : memref<128x10000xf32, #tpu.memory_space<vmem>>, vector<128x10000xf32>,
    return
  }
  func.func @transform_0(%arg0: i32) -> (i32, i32) {
    %c0_i32 = arith.constant 0 : i32
    %c0_i32_0 = arith.constant 0 : i32
    return %arg0, %c0_i32 : i32, i32
  }
  func.func @transform_1(%arg0: i32) -> (i32, i32) {
    %c0_i32 = arith.constant 0 : i32
    %c0_i32_0 = arith.constant 0 : i32
    %c0_i32_1 = arith.constant 0 : i32
    return %c0_i32, %c0_i32_0 : i32, i32
  }
  func.func @transform_2(%arg0: i32) -> (i32, i32) {
    %c0_i32 = arith.constant 0 : i32
    %c0_i32_0 = arith.constant 0 : i32
    return %arg0, %c0_i32 : i32, i32
  }
}

</mosaic_0001>

<sc_bundles>
// kernel: kernel.4.cloned.1.call-start
scs
__scs_entry_jumppad:
0x0: {  	(pc) =	sbr.rel $0x88, $3  }
0x1: {  	(tag) =	ssettag $0x0;
	lr =	simm.s32 $0x1  }
0x2: {  	[smem:$0x3F9C] =	sst lr;
	_ =	strace $0xD0000000  }
0x3: {  	_ = 	snop  }
0x4: {  	_ = 	snop  }
0x5: {  	_ = 	snop  }
0x6: {  	_ = 	snop  }
0x7: {  	_ = 	snop  }
__scs_overlays_trampoline_lowered:
0x8: {  	[smem:$0x3FAB] =	sst s0  }
0x9: {  	[smem:$0x3FAC] =	sst s1  }
0xa: {  	[smem:$0x3FAD] =	sst s2  }
0xb: {  	[smem:$0x3FAE] =	sst s3  }
0xc: {  	[smem:$0x3FAF] =	sst s4  }
0xd: {  	[smem:$0x3FB0] =	sst s5  }
0xe: {  	[smem:$0x3FB1] =	sst s6  }
0xf: {  	[smem:$0x3FB2] =	sst s7  }
0x10: {  	[smem:$0x3FB3] =	sst s8  }
0x11: {  	[smem:$0x3FB4] =	sst s9;
	s0 =	simm.s32 @!p0 $0x0  }
0x12: {  	s1 =	sld [smem:$0x3F9A];
	s0 =	simm.s32 @p0 $0x1  }
0x13: {  	[smem:$0x3FB5] =	sst s0;
	s0 =	simm.s32 @!p1 $0x0  }
0x14: {  	s2 =	sld [smem:$0x3F99];
	s0 =	simm.s32 @p1 $0x1  }
0x15: {  	[smem:$0x3FB6] =	sst s0;
	s0 =	simm.s32 @!p2 $0x0  }
0x16: {  	s3 =	sld [smem:$0x3FDB];
	s0 =	simm.s32 @p2 $0x1  }
0x17: {  	s4 =	simm.s32 $0x1BF5;
	[smem:$0x3FB8] =	sst s0  }
0x18: {  	s0 =	sld [smem:$0x3F9B];
	_ =	swait.ge [sflag:s4], $0x0  }
0x19: {  	s7 =	sld [smem:$0x3F9C]  }
0x1a: {  	s8 =	sadd.s32 $0xFFFFE003, lr  }
0x1b: {  	s9 =	sadd.s32 $0xFFFFFEF7, lr;
	s5 =	simm.s32 $0xFFFFFFFF;
	p2 =	slt.u32 s8, $0xFFFFF086  }
0x1c: {  	p1 =	slt.u32 s9, $0xF7A;
	s5 =	simm.s32 @!p2 $0x0  }
0x1d: {  	s5 =	simm.s32 @p1 $0x1;
	p0 =	seq.s32 s7, s2  }
0x1e: {  	s7 =	smul.u32 @!p0 $0xF7A, s2;
	p2 =	seq.s32 @!p0 s5, $0x0  }
0x1f: {  	s9 =	smul.u32 $0xF7A, s1;
	s8 =	simm.s32 @!p0 $0x1BF5;
	p2 =	por !p2, p0  }
0x20: {  	[sflag:s8] =	ssyncset.s32 @!p0 $0xFFFFF086;
	s6 =	sadd.s32 @!p0 s3, s7;
	s7 =	simm.s32 @!p0 $0x108  }
0x21: {  	s3 =	sadd.s32 s3, s9;
	s6 =	sadd.s32 @!p0 $0x88, s6;
	s7 =	simm.s32 @p2 $0x1082  }
0x22: {  	[simem:s7], [sflag:s8] =	dma.local @!p0 [hbm:s6], $0xF7A  }
0x23: {  	s9 =	sor.u32 $0xD0000000, s2;
	s6 =	simm.s32 $0x108;
	_ =	swait.ge @!p0 [sflag:s8], $0x0  }
0x24: {  	s3 =	sadd.s32 $0x88, s3;
	s6 =	simm.s32 @!p1 $0x1082;
	[sflag:s4] =	ssyncset.s32 $0xFFFFF086  }
0x25: {  	[simem:s6], [sflag:s4] =	dma.local [hbm:s3], $0xF7A  }
0x26: {  	[smem:$0x3F9C] =	sst s1;
	(tag) =	ssettag s2;
	_ =	strace s9  }
0x27: {  	s1 =	sld [smem:$0x3FAC]  }
0x28: {  	s2 =	sld [smem:$0x3FAD]  }
0x29: {  	s4 =	sld [smem:$0x3FAF]  }
0x2a: {  	p0 =	seq.s32 s5, $0x0;
	s5 =	sld [smem:$0x3FB0]  }
0x2b: {  	s6 =	sld [smem:$0x3FB1]  }
0x2c: {  	s7 =	sld [smem:$0x3FB2]  }
0x2d: {  	s3 =	simm.s32 $0x108;
	s8 =	sld [smem:$0x3FB3]  }
0x2e: {  	s3 =	simm.s32 @!p0 $0x1082;
	s9 =	sld [smem:$0x3FB4]  }
0x2f: {  	lr =	sadd.s32 s0, s3;
	s0 =	sld [smem:$0x3FAB]  }
0x30: {  	s3 =	sld [smem:$0x3FAE]  }
0x31: {  	[smem:$0x3FB7] =	sst s10  }
0x32: {  	s10 =	sld [smem:$0x3FB5];
	_ =	sdelay $0x3  }
0x33: {  	p0 =	seq.s32 s10, $0x1;
	s10 =	sld [smem:$0x3FB7];
	_ =	sdelay $0x3  }
0x34: {  	[smem:$0x3FB7] =	sst s10  }
0x35: {  	s10 =	sld [smem:$0x3FB6];
	_ =	sdelay $0x3  }
0x36: {  	p1 =	seq.s32 s10, $0x1;
	s10 =	sld [smem:$0x3FB7];
	_ =	sdelay $0x3  }
0x37: {  	[smem:$0x3FB7] =	sst s10  }
0x38: {  	s10 =	sld [smem:$0x3FB8]  }
0x39: {  	_ = 	snop;
	(pc) =	sbr.ind lr, $3  }
0x3a: {  	_ = 	snop  }
0x3b: {  	_ = 	snop  }
0x3c: {  	p2 =	seq.s32 s10, $0x1;
	s10 =	sld [smem:$0x3FB7]  }
0x3d: {  	_ =	shalt  }
0x3e: {  	_ =	shalt  }
0x3f: {  	_ =	shalt  }
0x40: {  	_ =	shalt  }
0x41: {  	_ =	shalt  }
0x42: {  	_ =	shalt  }
0x43: {  	_ =	shalt  }
0x44: {  	_ =	shalt  }
0x45: {  	_ =	shalt  }
0x46: {  	_ =	shalt  }
0x47: {  	_ =	shalt  }
0x48: {  	_ =	shalt  }
0x49: {  	_ =	shalt  }
0x4a: {  	_ =	shalt  }
0x4b: {  	_ =	shalt  }
0x4c: {  	_ =	shalt  }
0x4d: {  	_ =	shalt  }
0x4e: {  	_ =	shalt  }
0x4f: {  	_ =	shalt  }
0x50: {  	_ =	shalt  }
0x51: {  	_ =	shalt  }
0x52: {  	_ =	shalt  }
0x53: {  	_ =	shalt  }
0x54: {  	_ =	shalt  }
0x55: {  	_ =	shalt  }
0x56: {  	_ =	shalt  }
0x57: {  	_ =	shalt  }
0x58: {  	_ =	shalt  }
0x59: {  	_ =	shalt  }
0x5a: {  	_ =	shalt  }
0x5b: {  	_ =	shalt  }
0x5c: {  	_ =	shalt  }
0x5d: {  	_ =	shalt  }
0x5e: {  	_ =	shalt  }
0x5f: {  	_ =	shalt  }
0x60: {  	_ =	shalt  }
0x61: {  	_ =	shalt  }
0x62: {  	_ =	shalt  }
0x63: {  	_ =	shalt  }
0x64: {  	_ =	shalt  }
0x65: {  	_ =	shalt  }
0x66: {  	_ =	shalt  }
0x67: {  	_ =	shalt  }
0x68: {  	_ =	shalt  }
0x69: {  	_ =	shalt  }
0x6a: {  	_ =	shalt  }
0x6b: {  	_ =	shalt  }
0x6c: {  	_ =	shalt  }
0x6d: {  	_ =	shalt  }
0x6e: {  	_ =	shalt  }
0x6f: {  	_ =	shalt  }
0x70: {  	_ =	shalt  }
0x71: {  	_ =	shalt  }
0x72: {  	_ =	shalt  }
0x73: {  	_ =	shalt  }
0x74: {  	_ =	shalt  }
0x75: {  	_ =	shalt  }
0x76: {  	_ =	shalt  }
0x77: {  	_ =	shalt  }
0x78: {  	_ =	shalt  }
0x79: {  	_ =	shalt  }
0x7a: {  	_ =	shalt  }
0x7b: {  	_ =	shalt  }
0x7c: {  	_ =	shalt  }
0x7d: {  	_ =	shalt  }
0x7e: {  	_ =	shalt  }
0x7f: {  	_ =	shalt  }
0x80: {  	_ =	shalt  }
0x81: {  	_ =	shalt  }
0x82: {  	_ =	shalt  }
0x83: {  	_ =	shalt  }
0x84: {  	_ =	shalt  }
0x85: {  	_ =	shalt  }
0x86: {  	_ =	shalt  }
0x87: {  	_ =	shalt  }
.Lfunc_end0:
.L_simem_size_0:
called_computation.1_lowered:
.L_overlay_start_0:
0x88: {  	s2 =	sld [smem:$0x3FD9]  }
0x89: {  	s3 =	sld [smem:$0x3FFE];
	_ =	sdelay $0x1  }
0x8a: {  	s1 =	srdreg.scid  }
0x8b: {  	s0 =	sand.u32 $0x1, s1  }
0x8c: {  	s17 =	sshll.u32 s0, $0xA;
	s2 =	sadd.s32 s3, s2  }
0x8d: {  	s2 =	sadd.s32 s2, s17  }
0x8e: {  	[smem:$0x3FC3] =	sst s2  }
0x8f: {  	_ = 	snop  }
0x90: {  	s2 =	sld [smem:$0x3FD0];
	(tm) =	ssettm $0x1  }
0x91: {  	s18 =	sld [smem:$0x3FFB];
	_ =	sdelay $0x3  }
0x92: {  	_ =	strace s18  }
0x93: {  	s3 =	sld [smem:$0x3FFC];
	_ =	sdelay $0x3  }
0x94: {  	_ =	strace s3  }
0x95: {  	s3 =	sld [smem:$0x3FFD];
	_ =	sdelay $0x3  }
0x96: {  	_ =	strace s3  }
0x97: {  	_ =	strace $0x8FFFFFFF  }
0x98: {  	s19 =	sld [smem:$0x3FDB];
	_ =	sdelay $0x1  }
0x99: {  	s4 =	simm.s32 $_scs_section_size  }
0x9a: {  	s5 =	simm.s32 $_size__tile_overlayer_lowered;
	s6 =	simm.s32 $_tile_overlayer_lowered  }
0x9b: {  	s22 =	simm.s32 $0x1BFF;
	s21 =	sshll.u32 s6, $0x1;
	s3 =	sadd.s32 s4, s19  }
0x9c: {  	s7 =	simm.s32 $0x0;
	s20 =	sshll.u32 s5, $0x1;
	s5 =	sadd.s32 s21, s3  }
0x9d: {  	[timem:s7], [sflag:s22] =	dma.local [hbm:s5], s20  }
0x9e: {  	_ =	swait.ge [sflag:s22], s20  }
0x9f: {  	s4 =	ssub.s32 $0x0, s20;
	[sflag:s22] =	ssyncset.done $0x0  }
0xa0: {  	[sflag:s22] =	ssyncadd.s32 s4;
	_ =	sdelay $0x1  }
0xa1: {  	s23 =	simm.s32 $0x1B8B  }
0xa2: {  	_ =	swait.ge [sflag:s23], $0x1  }
0xa3: {  	[sflag:s23] =	ssyncset.done $0x0  }
0xa4: {  	s25 =	simm.s32 $0x1B8E;
	s24 =	sld [smem:$0x3FFE];
	[sflag:s23] =	ssyncadd.s32 $0xFFFFFFFF  }
0xa5: {  	s26 =	simm.s32 $execute0_lowered;
	[smem:$0x3FD2] =	sst s25  }
0xa6: {  	s5 =	sshll.u32 s26, $0x1;
	_ =	strace $0x80000046;
	[dreg:$0x1] =	wrdreg $0xFFFFFFFF  }
0xa7: {  	s28 =	simm.s32 $_size_execute0_lowered;
	s3 =	sadd.s32 s3, s5;
	[dreg:$0x0] =	wrdreg $0x0  }
0xa8: {  	s5 =	sshll.u32 s28, $0x1;
	[dreg:$0x2] =	wrdreg s3  }
0xa9: {  	[dreg:$0x3] =	wrdreg s5  }
0xaa: {  	[dreg:$0x4] =	wrdreg $0xC0  }
0xab: {  	_ =	task [dreg:s7], $0x5FFFF  }
0xac: {  	[dreg:$0x1] =	wrdreg $0xFFFFFFFF  }
0xad: {  	[dreg:$0x0] =	wrdreg $0x60  }
0xae: {  	[dreg:$0x2] =	wrdreg s24  }
0xaf: {  	[dreg:$0x3] =	wrdreg s2  }
0xb0: {  	[dreg:$0x4] =	wrdreg $0x9  }
0xb1: {  	_ =	task.clear_ibuf [dreg:s7], $0x5FFFF;
	_ =	strace $0x90000046  }
0xb2: {  	s29 =	simm.s32 $0x9;
	_ =	strace $0x80000048  }
0xb3: {  	_ =	swait.ge [sflag:s29], $0x1  }
0xb4: {  	[sflag:s29] =	ssyncadd.s32 $0xFFFFFFFF  }
0xb5: {  	_ =	strace $0x90000048  }
0xb6: {  	_ =	sfence  }
0xb7: {  	s30 =	sld [smem:$0x0];
	_ =	sdelay $0x2  }
0xb8: {  	s31 =	sshll.u32 s1, $0xD;
	s1 =	sshrl.u32 s1, $0x2  }
0xb9: {  	s3 =	sand.u32 $0x4000, s31;
	s1 =	sadd.s32 s1, s30  }
0xba: {  	s0 =	sor.u32 s3, s0;
	s1 =	sshll.u32 s1, $0x11  }
0xbb: {  	s0 =	sor.u32 s1, s0  }
0xbc: {  	s0 =	sadd.s32 $0x8F2B, s0  }
0xbd: {  	[sflag:s0] =	ssyncadd.remote.s32 $0x1  }
0xbe: {  	_ =	sfence.sel $0xFFFF  }
0xbf: {  	[dreg:$0x0] =	wrdreg $0xFFFFFFFF;
	(pc) =	sbr.abs _section_cstart, $3  }
0xc0: {  	[dreg:$0x1] =	wrdreg $0xFFFFFFFF  }
0xc1: {  	_ =	task.clear_ibuf [dreg:s7], $0x2FFFF;
	_ =	strace $0x9FFFFFFF  }
0xc2: {  	(tm) =	ssettm $0x7FFFFFFF  }
0xc3: {  	_ =	shalt  }
tec
execute0_lowered:
.L_overlay_start_1:
0x0: {  	(tag) =	ssettag $0x1  }
0x1: {  	s0 =	srdreg.scid;
	s1 =	rddreg [dreg:$0x0]  }
0x2: {  	s2 =	stileid.u32;
	s3 =	rddreg [dreg:$0x1]  }
0x3: {  	s28 =	simm.s32 $0x2;
	s29 =	simm.s32 $0xF000;
	s30 =	simm.s32 $0x3  }
0x4: {  	s0 =	sand.u32 $0x1, s0;
	s6 =	sadd.s32 $0x13D000, s1;
	s25 =	sadd.s32 $0x13D780, s1  }
0x5: {  	s2 =	sshll.u32 s2, $0x1;
	s31 =	sadd.s32 $0x13DF00, s1;
	s12 =	sadd.s32 $0x13E680, s1  }
0x6: {  	s15 =	sadd.s32 $0x13EE00, s1;
	s4 =	sor.u32 s0, s2;
	s2 =	simm.s32 $0x0  }
0x7: {  	s18 =	sadd.s32 $0x13F580, s1;
	s0 =	ssub.s32 $0x2, s0;
	[smem:$0x7FF] =	sst s2  }
0x8: {  	s22 =	sshrl.u32 s0, $0x1;
	_ =	strace $0x80000047;
	[dreg:$0x3] =	wrdreg s6  }
0x9: {  	s4 =	smul.u32 $0x13C00, s4;
	s0 =	ssub.s32 s0, s22;
	[dreg:$0x6] =	wrdreg s25  }
0xa: {  	[dreg:$0x8] =	wrdreg s31;
	s22 =	simm.s32 $0x3C00;
	s25 =	simm.s32 $0x6  }
0xb: {  	s4 =	sshrl.u32 s4, $0x3;
	s21 =	smax.u32 s0, $0x1;
	s0 =	simm.s32 $0x5  }
0xc: {  	s5 =	sadd.s32 s4, s1;
	s7 =	sadd.s32 s3, s4;
	s1 =	simm.s32 $0x4  }
0xd: {  	s3 =	simm.s32 $0x0;
	s23 =	sadd.s32 $0xEE000, s5;
	s24 =	sadd.s32 $0xEE780, s5  }
0xe: {  	s26 =	sadd.s32 $0xEEF00, s5;
	s10 =	sadd.s32 $0x780, s7;
	s11 =	sadd.s32 $0xEF680, s5  }
0xf: {  	s13 =	sadd.s32 $0xF00, s7;
	s14 =	sadd.s32 $0xEFE00, s5;
	[dreg:$0x4] =	wrdreg s23  }
0x10: {  	s16 =	sadd.s32 $0x1680, s7;
	s17 =	sadd.s32 $0x1E00, s7;
	[dreg:$0x5] =	wrdreg s24  }
0x11: {  	s19 =	sadd.s32 $0xF0580, s5;
	s20 =	sadd.s32 $0x2580, s7;
	[dreg:$0x7] =	wrdreg s26  }
0x12: {  	s23 =	simm.s32 $0x13C00;
	s24 =	simm.s32 $0x7800;
	s26 =	simm.s32 $0x1  }
.LBB2_1:
0x13: {  	s4 =	rddreg [dreg:$0x3]  }
0x14: {  	[tilespmem:s2], [sflag:$0x1] =	stream.strided.gather [hbm4b:s4+s22], $0x7800, s23, s22, $0x38;
	[tilespmem:$0x1A800] =	vst v63  }
0x15: {  	s9 =	rddreg [dreg:$0x4]  }
0x16: {  	[tilespmem:s24], [sflag:$0x2] =	stream.linear.gather [hbm4b:s9+s2], $0x3C00, $0x38;
	[tilespmem:$0x1A800] =	vst v63  }
0x17: {  	s31 =	rddreg [dreg:$0x5];
	s5 =	simm.s32 $0xB400  }
0x18: {  	[tilespmem:s5], [sflag:$0x3] =	stream.linear.gather [hbm4b:s31+s2], $0x3C00, $0x38;
	[tilespmem:$0x1A800] =	vst v63  }
0x19: {  	_ =	swait.ge [sflag:s26], $0x7800  }
0x1a: {  	[sflag:s26] =	ssyncset.done $0x0  }
0x1b: {  	[sflag:s26] =	ssyncadd.s32 $0xFFFF8800  }
0x1c: {  	_ =	swait.ge [sflag:s28], $0x3C00  }
0x1d: {  	s6 =	simm.s32 $0x0;
	[sflag:s28] =	ssyncset.done $0x0  }
0x1e: {  	s4 =	simm.s32 $0x0;
	s5 =	simm.s32 $0x0;
	[sflag:s28] =	ssyncadd.s32 $0xFFFFC400  }
.LBB2_2:
0x1f: {  	s8 =	sand.u32 $0x70, s6;
	s9 =	sand.u32 $0x3C00, s5  }
0x20: {  	s8 =	sor.u32 s8, s9  }
0x21: {  	v4 =	vld [tilespmem:s8+$0x0]  }
0x22: {  	v2 =	vld [tilespmem:s8+$0x80]  }
0x23: {  	v1 =	vld [tilespmem:s8+$0x100]  }
0x24: {  	v0 =	vld [tilespmem:s8+$0x180]  }
0x25: {  	v13 =	vld [tilespmem:s8+$0x7800]  }
0x26: {  	v9 =	vld [tilespmem:s8+$0x200]  }
0x27: {  	v15 =	vld [tilespmem:s8+$0x7880]  }
0x28: {  	s31 =	sand.u32 $0x7, s4;
	v45 =	vld [tilespmem:s8+$0x7900]  }
0x29: {  	s9 =	sshll.u32 s31, $0x4;
	v7 =	vld [tilespmem:s8+$0x280]  }
0x2a: {  	s9 =	sadd.s32 s9, s5;
	v20 =	vld [tilespmem:s8+$0x7980];
	v8 =	vmul.f32 v13, v4;
	v14 =	vmul.f32 v13, v2  }
0x2b: {  	v5 =	vld [tilespmem:s8+$0x300];
	s31 =	sor.u32 $0x380, s9;
	v16 =	vmul.f32 v13, v1;
	v13 =	vmul.f32 v13, v0  }
0x2c: {  	v3 =	vld [tilespmem:s31+$0x0];
	v18 =	vmul.f32 v15, v4;
	v19 =	vmul.f32 v15, v2  }
0x2d: {  	v48 =	vmul.f32 v15, v1;
	v52 =	vmul.f32 v45, v4  }
0x2e: {  	v15 =	vmul.f32 v15, v0;
	v21 =	vmul.f32 v45, v2  }
0x2f: {  	v63 =	vld [tilespmem:s8+$0x7A00];
	v56 =	vmul.f32 v45, v1;
	v60 =	vmul.f32 v20, v4  }
0x30: {  	v22 =	vmul.f32 v20, v2;
	v12 =	vadd.f32 v8, v9;
	v14 =	vadd.f32 v14, v7  }
0x31: {  	v35 =	vld [tilespmem:s8+$0x7A80];
	v30 =	vmul.f32 v20, v1;
	v16 =	vadd.f32 v16, v5;
	v13 =	vadd.f32 v13, v3  }
0x32: {  	v31 =	vmul.f32 v45, v0;
	v18 =	vadd.f32 v18, v9;
	v47 =	vadd.f32 v19, v7  }
0x33: {  	v40 =	vld [tilespmem:s8+$0x7B00];
	v20 =	vmul.f32 v20, v0;
	v51 =	vadd.f32 v48, v5;
	v19 =	vadd.f32 v52, v9  }
0x34: {  	v23 =	vmul.f32 v63, v4;
	v15 =	vadd.f32 v15, v3;
	v55 =	vadd.f32 v21, v7  }
0x35: {  	v38 =	vmul.f32 v63, v2;
	v59 =	vadd.f32 v56, v5;
	v21 =	vadd.f32 v60, v9  }
0x36: {  	v24 =	vmul.f32 v35, v4;
	v29 =	vadd.f32 v22, v7;
	v34 =	vadd.f32 v30, v5  }
0x37: {  	v44 =	vmul.f32 v63, v1;
	v20 =	vadd.f32 v20, v3;
	v37 =	vadd.f32 v23, v9  }
0x38: {  	v11 =	vld [tilespmem:s8+$0x3C00];
	v25 =	vmul.f32 v40, v4;
	v23 =	vadd.f32 v38, v7;
	v45 =	vadd.f32 v24, v9  }
0x39: {  	v6 =	vld [tilespmem:s8+$0x3C80];
	v52 =	vmul.f32 v35, v1;
	v22 =	vmul.f32 v35, v0;
	v12 =	vmax.f32 v12, $0.0e+00  }
0x3a: {  	v14 =	vmax.f32 v14, $0.0e+00;
	v16 =	vmax.f32 v16, $0.0e+00;
	v13 =	vmax.f32 v13, $0.0e+00  }
0x3b: {  	v46 =	vmax.f32 v18, $0.0e+00;
	v50 =	vmax.f32 v47, $0.0e+00;
	v18 =	vmax.f32 v51, $0.0e+00  }
0x3c: {  	v54 =	vmax.f32 v19, $0.0e+00;
	v15 =	vmax.f32 v15, $0.0e+00;
	v58 =	vmax.f32 v55, $0.0e+00  }
0x3d: {  	v8 =	vld [tilespmem:s8+$0x3D00];
	v19 =	vmax.f32 v59, $0.0e+00;
	v28 =	vmax.f32 v21, $0.0e+00;
	v33 =	vmax.f32 v29, $0.0e+00  }
0x3e: {  	v10 =	vld [tilespmem:s8+$0x3E00];
	v21 =	vmax.f32 v34, $0.0e+00;
	v17 =	vmul.f32 v12, v11;
	v14 =	vmul.f32 v14, v6  }
0x3f: {  	v43 =	vmax.f32 v23, $0.0e+00;
	v49 =	vmul.f32 v46, v11;
	v57 =	vmul.f32 v54, v11  }
0x40: {  	v23 =	vmax.f32 v45, $0.0e+00;
	v32 =	vmul.f32 v28, v11;
	v46 =	vmul.f32 v35, v2  }
0x41: {  	v20 =	vmax.f32 v20, $0.0e+00;
	v47 =	vmul.f32 v23, v11;
	v54 =	vmul.f32 v40, v1  }
0x42: {  	v22 =	vadd.f32 v22, v3;
	v12 =	vld [tilespmem:s8+$0x3D80];
	v16 =	vmul.f32 v16, v8;
	v53 =	vmul.f32 v18, v8  }
0x43: {  	v17 =	vadd.f32 v17, v10;
	v18 =	vmul.f32 v58, v6;
	v62 =	vmul.f32 v19, v8  }
0x44: {  	v36 =	vmul.f32 v21, v8;
	v21 =	vmax.f32 v37, $0.0e+00;
	v48 =	vadd.f32 v46, v7  }
0x45: {  	v55 =	vadd.f32 v54, v5;
	v42 =	vmul.f32 v21, v11;
	v21 =	vadd.f32 v44, v5  }
0x46: {  	v19 =	vmul.f32 v33, v6;
	v14 =	vadd.f32 v17, v14;
	v17 =	vadd.f32 v32, v10  }
0x47: {  	v23 =	vmax.f32 v48, $0.0e+00;
	v13 =	vmul.f32 v13, v12;
	v15 =	vmul.f32 v15, v12  }
0x48: {  	v39 =	vmul.f32 v20, v12;
	v20 =	vmul.f32 v40, v0;
	v14 =	vadd.f32 v14, v16  }
0x49: {  	v21 =	vmax.f32 v21, $0.0e+00;
	v16 =	vmul.f32 v50, v6;
	v17 =	vadd.f32 v17, v19  }
0x4a: {  	v50 =	vmul.f32 v40, v2;
	v20 =	vadd.f32 v20, v3;
	v13 =	vadd.f32 v14, v13  }
0x4b: {  	v23 =	vmul.f32 v23, v6;
	v14 =	vadd.f32 v49, v10;
	v17 =	vadd.f32 v17, v36  }
0x4c: {  	v19 =	vmul.f32 v43, v6;
	v49 =	vadd.f32 v25, v9;
	v25 =	vadd.f32 v50, v7  }
0x4d: {  	v21 =	vmul.f32 v21, v8;
	v14 =	vadd.f32 v14, v16;
	v16 =	vadd.f32 v57, v10  }
0x4e: {  	v60 =	vmax.f32 v20, $0.0e+00;
	v41 =	vadd.f32 v17, v39;
	v17 =	vadd.f32 v42, v10  }
0x4f: {  	v24 =	vmax.f32 v49, $0.0e+00;
	v14 =	vadd.f32 v14, v53;
	v61 =	vadd.f32 v16, v18  }
0x50: {  	v51 =	vmul.f32 v24, v11;
	v17 =	vadd.f32 v17, v19;
	v19 =	vadd.f32 v47, v10  }
0x51: {  	v16 =	vadd.f32 v31, v3;
	v18 =	vmul.f32 v63, v0;
	v14 =	vadd.f32 v14, v15  }
0x52: {  	v53 =	vmax.f32 v25, $0.0e+00;
	v17 =	vadd.f32 v17, v21;
	v19 =	vadd.f32 v19, v23  }
0x53: {  	v24 =	vmul.f32 v53, v6;
	v21 =	vadd.f32 v51, v10;
	v23 =	vadd.f32 v52, v5  }
0x54: {  	v15 =	vadd.f32 v61, v62;
	v16 =	vmax.f32 v16, $0.0e+00;
	v18 =	vadd.f32 v18, v3  }
0x55: {  	v16 =	vmul.f32 v16, v12;
	v21 =	vadd.f32 v21, v24;
	v23 =	vmax.f32 v23, $0.0e+00  }
0x56: {  	v18 =	vmax.f32 v18, $0.0e+00;
	v24 =	vmax.f32 v55, $0.0e+00;
	v23 =	vmul.f32 v23, v8  }
0x57: {  	[tilespmem:s8+$0xF000] =	vst v13;
	v57 =	vmax.f32 v22, $0.0e+00;
	v56 =	vmul.f32 v18, v12;
	v58 =	vmul.f32 v24, v8  }
0x58: {  	[tilespmem:s8+$0xF180] =	vst v41;
	v15 =	vadd.f32 v15, v16;
	v18 =	vmul.f32 v57, v12;
	v59 =	vadd.f32 v19, v23  }
0x59: {  	v62 =	vmul.f32 v60, v12;
	[tilespmem:s8+$0xF080] =	vst v14;
	v13 =	vadd.f32 v17, v56;
	v61 =	vadd.f32 v21, v58  }
0x5a: {  	[tilespmem:s8+$0xF100] =	vst v15;
	v14 =	vadd.f32 v59, v18  }
0x5b: {  	[tilespmem:s8+$0xF200] =	vst v13;
	v63 =	vadd.f32 v61, v62  }
0x5c: {  	[tilespmem:s8+$0xF280] =	vst v14  }
0x5d: {  	[tilespmem:s8+$0xF300] =	vst v63  }
0x5e: {  	v13 =	vld [tilespmem:s31+$0x7800];
	_ =	sdelay $0x4  }
0x5f: {  	v4 =	vmul.f32 v13, v4;
	_ =	sdelay $0x1  }
0x60: {  	v2 =	vmul.f32 v13, v2;
	v4 =	vadd.f32 v4, v9;
	_ =	sdelay $0x1  }
0x61: {  	v1 =	vmul.f32 v13, v1;
	v2 =	vadd.f32 v2, v7;
	v4 =	vmax.f32 v4, $0.0e+00  }
0x62: {  	v4 =	vmul.f32 v4, v11  }
0x63: {  	v0 =	vmul.f32 v13, v0;
	v1 =	vadd.f32 v1, v5;
	v2 =	vmax.f32 v2, $0.0e+00  }
0x64: {  	v2 =	vmul.f32 v2, v6;
	v4 =	vadd.f32 v4, v10  }
0x65: {  	v0 =	vadd.f32 v0, v3;
	v1 =	vmax.f32 v1, $0.0e+00  }
0x66: {  	v1 =	vmul.f32 v1, v8;
	v2 =	vadd.f32 v4, v2  }
0x67: {  	p0 =	sne.s32 s6, $0x770;
	v0 =	vmax.f32 v0, $0.0e+00  }
.Ltmp0:
0x68: {  	v0 =	vmul.f32 v0, v12;
	v1 =	vadd.f32 v2, v1;
	(pc) =	sbr.rel @p0 .LBB2_2-.Ltmp0, $3  }
0x69: {  	_ = 	snop  }
0x6a: {  	v0 =	vadd.f32 v1, v0;
	_ =	sdelay $0x1  }
0x6b: {  	s4 =	sadd.s32 $0x1, s4;
	s6 =	sadd.s32 $0x10, s6;
	s5 =	sadd.s32 $0x80, s5;
	[tilespmem:s31+$0xF000] =	vst v0  }
0x6c: {  	s4 =	simm.s32 $0x0;
	s5 =	rddreg [dreg:$0x6]  }
0x6d: {  	[tilespmem:s4], [sflag:$0x1] =	stream.strided.gather [hbm4b:s5+s22], $0x7800, s23, s22, $0x38;
	[tilespmem:$0x1A800] =	vst v63  }
0x6e: {  	_ = 	snop  }
0x6f: {  	[hbm4b:s7+s4] =	stream.linear.scatter [tilespmem:s29], [sflag:$0x4], $0x3C00, $0x38;
	[tilespmem:$0x1A800] =	vst v63  }
0x70: {  	s31 =	rddreg [dreg:$0x7]  }
0x71: {  	[tilespmem:s24], [sflag:$0x2] =	stream.linear.gather [hbm4b:s31+s4], $0x3C00, $0x38;
	[tilespmem:$0x1A800] =	vst v63  }
0x72: {  	_ =	swait.ge [sflag:s26], $0x7800  }
0x73: {  	[sflag:s26] =	ssyncset.done $0x0  }
0x74: {  	[sflag:s26] =	ssyncadd.s32 $0xFFFF8800  }
0x75: {  	_ =	swait.ge [sflag:s30], $0x3C00  }
0x76: {  	[sflag:s30] =	ssyncset.done $0x0  }
0x77: {  	s6 =	simm.s32 $0x0;
	s5 =	simm.s32 $0x0;
	[sflag:s30] =	ssyncadd.s32 $0xFFFFC400  }
.LBB2_4:
0x78: {  	s8 =	sand.u32 $0x70, s6;
	s9 =	sand.u32 $0x3C00, s5  }
0x79: {  	s8 =	sor.u32 s8, s9  }
0x7a: {  	v4 =	vld [tilespmem:s8+$0x0]  }
0x7b: {  	v2 =	vld [tilespmem:s8+$0x80]  }
0x7c: {  	v1 =	vld [tilespmem:s8+$0x100]  }
0x7d: {  	v0 =	vld [tilespmem:s8+$0x180]  }
0x7e: {  	v13 =	vld [tilespmem:s8+$0xB400]  }
0x7f: {  	v9 =	vld [tilespmem:s8+$0x200]  }
0x80: {  	v15 =	vld [tilespmem:s8+$0xB480]  }
0x81: {  	s31 =	sand.u32 $0x7, s4;
	v45 =	vld [tilespmem:s8+$0xB500]  }
0x82: {  	s9 =	sshll.u32 s31, $0x4;
	v7 =	vld [tilespmem:s8+$0x280]  }
0x83: {  	s9 =	sadd.s32 s9, s5;
	v20 =	vld [tilespmem:s8+$0xB580];
	v8 =	vmul.f32 v13, v4;
	v14 =	vmul.f32 v13, v2  }
0x84: {  	v5 =	vld [tilespmem:s8+$0x300];
	s31 =	sor.u32 $0x380, s9;
	v16 =	vmul.f32 v13, v1;
	v13 =	vmul.f32 v13, v0  }
0x85: {  	v3 =	vld [tilespmem:s31+$0x0];
	v18 =	vmul.f32 v15, v4;
	v19 =	vmul.f32 v15, v2  }
0x86: {  	v48 =	vmul.f32 v15, v1;
	v52 =	vmul.f32 v45, v4  }
0x87: {  	v15 =	vmul.f32 v15, v0;
	v21 =	vmul.f32 v45, v2  }
0x88: {  	v63 =	vld [tilespmem:s8+$0xB600];
	v56 =	vmul.f32 v45, v1;
	v60 =	vmul.f32 v20, v4  }
0x89: {  	v22 =	vmul.f32 v20, v2;
	v12 =	vadd.f32 v8, v9;
	v14 =	vadd.f32 v14, v7  }
0x8a: {  	v35 =	vld [tilespmem:s8+$0xB680];
	v30 =	vmul.f32 v20, v1;
	v16 =	vadd.f32 v16, v5;
	v13 =	vadd.f32 v13, v3  }
0x8b: {  	v31 =	vmul.f32 v45, v0;
	v18 =	vadd.f32 v18, v9;
	v47 =	vadd.f32 v19, v7  }
0x8c: {  	v40 =	vld [tilespmem:s8+$0xB700];
	v20 =	vmul.f32 v20, v0;
	v51 =	vadd.f32 v48, v5;
	v19 =	vadd.f32 v52, v9  }
0x8d: {  	v23 =	vmul.f32 v63, v4;
	v15 =	vadd.f32 v15, v3;
	v55 =	vadd.f32 v21, v7  }
0x8e: {  	v38 =	vmul.f32 v63, v2;
	v59 =	vadd.f32 v56, v5;
	v21 =	vadd.f32 v60, v9  }
0x8f: {  	v24 =	vmul.f32 v35, v4;
	v29 =	vadd.f32 v22, v7;
	v34 =	vadd.f32 v30, v5  }
0x90: {  	v44 =	vmul.f32 v63, v1;
	v20 =	vadd.f32 v20, v3;
	v37 =	vadd.f32 v23, v9  }
0x91: {  	v11 =	vld [tilespmem:s8+$0x3C00];
	v25 =	vmul.f32 v40, v4;
	v23 =	vadd.f32 v38, v7;
	v45 =	vadd.f32 v24, v9  }
0x92: {  	v6 =	vld [tilespmem:s8+$0x3C80];
	v52 =	vmul.f32 v35, v1;
	v22 =	vmul.f32 v35, v0;
	v12 =	vmax.f32 v12, $0.0e+00  }
0x93: {  	v14 =	vmax.f32 v14, $0.0e+00;
	v16 =	vmax.f32 v16, $0.0e+00;
	v13 =	vmax.f32 v13, $0.0e+00  }
0x94: {  	v46 =	vmax.f32 v18, $0.0e+00;
	v50 =	vmax.f32 v47, $0.0e+00;
	v18 =	vmax.f32 v51, $0.0e+00  }
0x95: {  	v54 =	vmax.f32 v19, $0.0e+00;
	v15 =	vmax.f32 v15, $0.0e+00;
	v58 =	vmax.f32 v55, $0.0e+00  }
0x96: {  	v8 =	vld [tilespmem:s8+$0x3D00];
	v19 =	vmax.f32 v59, $0.0e+00;
	v28 =	vmax.f32 v21, $0.0e+00;
	v33 =	vmax.f32 v29, $0.0e+00  }
0x97: {  	v10 =	vld [tilespmem:s8+$0x3E00];
	v21 =	vmax.f32 v34, $0.0e+00;
	v17 =	vmul.f32 v12, v11;
	v14 =	vmul.f32 v14, v6  }
0x98: {  	v43 =	vmax.f32 v23, $0.0e+00;
	v49 =	vmul.f32 v46, v11;
	v57 =	vmul.f32 v54, v11  }
0x99: {  	v23 =	vmax.f32 v45, $0.0e+00;
	v32 =	vmul.f32 v28, v11;
	v46 =	vmul.f32 v35, v2  }
0x9a: {  	v20 =	vmax.f32 v20, $0.0e+00;
	v47 =	vmul.f32 v23, v11;
	v54 =	vmul.f32 v40, v1  }
0x9b: {  	v22 =	vadd.f32 v22, v3;
	v12 =	vld [tilespmem:s8+$0x3D80];
	v16 =	vmul.f32 v16, v8;
	v53 =	vmul.f32 v18, v8  }
0x9c: {  	v17 =	vadd.f32 v17, v10;
	v18 =	vmul.f32 v58, v6;
	v62 =	vmul.f32 v19, v8  }
0x9d: {  	v36 =	vmul.f32 v21, v8;
	v21 =	vmax.f32 v37, $0.0e+00;
	v48 =	vadd.f32 v46, v7  }
0x9e: {  	v55 =	vadd.f32 v54, v5;
	v42 =	vmul.f32 v21, v11;
	v21 =	vadd.f32 v44, v5  }
0x9f: {  	v19 =	vmul.f32 v33, v6;
	v14 =	vadd.f32 v17, v14;
	v17 =	vadd.f32 v32, v10  }
0xa0: {  	v23 =	vmax.f32 v48, $0.0e+00;
	v13 =	vmul.f32 v13, v12;
	v15 =	vmul.f32 v15, v12  }
0xa1: {  	v39 =	vmul.f32 v20, v12;
	v20 =	vmul.f32 v40, v0;
	v14 =	vadd.f32 v14, v16  }
0xa2: {  	v21 =	vmax.f32 v21, $0.0e+00;
	v16 =	vmul.f32 v50, v6;
	v17 =	vadd.f32 v17, v19  }
0xa3: {  	v50 =	vmul.f32 v40, v2;
	v20 =	vadd.f32 v20, v3;
	v13 =	vadd.f32 v14, v13  }
0xa4: {  	v23 =	vmul.f32 v23, v6;
	v14 =	vadd.f32 v49, v10;
	v17 =	vadd.f32 v17, v36  }
0xa5: {  	v19 =	vmul.f32 v43, v6;
	v49 =	vadd.f32 v25, v9;
	v25 =	vadd.f32 v50, v7  }
0xa6: {  	v21 =	vmul.f32 v21, v8;
	v14 =	vadd.f32 v14, v16;
	v16 =	vadd.f32 v57, v10  }
0xa7: {  	v60 =	vmax.f32 v20, $0.0e+00;
	v41 =	vadd.f32 v17, v39;
	v17 =	vadd.f32 v42, v10  }
0xa8: {  	v24 =	vmax.f32 v49, $0.0e+00;
	v14 =	vadd.f32 v14, v53;
	v61 =	vadd.f32 v16, v18  }
0xa9: {  	v51 =	vmul.f32 v24, v11;
	v17 =	vadd.f32 v17, v19;
	v19 =	vadd.f32 v47, v10  }
0xaa: {  	v16 =	vadd.f32 v31, v3;
	v18 =	vmul.f32 v63, v0;
	v14 =	vadd.f32 v14, v15  }
0xab: {  	v53 =	vmax.f32 v25, $0.0e+00;
	v17 =	vadd.f32 v17, v21;
	v19 =	vadd.f32 v19, v23  }
0xac: {  	v24 =	vmul.f32 v53, v6;
	v21 =	vadd.f32 v51, v10;
	v23 =	vadd.f32 v52, v5  }
0xad: {  	v15 =	vadd.f32 v61, v62;
	v16 =	vmax.f32 v16, $0.0e+00;
	v18 =	vadd.f32 v18, v3  }
0xae: {  	v16 =	vmul.f32 v16, v12;
	v21 =	vadd.f32 v21, v24;
	v23 =	vmax.f32 v23, $0.0e+00  }
0xaf: {  	v18 =	vmax.f32 v18, $0.0e+00;
	v24 =	vmax.f32 v55, $0.0e+00;
	v23 =	vmul.f32 v23, v8  }
0xb0: {  	[tilespmem:s8+$0x12C00] =	vst v13;
	v57 =	vmax.f32 v22, $0.0e+00;
	v56 =	vmul.f32 v18, v12;
	v58 =	vmul.f32 v24, v8  }
0xb1: {  	[tilespmem:s8+$0x12D80] =	vst v41;
	v15 =	vadd.f32 v15, v16;
	v18 =	vmul.f32 v57, v12;
	v59 =	vadd.f32 v19, v23  }
0xb2: {  	v62 =	vmul.f32 v60, v12;
	[tilespmem:s8+$0x12C80] =	vst v14;
	v13 =	vadd.f32 v17, v56;
	v61 =	vadd.f32 v21, v58  }
0xb3: {  	[tilespmem:s8+$0x12D00] =	vst v15;
	v14 =	vadd.f32 v59, v18  }
0xb4: {  	[tilespmem:s8+$0x12E00] =	vst v13;
	v63 =	vadd.f32 v61, v62  }
0xb5: {  	[tilespmem:s8+$0x12E80] =	vst v14  }
0xb6: {  	[tilespmem:s8+$0x12F00] =	vst v63  }
0xb7: {  	v13 =	vld [tilespmem:s31+$0xB400];
	_ =	sdelay $0x4  }
0xb8: {  	v4 =	vmul.f32 v13, v4;
	_ =	sdelay $0x1  }
0xb9: {  	v2 =	vmul.f32 v13, v2;
	v4 =	vadd.f32 v4, v9;
	_ =	sdelay $0x1  }
0xba: {  	v1 =	vmul.f32 v13, v1;
	v2 =	vadd.f32 v2, v7;
	v4 =	vmax.f32 v4, $0.0e+00  }
0xbb: {  	v4 =	vmul.f32 v4, v11  }
0xbc: {  	v0 =	vmul.f32 v13, v0;
	v1 =	vadd.f32 v1, v5;
	v2 =	vmax.f32 v2, $0.0e+00  }
0xbd: {  	v2 =	vmul.f32 v2, v6;
	v4 =	vadd.f32 v4, v10  }
0xbe: {  	v0 =	vadd.f32 v0, v3;
	v1 =	vmax.f32 v1, $0.0e+00  }
0xbf: {  	v1 =	vmul.f32 v1, v8;
	v2 =	vadd.f32 v4, v2  }
0xc0: {  	p0 =	sne.s32 s6, $0x770;
	v0 =	vmax.f32 v0, $0.0e+00  }
.Ltmp1:
0xc1: {  	v0 =	vmul.f32 v0, v12;
	v1 =	vadd.f32 v2, v1;
	(pc) =	sbr.rel @p0 .LBB2_4-.Ltmp1, $3  }
0xc2: {  	_ = 	snop  }
0xc3: {  	v0 =	vadd.f32 v1, v0;
	_ =	sdelay $0x1  }
0xc4: {  	s4 =	sadd.s32 $0x1, s4;
	s6 =	sadd.s32 $0x10, s6;
	s5 =	sadd.s32 $0x80, s5;
	[tilespmem:s31+$0x12C00] =	vst v0  }
0xc5: {  	s4 =	simm.s32 $0x0;
	s5 =	rddreg [dreg:$0x8]  }
0xc6: {  	[tilespmem:s4], [sflag:$0x1] =	stream.strided.gather [hbm4b:s5+s22], $0x7800, s23, s22, $0x38;
	[tilespmem:$0x1A800] =	vst v63  }
0xc7: {  	s9 =	simm.s32 $0x12C00  }
0xc8: {  	[hbm4b:s10+s4] =	stream.linear.scatter [tilespmem:s9], [sflag:$0x5], $0x3C00, $0x38;
	[tilespmem:$0x1A800] =	vst v63  }
0xc9: {  	s31 =	simm.s32 $0xB400  }
0xca: {  	[tilespmem:s31], [sflag:$0x3] =	stream.linear.gather [hbm4b:s11+s4], $0x3C00, $0x38;
	[tilespmem:$0x1A800] =	vst v63  }
0xcb: {  	_ =	swait.ge [sflag:s26], $0x7800  }
0xcc: {  	[sflag:s26] =	ssyncset.done $0x0  }
0xcd: {  	[sflag:s26] =	ssyncadd.s32 $0xFFFF8800  }
0xce: {  	_ =	swait.ge [sflag:s28], $0x3C00  }
0xcf: {  	[sflag:s28] =	ssyncset.done $0x0  }
0xd0: {  	[sflag:s28] =	ssyncadd.s32 $0xFFFFC400  }
0xd1: {  	_ =	swait.ge [sflag:s1], $0x3C00  }
0xd2: {  	[sflag:s1] =	ssyncset.done $0x0  }
0xd3: {  	s6 =	simm.s32 $0x0;
	s5 =	simm.s32 $0x0;
	[sflag:s1] =	ssyncadd.s32 $0xFFFFC400  }
.LBB2_6:
0xd4: {  	s8 =	sand.u32 $0x70, s6;
	s9 =	sand.u32 $0x3C00, s5  }
0xd5: {  	s8 =	sor.u32 s8, s9  }
0xd6: {  	v4 =	vld [tilespmem:s8+$0x0]  }
0xd7: {  	v2 =	vld [tilespmem:s8+$0x80]  }
0xd8: {  	v1 =	vld [tilespmem:s8+$0x100]  }
0xd9: {  	v0 =	vld [tilespmem:s8+$0x180]  }
0xda: {  	v13 =	vld [tilespmem:s8+$0x7800]  }
0xdb: {  	v9 =	vld [tilespmem:s8+$0x200]  }
0xdc: {  	v15 =	vld [tilespmem:s8+$0x7880]  }
0xdd: {  	s31 =	sand.u32 $0x7, s4;
	v45 =	vld [tilespmem:s8+$0x7900]  }
0xde: {  	s9 =	sshll.u32 s31, $0x4;
	v7 =	vld [tilespmem:s8+$0x280]  }
0xdf: {  	s9 =	sadd.s32 s9, s5;
	v20 =	vld [tilespmem:s8+$0x7980];
	v8 =	vmul.f32 v13, v4;
	v14 =	vmul.f32 v13, v2  }
0xe0: {  	v5 =	vld [tilespmem:s8+$0x300];
	s31 =	sor.u32 $0x380, s9;
	v16 =	vmul.f32 v13, v1;
	v13 =	vmul.f32 v13, v0  }
0xe1: {  	v3 =	vld [tilespmem:s31+$0x0];
	v18 =	vmul.f32 v15, v4;
	v19 =	vmul.f32 v15, v2  }
0xe2: {  	v48 =	vmul.f32 v15, v1;
	v52 =	vmul.f32 v45, v4  }
0xe3: {  	v15 =	vmul.f32 v15, v0;
	v21 =	vmul.f32 v45, v2  }
0xe4: {  	v63 =	vld [tilespmem:s8+$0x7A00];
	v56 =	vmul.f32 v45, v1;
	v60 =	vmul.f32 v20, v4  }
0xe5: {  	v22 =	vmul.f32 v20, v2;
	v12 =	vadd.f32 v8, v9;
	v14 =	vadd.f32 v14, v7  }
0xe6: {  	v35 =	vld [tilespmem:s8+$0x7A80];
	v30 =	vmul.f32 v20, v1;
	v16 =	vadd.f32 v16, v5;
	v13 =	vadd.f32 v13, v3  }
0xe7: {  	v31 =	vmul.f32 v45, v0;
	v18 =	vadd.f32 v18, v9;
	v47 =	vadd.f32 v19, v7  }
0xe8: {  	v40 =	vld [tilespmem:s8+$0x7B00];
	v20 =	vmul.f32 v20, v0;
	v51 =	vadd.f32 v48, v5;
	v19 =	vadd.f32 v52, v9  }
0xe9: {  	v23 =	vmul.f32 v63, v4;
	v15 =	vadd.f32 v15, v3;
	v55 =	vadd.f32 v21, v7  }
0xea: {  	v38 =	vmul.f32 v63, v2;
	v59 =	vadd.f32 v56, v5;
	v21 =	vadd.f32 v60, v9  }
0xeb: {  	v24 =	vmul.f32 v35, v4;
	v29 =	vadd.f32 v22, v7;
	v34 =	vadd.f32 v30, v5  }
0xec: {  	v44 =	vmul.f32 v63, v1;
	v20 =	vadd.f32 v20, v3;
	v37 =	vadd.f32 v23, v9  }
0xed: {  	v11 =	vld [tilespmem:s8+$0x3C00];
	v25 =	vmul.f32 v40, v4;
	v23 =	vadd.f32 v38, v7;
	v45 =	vadd.f32 v24, v9  }
0xee: {  	v6 =	vld [tilespmem:s8+$0x3C80];
	v52 =	vmul.f32 v35, v1;
	v22 =	vmul.f32 v35, v0;
	v12 =	vmax.f32 v12, $0.0e+00  }
0xef: {  	v14 =	vmax.f32 v14, $0.0e+00;
	v16 =	vmax.f32 v16, $0.0e+00;
	v13 =	vmax.f32 v13, $0.0e+00  }
0xf0: {  	v46 =	vmax.f32 v18, $0.0e+00;
	v50 =	vmax.f32 v47, $0.0e+00;
	v18 =	vmax.f32 v51, $0.0e+00  }
0xf1: {  	v54 =	vmax.f32 v19, $0.0e+00;
	v15 =	vmax.f32 v15, $0.0e+00;
	v58 =	vmax.f32 v55, $0.0e+00  }
0xf2: {  	v8 =	vld [tilespmem:s8+$0x3D00];
	v19 =	vmax.f32 v59, $0.0e+00;
	v28 =	vmax.f32 v21, $0.0e+00;
	v33 =	vmax.f32 v29, $0.0e+00  }
0xf3: {  	v10 =	vld [tilespmem:s8+$0x3E00];
	v21 =	vmax.f32 v34, $0.0e+00;
	v17 =	vmul.f32 v12, v11;
	v14 =	vmul.f32 v14, v6  }
0xf4: {  	v43 =	vmax.f32 v23, $0.0e+00;
	v49 =	vmul.f32 v46, v11;
	v57 =	vmul.f32 v54, v11  }
0xf5: {  	v23 =	vmax.f32 v45, $0.0e+00;
	v32 =	vmul.f32 v28, v11;
	v46 =	vmul.f32 v35, v2  }
0xf6: {  	v20 =	vmax.f32 v20, $0.0e+00;
	v47 =	vmul.f32 v23, v11;
	v54 =	vmul.f32 v40, v1  }
0xf7: {  	v22 =	vadd.f32 v22, v3;
	v12 =	vld [tilespmem:s8+$0x3D80];
	v16 =	vmul.f32 v16, v8;
	v53 =	vmul.f32 v18, v8  }
0xf8: {  	v17 =	vadd.f32 v17, v10;
	v18 =	vmul.f32 v58, v6;
	v62 =	vmul.f32 v19, v8  }
0xf9: {  	v36 =	vmul.f32 v21, v8;
	v21 =	vmax.f32 v37, $0.0e+00;
	v48 =	vadd.f32 v46, v7  }
0xfa: {  	v55 =	vadd.f32 v54, v5;
	v42 =	vmul.f32 v21, v11;
	v21 =	vadd.f32 v44, v5  }
0xfb: {  	v19 =	vmul.f32 v33, v6;
	v14 =	vadd.f32 v17, v14;
	v17 =	vadd.f32 v32, v10  }
0xfc: {  	v23 =	vmax.f32 v48, $0.0e+00;
	v13 =	vmul.f32 v13, v12;
	v15 =	vmul.f32 v15, v12  }
0xfd: {  	v39 =	vmul.f32 v20, v12;
	v20 =	vmul.f32 v40, v0;
	v14 =	vadd.f32 v14, v16  }
0xfe: {  	v21 =	vmax.f32 v21, $0.0e+00;
	v16 =	vmul.f32 v50, v6;
	v17 =	vadd.f32 v17, v19  }
0xff: {  	v50 =	vmul.f32 v40, v2;
	v20 =	vadd.f32 v20, v3;
	v13 =	vadd.f32 v14, v13  }
0x100: {  	v23 =	vmul.f32 v23, v6;
	v14 =	vadd.f32 v49, v10;
	v17 =	vadd.f32 v17, v36  }
0x101: {  	v19 =	vmul.f32 v43, v6;
	v49 =	vadd.f32 v25, v9;
	v25 =	vadd.f32 v50, v7  }
0x102: {  	v21 =	vmul.f32 v21, v8;
	v14 =	vadd.f32 v14, v16;
	v16 =	vadd.f32 v57, v10  }
0x103: {  	v60 =	vmax.f32 v20, $0.0e+00;
	v41 =	vadd.f32 v17, v39;
	v17 =	vadd.f32 v42, v10  }
0x104: {  	v24 =	vmax.f32 v49, $0.0e+00;
	v14 =	vadd.f32 v14, v53;
	v61 =	vadd.f32 v16, v18  }
0x105: {  	v51 =	vmul.f32 v24, v11;
	v17 =	vadd.f32 v17, v19;
	v19 =	vadd.f32 v47, v10  }
0x106: {  	v16 =	vadd.f32 v31, v3;
	v18 =	vmul.f32 v63, v0;
	v14 =	vadd.f32 v14, v15  }
0x107: {  	v53 =	vmax.f32 v25, $0.0e+00;
	v17 =	vadd.f32 v17, v21;
	v19 =	vadd.f32 v19, v23  }
0x108: {  	v24 =	vmul.f32 v53, v6;
	v21 =	vadd.f32 v51, v10;
	v23 =	vadd.f32 v52, v5  }
0x109: {  	v15 =	vadd.f32 v61, v62;
	v16 =	vmax.f32 v16, $0.0e+00;
	v18 =	vadd.f32 v18, v3  }
0x10a: {  	v16 =	vmul.f32 v16, v12;
	v21 =	vadd.f32 v21, v24;
	v23 =	vmax.f32 v23, $0.0e+00  }
0x10b: {  	v18 =	vmax.f32 v18, $0.0e+00;
	v24 =	vmax.f32 v55, $0.0e+00;
	v23 =	vmul.f32 v23, v8  }
0x10c: {  	[tilespmem:s8+$0xF000] =	vst v13;
	v57 =	vmax.f32 v22, $0.0e+00;
	v56 =	vmul.f32 v18, v12;
	v58 =	vmul.f32 v24, v8  }
0x10d: {  	[tilespmem:s8+$0xF180] =	vst v41;
	v15 =	vadd.f32 v15, v16;
	v18 =	vmul.f32 v57, v12;
	v59 =	vadd.f32 v19, v23  }
0x10e: {  	v62 =	vmul.f32 v60, v12;
	[tilespmem:s8+$0xF080] =	vst v14;
	v13 =	vadd.f32 v17, v56;
	v61 =	vadd.f32 v21, v58  }
0x10f: {  	[tilespmem:s8+$0xF100] =	vst v15;
	v14 =	vadd.f32 v59, v18  }
0x110: {  	[tilespmem:s8+$0xF200] =	vst v13;
	v63 =	vadd.f32 v61, v62  }
0x111: {  	[tilespmem:s8+$0xF280] =	vst v14  }
0x112: {  	[tilespmem:s8+$0xF300] =	vst v63  }
0x113: {  	v13 =	vld [tilespmem:s31+$0x7800];
	_ =	sdelay $0x4  }
0x114: {  	v4 =	vmul.f32 v13, v4;
	_ =	sdelay $0x1  }
0x115: {  	v2 =	vmul.f32 v13, v2;
	v4 =	vadd.f32 v4, v9;
	_ =	sdelay $0x1  }
0x116: {  	v1 =	vmul.f32 v13, v1;
	v2 =	vadd.f32 v2, v7;
	v4 =	vmax.f32 v4, $0.0e+00  }
0x117: {  	v4 =	vmul.f32 v4, v11  }
0x118: {  	v0 =	vmul.f32 v13, v0;
	v1 =	vadd.f32 v1, v5;
	v2 =	vmax.f32 v2, $0.0e+00  }
0x119: {  	v2 =	vmul.f32 v2, v6;
	v4 =	vadd.f32 v4, v10  }
0x11a: {  	v0 =	vadd.f32 v0, v3;
	v1 =	vmax.f32 v1, $0.0e+00  }
0x11b: {  	v1 =	vmul.f32 v1, v8;
	v2 =	vadd.f32 v4, v2  }
0x11c: {  	p0 =	sne.s32 s6, $0x770;
	v0 =	vmax.f32 v0, $0.0e+00  }
.Ltmp2:
0x11d: {  	v0 =	vmul.f32 v0, v12;
	v1 =	vadd.f32 v2, v1;
	(pc) =	sbr.rel @p0 .LBB2_6-.Ltmp2, $3  }
0x11e: {  	_ = 	snop  }
0x11f: {  	v0 =	vadd.f32 v1, v0;
	_ =	sdelay $0x1  }
0x120: {  	s4 =	sadd.s32 $0x1, s4;
	s6 =	sadd.s32 $0x10, s6;
	s5 =	sadd.s32 $0x80, s5;
	[tilespmem:s31+$0xF000] =	vst v0  }
0x121: {  	s4 =	simm.s32 $0x0  }
0x122: {  	[tilespmem:s4], [sflag:$0x1] =	stream.strided.gather [hbm4b:s12+s22], $0x7800, s23, s22, $0x38;
	[tilespmem:$0x1A800] =	vst v63  }
0x123: {  	_ = 	snop  }
0x124: {  	[hbm4b:s13+s4] =	stream.linear.scatter [tilespmem:s29], [sflag:$0x4], $0x3C00, $0x38;
	[tilespmem:$0x1A800] =	vst v63  }
0x125: {  	_ = 	snop  }
0x126: {  	[tilespmem:s24], [sflag:$0x2] =	stream.linear.gather [hbm4b:s14+s4], $0x3C00, $0x38;
	[tilespmem:$0x1A800] =	vst v63  }
0x127: {  	_ =	swait.ge [sflag:s26], $0x7800  }
0x128: {  	[sflag:s26] =	ssyncset.done $0x0  }
0x129: {  	[sflag:s26] =	ssyncadd.s32 $0xFFFF8800  }
0x12a: {  	_ =	swait.ge [sflag:s30], $0x3C00  }
0x12b: {  	[sflag:s30] =	ssyncset.done $0x0  }
0x12c: {  	[sflag:s30] =	ssyncadd.s32 $0xFFFFC400  }
0x12d: {  	_ =	swait.ge [sflag:s0], $0x3C00  }
0x12e: {  	[sflag:s0] =	ssyncset.done $0x0  }
0x12f: {  	s5 =	simm.s32 $0x0;
	s6 =	simm.s32 $0x0;
	[sflag:s0] =	ssyncadd.s32 $0xFFFFC400  }
.LBB2_8:
0x130: {  	s8 =	sand.u32 $0x70, s6;
	s9 =	sand.u32 $0x3C00, s5  }
0x131: {  	s8 =	sor.u32 s8, s9  }
0x132: {  	v4 =	vld [tilespmem:s8+$0x0]  }
0x133: {  	v2 =	vld [tilespmem:s8+$0x80]  }
0x134: {  	v1 =	vld [tilespmem:s8+$0x100]  }
0x135: {  	v0 =	vld [tilespmem:s8+$0x180]  }
0x136: {  	v13 =	vld [tilespmem:s8+$0xB400]  }
0x137: {  	v9 =	vld [tilespmem:s8+$0x200]  }
0x138: {  	v15 =	vld [tilespmem:s8+$0xB480]  }
0x139: {  	s31 =	sand.u32 $0x7, s4;
	v45 =	vld [tilespmem:s8+$0xB500]  }
0x13a: {  	s9 =	sshll.u32 s31, $0x4;
	v7 =	vld [tilespmem:s8+$0x280]  }
0x13b: {  	s9 =	sadd.s32 s9, s5;
	v20 =	vld [tilespmem:s8+$0xB580];
	v8 =	vmul.f32 v13, v4;
	v14 =	vmul.f32 v13, v2  }
0x13c: {  	v5 =	vld [tilespmem:s8+$0x300];
	s31 =	sor.u32 $0x380, s9;
	v16 =	vmul.f32 v13, v1;
	v13 =	vmul.f32 v13, v0  }
0x13d: {  	v3 =	vld [tilespmem:s31+$0x0];
	v18 =	vmul.f32 v15, v4;
	v19 =	vmul.f32 v15, v2  }
0x13e: {  	v48 =	vmul.f32 v15, v1;
	v52 =	vmul.f32 v45, v4  }
0x13f: {  	v15 =	vmul.f32 v15, v0;
	v21 =	vmul.f32 v45, v2  }
0x140: {  	v63 =	vld [tilespmem:s8+$0xB600];
	v56 =	vmul.f32 v45, v1;
	v60 =	vmul.f32 v20, v4  }
0x141: {  	v22 =	vmul.f32 v20, v2;
	v12 =	vadd.f32 v8, v9;
	v14 =	vadd.f32 v14, v7  }
0x142: {  	v35 =	vld [tilespmem:s8+$0xB680];
	v30 =	vmul.f32 v20, v1;
	v16 =	vadd.f32 v16, v5;
	v13 =	vadd.f32 v13, v3  }
0x143: {  	v31 =	vmul.f32 v45, v0;
	v18 =	vadd.f32 v18, v9;
	v47 =	vadd.f32 v19, v7  }
0x144: {  	v40 =	vld [tilespmem:s8+$0xB700];
	v20 =	vmul.f32 v20, v0;
	v51 =	vadd.f32 v48, v5;
	v19 =	vadd.f32 v52, v9  }
0x145: {  	v23 =	vmul.f32 v63, v4;
	v15 =	vadd.f32 v15, v3;
	v55 =	vadd.f32 v21, v7  }
0x146: {  	v38 =	vmul.f32 v63, v2;
	v59 =	vadd.f32 v56, v5;
	v21 =	vadd.f32 v60, v9  }
0x147: {  	v24 =	vmul.f32 v35, v4;
	v29 =	vadd.f32 v22, v7;
	v34 =	vadd.f32 v30, v5  }
0x148: {  	v44 =	vmul.f32 v63, v1;
	v20 =	vadd.f32 v20, v3;
	v37 =	vadd.f32 v23, v9  }
0x149: {  	v11 =	vld [tilespmem:s8+$0x3C00];
	v25 =	vmul.f32 v40, v4;
	v23 =	vadd.f32 v38, v7;
	v45 =	vadd.f32 v24, v9  }
0x14a: {  	v6 =	vld [tilespmem:s8+$0x3C80];
	v52 =	vmul.f32 v35, v1;
	v22 =	vmul.f32 v35, v0;
	v12 =	vmax.f32 v12, $0.0e+00  }
0x14b: {  	v14 =	vmax.f32 v14, $0.0e+00;
	v16 =	vmax.f32 v16, $0.0e+00;
	v13 =	vmax.f32 v13, $0.0e+00  }
0x14c: {  	v46 =	vmax.f32 v18, $0.0e+00;
	v50 =	vmax.f32 v47, $0.0e+00;
	v18 =	vmax.f32 v51, $0.0e+00  }
0x14d: {  	v54 =	vmax.f32 v19, $0.0e+00;
	v15 =	vmax.f32 v15, $0.0e+00;
	v58 =	vmax.f32 v55, $0.0e+00  }
0x14e: {  	v8 =	vld [tilespmem:s8+$0x3D00];
	v19 =	vmax.f32 v59, $0.0e+00;
	v28 =	vmax.f32 v21, $0.0e+00;
	v33 =	vmax.f32 v29, $0.0e+00  }
0x14f: {  	v10 =	vld [tilespmem:s8+$0x3E00];
	v21 =	vmax.f32 v34, $0.0e+00;
	v17 =	vmul.f32 v12, v11;
	v14 =	vmul.f32 v14, v6  }
0x150: {  	v43 =	vmax.f32 v23, $0.0e+00;
	v49 =	vmul.f32 v46, v11;
	v57 =	vmul.f32 v54, v11  }
0x151: {  	v23 =	vmax.f32 v45, $0.0e+00;
	v32 =	vmul.f32 v28, v11;
	v46 =	vmul.f32 v35, v2  }
0x152: {  	v20 =	vmax.f32 v20, $0.0e+00;
	v47 =	vmul.f32 v23, v11;
	v54 =	vmul.f32 v40, v1  }
0x153: {  	v22 =	vadd.f32 v22, v3;
	v12 =	vld [tilespmem:s8+$0x3D80];
	v16 =	vmul.f32 v16, v8;
	v53 =	vmul.f32 v18, v8  }
0x154: {  	v17 =	vadd.f32 v17, v10;
	v18 =	vmul.f32 v58, v6;
	v62 =	vmul.f32 v19, v8  }
0x155: {  	v36 =	vmul.f32 v21, v8;
	v21 =	vmax.f32 v37, $0.0e+00;
	v48 =	vadd.f32 v46, v7  }
0x156: {  	v55 =	vadd.f32 v54, v5;
	v42 =	vmul.f32 v21, v11;
	v21 =	vadd.f32 v44, v5  }
0x157: {  	v19 =	vmul.f32 v33, v6;
	v14 =	vadd.f32 v17, v14;
	v17 =	vadd.f32 v32, v10  }
0x158: {  	v23 =	vmax.f32 v48, $0.0e+00;
	v13 =	vmul.f32 v13, v12;
	v15 =	vmul.f32 v15, v12  }
0x159: {  	v39 =	vmul.f32 v20, v12;
	v20 =	vmul.f32 v40, v0;
	v14 =	vadd.f32 v14, v16  }
0x15a: {  	v21 =	vmax.f32 v21, $0.0e+00;
	v16 =	vmul.f32 v50, v6;
	v17 =	vadd.f32 v17, v19  }
0x15b: {  	v50 =	vmul.f32 v40, v2;
	v20 =	vadd.f32 v20, v3;
	v13 =	vadd.f32 v14, v13  }
0x15c: {  	v23 =	vmul.f32 v23, v6;
	v14 =	vadd.f32 v49, v10;
	v17 =	vadd.f32 v17, v36  }
0x15d: {  	v19 =	vmul.f32 v43, v6;
	v49 =	vadd.f32 v25, v9;
	v25 =	vadd.f32 v50, v7  }
0x15e: {  	v21 =	vmul.f32 v21, v8;
	v14 =	vadd.f32 v14, v16;
	v16 =	vadd.f32 v57, v10  }
0x15f: {  	v60 =	vmax.f32 v20, $0.0e+00;
	v41 =	vadd.f32 v17, v39;
	v17 =	vadd.f32 v42, v10  }
0x160: {  	v24 =	vmax.f32 v49, $0.0e+00;
	v14 =	vadd.f32 v14, v53;
	v61 =	vadd.f32 v16, v18  }
0x161: {  	v51 =	vmul.f32 v24, v11;
	v17 =	vadd.f32 v17, v19;
	v19 =	vadd.f32 v47, v10  }
0x162: {  	v16 =	vadd.f32 v31, v3;
	v18 =	vmul.f32 v63, v0;
	v14 =	vadd.f32 v14, v15  }
0x163: {  	v53 =	vmax.f32 v25, $0.0e+00;
	v17 =	vadd.f32 v17, v21;
	v19 =	vadd.f32 v19, v23  }
0x164: {  	v24 =	vmul.f32 v53, v6;
	v21 =	vadd.f32 v51, v10;
	v23 =	vadd.f32 v52, v5  }
0x165: {  	v15 =	vadd.f32 v61, v62;
	v16 =	vmax.f32 v16, $0.0e+00;
	v18 =	vadd.f32 v18, v3  }
0x166: {  	v16 =	vmul.f32 v16, v12;
	v21 =	vadd.f32 v21, v24;
	v23 =	vmax.f32 v23, $0.0e+00  }
0x167: {  	v18 =	vmax.f32 v18, $0.0e+00;
	v24 =	vmax.f32 v55, $0.0e+00;
	v23 =	vmul.f32 v23, v8  }
0x168: {  	[tilespmem:s8+$0x12C00] =	vst v13;
	v57 =	vmax.f32 v22, $0.0e+00;
	v56 =	vmul.f32 v18, v12;
	v58 =	vmul.f32 v24, v8  }
0x169: {  	[tilespmem:s8+$0x12D80] =	vst v41;
	v15 =	vadd.f32 v15, v16;
	v18 =	vmul.f32 v57, v12;
	v59 =	vadd.f32 v19, v23  }
0x16a: {  	v62 =	vmul.f32 v60, v12;
	[tilespmem:s8+$0x12C80] =	vst v14;
	v13 =	vadd.f32 v17, v56;
	v61 =	vadd.f32 v21, v58  }
0x16b: {  	[tilespmem:s8+$0x12D00] =	vst v15;
	v14 =	vadd.f32 v59, v18  }
0x16c: {  	[tilespmem:s8+$0x12E00] =	vst v13;
	v63 =	vadd.f32 v61, v62  }
0x16d: {  	[tilespmem:s8+$0x12E80] =	vst v14  }
0x16e: {  	[tilespmem:s8+$0x12F00] =	vst v63  }
0x16f: {  	v13 =	vld [tilespmem:s31+$0xB400];
	_ =	sdelay $0x4  }
0x170: {  	v4 =	vmul.f32 v13, v4;
	_ =	sdelay $0x1  }
0x171: {  	v2 =	vmul.f32 v13, v2;
	v4 =	vadd.f32 v4, v9;
	_ =	sdelay $0x1  }
0x172: {  	v1 =	vmul.f32 v13, v1;
	v2 =	vadd.f32 v2, v7;
	v4 =	vmax.f32 v4, $0.0e+00  }
0x173: {  	v4 =	vmul.f32 v4, v11  }
0x174: {  	v0 =	vmul.f32 v13, v0;
	v1 =	vadd.f32 v1, v5;
	v2 =	vmax.f32 v2, $0.0e+00  }
0x175: {  	v2 =	vmul.f32 v2, v6;
	v4 =	vadd.f32 v4, v10  }
0x176: {  	v0 =	vadd.f32 v0, v3;
	v1 =	vmax.f32 v1, $0.0e+00  }
0x177: {  	v1 =	vmul.f32 v1, v8;
	v2 =	vadd.f32 v4, v2  }
0x178: {  	p0 =	sne.s32 s6, $0x770;
	v0 =	vmax.f32 v0, $0.0e+00  }
.Ltmp3:
0x179: {  	v0 =	vmul.f32 v0, v12;
	v1 =	vadd.f32 v2, v1;
	(pc) =	sbr.rel @p0 .LBB2_8-.Ltmp3, $3  }
0x17a: {  	_ = 	snop  }
0x17b: {  	v0 =	vadd.f32 v1, v0;
	_ =	sdelay $0x1  }
0x17c: {  	s4 =	sadd.s32 $0x1, s4;
	s6 =	sadd.s32 $0x10, s6;
	s5 =	sadd.s32 $0x80, s5;
	[tilespmem:s31+$0x12C00] =	vst v0  }
0x17d: {  	s4 =	simm.s32 $0x0  }
0x17e: {  	[tilespmem:s4], [sflag:$0x1] =	stream.strided.gather [hbm4b:s15+s22], $0x7800, s23, s22, $0x38;
	[tilespmem:$0x1A800] =	vst v63  }
0x17f: {  	s5 =	simm.s32 $0x12C00  }
0x180: {  	[hbm4b:s16+s4] =	stream.linear.scatter [tilespmem:s5], [sflag:$0x5], $0x3C00, $0x38;
	[tilespmem:$0x1A800] =	vst v63  }
0x181: {  	_ =	swait.ge [sflag:s26], $0x7800  }
0x182: {  	[sflag:s26] =	ssyncset.done $0x0  }
0x183: {  	[sflag:s26] =	ssyncadd.s32 $0xFFFF8800  }
0x184: {  	_ =	swait.ge [sflag:s28], $0x3C00  }
0x185: {  	[sflag:s28] =	ssyncset.done $0x0  }
0x186: {  	[sflag:s28] =	ssyncadd.s32 $0xFFFFC400  }
0x187: {  	_ =	swait.ge [sflag:s1], $0x3C00  }
0x188: {  	[sflag:s1] =	ssyncset.done $0x0  }
0x189: {  	s6 =	simm.s32 $0x0;
	s5 =	simm.s32 $0x0;
	[sflag:s1] =	ssyncadd.s32 $0xFFFFC400  }
.LBB2_10:
0x18a: {  	s8 =	sand.u32 $0x70, s6;
	s9 =	sand.u32 $0x3C00, s5  }
0x18b: {  	s8 =	sor.u32 s8, s9  }
0x18c: {  	v4 =	vld [tilespmem:s8+$0x0]  }
0x18d: {  	v2 =	vld [tilespmem:s8+$0x80]  }
0x18e: {  	v1 =	vld [tilespmem:s8+$0x100]  }
0x18f: {  	v0 =	vld [tilespmem:s8+$0x180]  }
0x190: {  	v13 =	vld [tilespmem:s8+$0x7800]  }
0x191: {  	v9 =	vld [tilespmem:s8+$0x200]  }
0x192: {  	v15 =	vld [tilespmem:s8+$0x7880]  }
0x193: {  	s31 =	sand.u32 $0x7, s4;
	v45 =	vld [tilespmem:s8+$0x7900]  }
0x194: {  	s9 =	sshll.u32 s31, $0x4;
	v7 =	vld [tilespmem:s8+$0x280]  }
0x195: {  	s9 =	sadd.s32 s9, s5;
	v20 =	vld [tilespmem:s8+$0x7980];
	v8 =	vmul.f32 v13, v4;
	v14 =	vmul.f32 v13, v2  }
0x196: {  	v5 =	vld [tilespmem:s8+$0x300];
	s31 =	sor.u32 $0x380, s9;
	v16 =	vmul.f32 v13, v1;
	v13 =	vmul.f32 v13, v0  }
0x197: {  	v3 =	vld [tilespmem:s31+$0x0];
	v18 =	vmul.f32 v15, v4;
	v19 =	vmul.f32 v15, v2  }
0x198: {  	v48 =	vmul.f32 v15, v1;
	v52 =	vmul.f32 v45, v4  }
0x199: {  	v15 =	vmul.f32 v15, v0;
	v21 =	vmul.f32 v45, v2  }
0x19a: {  	v63 =	vld [tilespmem:s8+$0x7A00];
	v56 =	vmul.f32 v45, v1;
	v60 =	vmul.f32 v20, v4  }
0x19b: {  	v22 =	vmul.f32 v20, v2;
	v12 =	vadd.f32 v8, v9;
	v14 =	vadd.f32 v14, v7  }
0x19c: {  	v35 =	vld [tilespmem:s8+$0x7A80];
	v30 =	vmul.f32 v20, v1;
	v16 =	vadd.f32 v16, v5;
	v13 =	vadd.f32 v13, v3  }
0x19d: {  	v31 =	vmul.f32 v45, v0;
	v18 =	vadd.f32 v18, v9;
	v47 =	vadd.f32 v19, v7  }
0x19e: {  	v40 =	vld [tilespmem:s8+$0x7B00];
	v20 =	vmul.f32 v20, v0;
	v51 =	vadd.f32 v48, v5;
	v19 =	vadd.f32 v52, v9  }
0x19f: {  	v23 =	vmul.f32 v63, v4;
	v15 =	vadd.f32 v15, v3;
	v55 =	vadd.f32 v21, v7  }
0x1a0: {  	v38 =	vmul.f32 v63, v2;
	v59 =	vadd.f32 v56, v5;
	v21 =	vadd.f32 v60, v9  }
0x1a1: {  	v24 =	vmul.f32 v35, v4;
	v29 =	vadd.f32 v22, v7;
	v34 =	vadd.f32 v30, v5  }
0x1a2: {  	v44 =	vmul.f32 v63, v1;
	v20 =	vadd.f32 v20, v3;
	v37 =	vadd.f32 v23, v9  }
0x1a3: {  	v11 =	vld [tilespmem:s8+$0x3C00];
	v25 =	vmul.f32 v40, v4;
	v23 =	vadd.f32 v38, v7;
	v45 =	vadd.f32 v24, v9  }
0x1a4: {  	v6 =	vld [tilespmem:s8+$0x3C80];
	v52 =	vmul.f32 v35, v1;
	v22 =	vmul.f32 v35, v0;
	v12 =	vmax.f32 v12, $0.0e+00  }
0x1a5: {  	v14 =	vmax.f32 v14, $0.0e+00;
	v16 =	vmax.f32 v16, $0.0e+00;
	v13 =	vmax.f32 v13, $0.0e+00  }
0x1a6: {  	v46 =	vmax.f32 v18, $0.0e+00;
	v50 =	vmax.f32 v47, $0.0e+00;
	v18 =	vmax.f32 v51, $0.0e+00  }
0x1a7: {  	v54 =	vmax.f32 v19, $0.0e+00;
	v15 =	vmax.f32 v15, $0.0e+00;
	v58 =	vmax.f32 v55, $0.0e+00  }
0x1a8: {  	v8 =	vld [tilespmem:s8+$0x3D00];
	v19 =	vmax.f32 v59, $0.0e+00;
	v28 =	vmax.f32 v21, $0.0e+00;
	v33 =	vmax.f32 v29, $0.0e+00  }
0x1a9: {  	v10 =	vld [tilespmem:s8+$0x3E00];
	v21 =	vmax.f32 v34, $0.0e+00;
	v17 =	vmul.f32 v12, v11;
	v14 =	vmul.f32 v14, v6  }
0x1aa: {  	v43 =	vmax.f32 v23, $0.0e+00;
	v49 =	vmul.f32 v46, v11;
	v57 =	vmul.f32 v54, v11  }
0x1ab: {  	v23 =	vmax.f32 v45, $0.0e+00;
	v32 =	vmul.f32 v28, v11;
	v46 =	vmul.f32 v35, v2  }
0x1ac: {  	v20 =	vmax.f32 v20, $0.0e+00;
	v47 =	vmul.f32 v23, v11;
	v54 =	vmul.f32 v40, v1  }
0x1ad: {  	v22 =	vadd.f32 v22, v3;
	v12 =	vld [tilespmem:s8+$0x3D80];
	v16 =	vmul.f32 v16, v8;
	v53 =	vmul.f32 v18, v8  }
0x1ae: {  	v17 =	vadd.f32 v17, v10;
	v18 =	vmul.f32 v58, v6;
	v62 =	vmul.f32 v19, v8  }
0x1af: {  	v36 =	vmul.f32 v21, v8;
	v21 =	vmax.f32 v37, $0.0e+00;
	v48 =	vadd.f32 v46, v7  }
0x1b0: {  	v55 =	vadd.f32 v54, v5;
	v42 =	vmul.f32 v21, v11;
	v21 =	vadd.f32 v44, v5  }
0x1b1: {  	v19 =	vmul.f32 v33, v6;
	v14 =	vadd.f32 v17, v14;
	v17 =	vadd.f32 v32, v10  }
0x1b2: {  	v23 =	vmax.f32 v48, $0.0e+00;
	v13 =	vmul.f32 v13, v12;
	v15 =	vmul.f32 v15, v12  }
0x1b3: {  	v39 =	vmul.f32 v20, v12;
	v20 =	vmul.f32 v40, v0;
	v14 =	vadd.f32 v14, v16  }
0x1b4: {  	v21 =	vmax.f32 v21, $0.0e+00;
	v16 =	vmul.f32 v50, v6;
	v17 =	vadd.f32 v17, v19  }
0x1b5: {  	v50 =	vmul.f32 v40, v2;
	v20 =	vadd.f32 v20, v3;
	v13 =	vadd.f32 v14, v13  }
0x1b6: {  	v23 =	vmul.f32 v23, v6;
	v14 =	vadd.f32 v49, v10;
	v17 =	vadd.f32 v17, v36  }
0x1b7: {  	v19 =	vmul.f32 v43, v6;
	v49 =	vadd.f32 v25, v9;
	v25 =	vadd.f32 v50, v7  }
0x1b8: {  	v21 =	vmul.f32 v21, v8;
	v14 =	vadd.f32 v14, v16;
	v16 =	vadd.f32 v57, v10  }
0x1b9: {  	v60 =	vmax.f32 v20, $0.0e+00;
	v41 =	vadd.f32 v17, v39;
	v17 =	vadd.f32 v42, v10  }
0x1ba: {  	v24 =	vmax.f32 v49, $0.0e+00;
	v14 =	vadd.f32 v14, v53;
	v61 =	vadd.f32 v16, v18  }
0x1bb: {  	v51 =	vmul.f32 v24, v11;
	v17 =	vadd.f32 v17, v19;
	v19 =	vadd.f32 v47, v10  }
0x1bc: {  	v16 =	vadd.f32 v31, v3;
	v18 =	vmul.f32 v63, v0;
	v14 =	vadd.f32 v14, v15  }
0x1bd: {  	v53 =	vmax.f32 v25, $0.0e+00;
	v17 =	vadd.f32 v17, v21;
	v19 =	vadd.f32 v19, v23  }
0x1be: {  	v24 =	vmul.f32 v53, v6;
	v21 =	vadd.f32 v51, v10;
	v23 =	vadd.f32 v52, v5  }
0x1bf: {  	v15 =	vadd.f32 v61, v62;
	v16 =	vmax.f32 v16, $0.0e+00;
	v18 =	vadd.f32 v18, v3  }
0x1c0: {  	v16 =	vmul.f32 v16, v12;
	v21 =	vadd.f32 v21, v24;
	v23 =	vmax.f32 v23, $0.0e+00  }
0x1c1: {  	v18 =	vmax.f32 v18, $0.0e+00;
	v24 =	vmax.f32 v55, $0.0e+00;
	v23 =	vmul.f32 v23, v8  }
0x1c2: {  	[tilespmem:s8+$0xF000] =	vst v13;
	v57 =	vmax.f32 v22, $0.0e+00;
	v56 =	vmul.f32 v18, v12;
	v58 =	vmul.f32 v24, v8  }
0x1c3: {  	[tilespmem:s8+$0xF180] =	vst v41;
	v15 =	vadd.f32 v15, v16;
	v18 =	vmul.f32 v57, v12;
	v59 =	vadd.f32 v19, v23  }
0x1c4: {  	v62 =	vmul.f32 v60, v12;
	[tilespmem:s8+$0xF080] =	vst v14;
	v13 =	vadd.f32 v17, v56;
	v61 =	vadd.f32 v21, v58  }
0x1c5: {  	[tilespmem:s8+$0xF100] =	vst v15;
	v14 =	vadd.f32 v59, v18  }
0x1c6: {  	[tilespmem:s8+$0xF200] =	vst v13;
	v63 =	vadd.f32 v61, v62  }
0x1c7: {  	[tilespmem:s8+$0xF280] =	vst v14  }
0x1c8: {  	[tilespmem:s8+$0xF300] =	vst v63  }
0x1c9: {  	v13 =	vld [tilespmem:s31+$0x7800];
	_ =	sdelay $0x4  }
0x1ca: {  	v4 =	vmul.f32 v13, v4;
	_ =	sdelay $0x1  }
0x1cb: {  	v2 =	vmul.f32 v13, v2;
	v4 =	vadd.f32 v4, v9;
	_ =	sdelay $0x1  }
0x1cc: {  	v1 =	vmul.f32 v13, v1;
	v2 =	vadd.f32 v2, v7;
	v4 =	vmax.f32 v4, $0.0e+00  }
0x1cd: {  	v4 =	vmul.f32 v4, v11  }
0x1ce: {  	v0 =	vmul.f32 v13, v0;
	v1 =	vadd.f32 v1, v5;
	v2 =	vmax.f32 v2, $0.0e+00  }
0x1cf: {  	v2 =	vmul.f32 v2, v6;
	v4 =	vadd.f32 v4, v10  }
0x1d0: {  	v0 =	vadd.f32 v0, v3;
	v1 =	vmax.f32 v1, $0.0e+00  }
0x1d1: {  	v1 =	vmul.f32 v1, v8;
	v2 =	vadd.f32 v4, v2  }
0x1d2: {  	p0 =	sne.s32 s6, $0x770;
	v0 =	vmax.f32 v0, $0.0e+00  }
.Ltmp4:
0x1d3: {  	v0 =	vmul.f32 v0, v12;
	v1 =	vadd.f32 v2, v1;
	(pc) =	sbr.rel @p0 .LBB2_10-.Ltmp4, $3  }
0x1d4: {  	_ = 	snop  }
0x1d5: {  	v0 =	vadd.f32 v1, v0;
	_ =	sdelay $0x1  }
0x1d6: {  	s4 =	sadd.s32 $0x1, s4;
	s6 =	sadd.s32 $0x10, s6;
	s5 =	sadd.s32 $0x80, s5;
	[tilespmem:s31+$0xF000] =	vst v0  }
0x1d7: {  	s4 =	simm.s32 $0x0  }
0x1d8: {  	[hbm4b:s17+s4] =	stream.linear.scatter [tilespmem:s29], [sflag:$0x4], $0x3C00, $0x38;
	[tilespmem:$0x1A800] =	vst v63  }
0x1d9: {  	_ =	swait.ge [sflag:s0], $0x3C00  }
0x1da: {  	[sflag:s0] =	ssyncset.done $0x0  }
0x1db: {  	[sflag:s0] =	ssyncadd.s32 $0xFFFFC400  }
0x1dc: {  	_ =	swait.ge [sflag:s1], $0x3C00  }
0x1dd: {  	[sflag:s1] =	ssyncset.done $0x0  }
0x1de: {  	s5 =	simm.s32 $0x1000;
	s6 =	simm.s32 $0x16800;
	[sflag:s1] =	ssyncadd.s32 $0xFFFFC400  }
0x1df: {  	[tilespmem:s6], [sflag:$0x6] =	stream.strided.gather [hbm4b:s18+s5], $0x2000, s23, s5, $0x38;
	[tilespmem:$0x1A800] =	vst v63  }
0x1e0: {  	_ =	swait.ge [sflag:s25], $0x2000  }
0x1e1: {  	[sflag:s25] =	ssyncset.done $0x0  }
0x1e2: {  	s6 =	simm.s32 $0x18800;
	[sflag:s25] =	ssyncadd.s32 $0xFFFFE000  }
0x1e3: {  	[tilespmem:s6], [sflag:$0x6] =	stream.linear.gather [hbm4b:s19+s4], $0x1000, $0x38;
	[tilespmem:$0x1A800] =	vst v63  }
0x1e4: {  	_ =	swait.ge [sflag:s25], $0x1000  }
0x1e5: {  	s8 =	sand.u32 $0x70, s4;
	s9 =	sand.u32 $0xC00, s4;
	[sflag:s25] =	ssyncset.done $0x0  }
0x1e6: {  	s5 =	sor.u32 s8, s9;
	[sflag:s25] =	ssyncadd.s32 $0xFFFFF000  }
0x1e7: {  	v1 =	vld [tilespmem:s5+$0x16880]  }
0x1e8: {  	v0 =	vld [tilespmem:s5+$0x16B00]  }
0x1e9: {  	v2 =	vld [tilespmem:s5+$0x16900]  }
0x1ea: {  	v13 =	vld [tilespmem:s5+$0x18900]  }
0x1eb: {  	v10 =	vld [tilespmem:s5+$0x18880]  }
0x1ec: {  	v12 =	vld [tilespmem:s5+$0x18800]  }
0x1ed: {  	s6 =	sor.u32 s9, s4;
	v3 =	vld [tilespmem:s5+$0x16A80]  }
0x1ee: {  	s6 =	sor.u32 $0x180, s6;
	v5 =	vld [tilespmem:s5+$0x16800]  }
0x1ef: {  	v4 =	vld [tilespmem:s6+$0x16800]  }
0x1f0: {  	s8 =	sor.u32 s4, s4;
	v7 =	vmul.f32 v13, v2;
	v11 =	vmul.f32 v10, v1  }
0x1f1: {  	s31 =	sor.u32 $0x380, s8;
	v6 =	vld [tilespmem:s5+$0x16A00];
	v14 =	vmul.f32 v13, v1;
	v15 =	vmul.f32 v12, v2  }
0x1f2: {  	v8 =	vld [tilespmem:s31+$0x16800];
	v17 =	vmul.f32 v10, v2;
	v18 =	vmul.f32 v12, v1  }
0x1f3: {  	v19 =	vmul.f32 v10, v5;
	v20 =	vmul.f32 v12, v5  }
0x1f4: {  	v21 =	vmul.f32 v10, v4;
	v16 =	vadd.f32 v7, v0;
	v14 =	vadd.f32 v14, v3  }
0x1f5: {  	v22 =	vmul.f32 v13, v5;
	v15 =	vadd.f32 v15, v0;
	v18 =	vadd.f32 v18, v3  }
0x1f6: {  	v9 =	vld [tilespmem:s5+$0x17800];
	v24 =	vmul.f32 v12, v4;
	v19 =	vadd.f32 v19, v6;
	v20 =	vadd.f32 v20, v6  }
0x1f7: {  	v10 =	vld [tilespmem:s5+$0x17A00];
	v13 =	vmul.f32 v13, v4;
	v23 =	vadd.f32 v11, v3;
	v21 =	vadd.f32 v21, v8  }
0x1f8: {  	v7 =	vld [tilespmem:s5+$0x17880];
	v22 =	vadd.f32 v22, v6;
	v17 =	vadd.f32 v17, v0  }
0x1f9: {  	v24 =	vadd.f32 v24, v8;
	v13 =	vadd.f32 v13, v8;
	v15 =	vmax.f32 v15, $0.0e+00  }
0x1fa: {  	v11 =	vld [tilespmem:s5+$0x17900];
	v18 =	vmax.f32 v18, $0.0e+00;
	v20 =	vmax.f32 v20, $0.0e+00;
	v12 =	vmax.f32 v19, $0.0e+00  }
0x1fb: {  	v47 =	vmax.f32 v23, $0.0e+00;
	v22 =	vmax.f32 v22, $0.0e+00;
	v46 =	vmul.f32 v20, v9  }
0x1fc: {  	v21 =	vmax.f32 v21, $0.0e+00;
	v17 =	vmax.f32 v17, $0.0e+00;
	v48 =	vmul.f32 v12, v9  }
0x1fd: {  	v14 =	vmax.f32 v14, $0.0e+00;
	v12 =	vld [tilespmem:s5+$0x17980];
	v18 =	vmul.f32 v18, v7;
	v19 =	vadd.f32 v46, v10  }
0x1fe: {  	v49 =	vmul.f32 v22, v9;
	v20 =	vmul.f32 v47, v7;
	v23 =	vadd.f32 v48, v10  }
0x1ff: {  	v16 =	vmax.f32 v16, $0.0e+00;
	v17 =	vmul.f32 v17, v11;
	v18 =	vadd.f32 v19, v18  }
0x200: {  	v14 =	vmul.f32 v14, v7;
	v20 =	vadd.f32 v23, v20;
	v19 =	vadd.f32 v49, v10  }
0x201: {  	v50 =	vmax.f32 v24, $0.0e+00;
	v15 =	vmul.f32 v15, v11;
	v16 =	vmul.f32 v16, v11  }
0x202: {  	v21 =	vmul.f32 v21, v12;
	v17 =	vadd.f32 v20, v17;
	v14 =	vadd.f32 v19, v14  }
0x203: {  	v13 =	vmax.f32 v13, $0.0e+00;
	v51 =	vmul.f32 v50, v12;
	v15 =	vadd.f32 v18, v15  }
0x204: {  	v13 =	vmul.f32 v13, v12;
	v17 =	vadd.f32 v17, v21;
	v14 =	vadd.f32 v14, v16  }
0x205: {  	v15 =	vadd.f32 v15, v51  }
0x206: {  	[tilespmem:s5+$0x19880] =	vst v17;
	v13 =	vadd.f32 v14, v13  }
0x207: {  	[tilespmem:s5+$0x19800] =	vst v15  }
0x208: {  	[tilespmem:s5+$0x19900] =	vst v13  }
0x209: {  	v13 =	vld [tilespmem:s6+$0x18800];
	_ =	sdelay $0x4  }
0x20a: {  	v14 =	vmul.f32 v13, v5;
	_ =	sdelay $0x1  }
0x20b: {  	v15 =	vmul.f32 v13, v1;
	v14 =	vadd.f32 v14, v6;
	_ =	sdelay $0x1  }
0x20c: {  	v16 =	vmul.f32 v13, v2;
	v15 =	vadd.f32 v15, v3;
	v14 =	vmax.f32 v14, $0.0e+00  }
0x20d: {  	v14 =	vmul.f32 v14, v9  }
0x20e: {  	v13 =	vmul.f32 v13, v4;
	v16 =	vadd.f32 v16, v0;
	v15 =	vmax.f32 v15, $0.0e+00  }
0x20f: {  	v15 =	vmul.f32 v15, v7;
	v14 =	vadd.f32 v14, v10  }
0x210: {  	v13 =	vadd.f32 v13, v8;
	v16 =	vmax.f32 v16, $0.0e+00  }
0x211: {  	v14 =	vadd.f32 v14, v15;
	v15 =	vmul.f32 v16, v11  }
0x212: {  	v13 =	vmax.f32 v13, $0.0e+00  }
0x213: {  	v13 =	vmul.f32 v13, v12;
	v14 =	vadd.f32 v14, v15;
	_ =	sdelay $0x1  }
0x214: {  	v13 =	vadd.f32 v14, v13;
	_ =	sdelay $0x1  }
0x215: {  	[tilespmem:s6+$0x19800] =	vst v13  }
0x216: {  	v13 =	vld [tilespmem:s5+$0x18A00]  }
0x217: {  	v14 =	vld [tilespmem:s5+$0x18A80]  }
0x218: {  	v15 =	vld [tilespmem:s5+$0x18B00];
	_ =	sdelay $0x2  }
0x219: {  	v16 =	vmul.f32 v13, v5  }
0x21a: {  	v17 =	vmul.f32 v13, v1;
	v52 =	vmul.f32 v14, v5  }
0x21b: {  	v53 =	vmul.f32 v14, v1;
	v54 =	vmul.f32 v15, v1  }
0x21c: {  	v55 =	vmul.f32 v14, v2;
	v56 =	vmul.f32 v13, v2  }
0x21d: {  	v57 =	vmul.f32 v15, v5;
	v58 =	vmul.f32 v15, v2;
	v16 =	vadd.f32 v16, v6  }
0x21e: {  	v14 =	vmul.f32 v14, v4;
	v17 =	vadd.f32 v17, v3;
	v18 =	vadd.f32 v52, v6  }
0x21f: {  	v15 =	vmul.f32 v15, v4;
	v19 =	vadd.f32 v53, v3;
	v20 =	vadd.f32 v54, v3  }
0x220: {  	v13 =	vmul.f32 v13, v4;
	v22 =	vadd.f32 v56, v0;
	v23 =	vadd.f32 v57, v6  }
0x221: {  	v21 =	vadd.f32 v55, v0;
	v60 =	vadd.f32 v58, v0;
	v18 =	vmax.f32 v18, $0.0e+00  }
0x222: {  	v14 =	vadd.f32 v14, v8;
	v16 =	vmax.f32 v16, $0.0e+00;
	v18 =	vmul.f32 v18, v9  }
0x223: {  	v15 =	vadd.f32 v15, v8;
	v19 =	vmax.f32 v19, $0.0e+00;
	v16 =	vmul.f32 v16, v9  }
0x224: {  	v17 =	vmax.f32 v17, $0.0e+00;
	v19 =	vmul.f32 v19, v7;
	v18 =	vadd.f32 v18, v10  }
0x225: {  	v59 =	vmax.f32 v23, $0.0e+00;
	v17 =	vmul.f32 v17, v7;
	v16 =	vadd.f32 v16, v10  }
0x226: {  	v20 =	vmax.f32 v20, $0.0e+00;
	v18 =	vadd.f32 v18, v19;
	v19 =	vmul.f32 v59, v9  }
0x227: {  	v61 =	vmax.f32 v60, $0.0e+00;
	v16 =	vadd.f32 v16, v17;
	v17 =	vmax.f32 v21, $0.0e+00  }
0x228: {  	v20 =	vmul.f32 v20, v7;
	v17 =	vmul.f32 v17, v11;
	v19 =	vadd.f32 v19, v10  }
0x229: {  	v22 =	vmax.f32 v22, $0.0e+00;
	v14 =	vmax.f32 v14, $0.0e+00;
	v62 =	vmul.f32 v61, v11  }
0x22a: {  	v14 =	vmul.f32 v14, v12;
	v17 =	vadd.f32 v18, v17;
	v19 =	vadd.f32 v19, v20  }
0x22b: {  	v13 =	vadd.f32 v13, v8;
	v15 =	vmax.f32 v15, $0.0e+00;
	v63 =	vmul.f32 v22, v11  }
0x22c: {  	v14 =	vadd.f32 v17, v14;
	v17 =	vmul.f32 v15, v12;
	v19 =	vadd.f32 v19, v62  }
0x22d: {  	v15 =	vmax.f32 v13, $0.0e+00  }
0x22e: {  	s6 =	simm.s32 $0x10;
	v13 =	vadd.f32 v16, v63;
	v15 =	vmul.f32 v15, v12;
	[tilespmem:s5+$0x19A80] =	vst v14;
	v14 =	vadd.f32 v19, v17  }
.LBB2_12:
0x22f: {  	p0 =	sne.s32 s6, $0x180  }
0x230: {  	v13 =	vadd.f32 v13, v15;
	s4 =	sadd.s32 $0x80, s4;
	s9 =	smov.u32 s6;
	s6 =	sadd.s32 $0x10, s6  }
0x231: {  	[tilespmem:s5+$0x19B00] =	vst v14  }
0x232: {  	[tilespmem:s5+$0x19A00] =	vst v13  }
0x233: {  	v13 =	vld [tilespmem:s31+$0x18800];
	_ =	sdelay $0x4  }
0x234: {  	v5 =	vmul.f32 v13, v5;
	v1 =	vmul.f32 v13, v1  }
0x235: {  	v2 =	vmul.f32 v13, v2;
	v4 =	vmul.f32 v13, v4  }
0x236: {  	v5 =	vadd.f32 v5, v6;
	v1 =	vadd.f32 v1, v3  }
0x237: {  	v0 =	vadd.f32 v2, v0;
	v2 =	vadd.f32 v4, v8  }
0x238: {  	v3 =	vmax.f32 v5, $0.0e+00;
	v1 =	vmax.f32 v1, $0.0e+00  }
0x239: {  	v0 =	vmax.f32 v0, $0.0e+00;
	v3 =	vmul.f32 v3, v9;
	v1 =	vmul.f32 v1, v7  }
0x23a: {  	v2 =	vmax.f32 v2, $0.0e+00  }
0x23b: {  	v3 =	vadd.f32 v3, v10;
	_ =	sdelay $0x1  }
0x23c: {  	v0 =	vmul.f32 v0, v11;
	v1 =	vadd.f32 v3, v1;
	_ =	sdelay $0x1  }
0x23d: {  	v0 =	vadd.f32 v1, v0;
	v1 =	vmul.f32 v2, v12;
	_ =	sdelay $0x1  }
0x23e: {  	v0 =	vadd.f32 v0, v1  }
0x23f: {  	s8 =	sand.u32 $0xC00, s4;
	s5 =	sand.u32 $0x70, s9  }
0x240: {  	s5 =	sor.u32 s5, s8;
	s8 =	sor.u32 s8, s9;
	[tilespmem:s31+$0x19800] =	vst v0  }
0x241: {  	v1 =	vld [tilespmem:s5+$0x16880]  }
0x242: {  	v0 =	vld [tilespmem:s5+$0x16B00]  }
0x243: {  	v2 =	vld [tilespmem:s5+$0x16900]  }
0x244: {  	v13 =	vld [tilespmem:s5+$0x18900]  }
0x245: {  	v3 =	vld [tilespmem:s5+$0x16A80]  }
0x246: {  	v11 =	vld [tilespmem:s5+$0x18880]  }
0x247: {  	v12 =	vld [tilespmem:s5+$0x18800]  }
0x248: {  	s8 =	sor.u32 $0x180, s8;
	v5 =	vld [tilespmem:s5+$0x16800]  }
0x249: {  	v4 =	vld [tilespmem:s8+$0x16800];
	v8 =	vmul.f32 v13, v2  }
0x24a: {  	s9 =	sor.u32 s4, s9;
	v6 =	vld [tilespmem:s5+$0x16A00]  }
0x24b: {  	s31 =	sor.u32 $0x380, s9;
	v10 =	vmul.f32 v13, v1;
	v7 =	vld [tilespmem:s5+$0x17880];
	v14 =	vmul.f32 v11, v1;
	v15 =	vadd.f32 v8, v0  }
0x24c: {  	v17 =	vmul.f32 v11, v2;
	v8 =	vld [tilespmem:s31+$0x16800];
	v16 =	vmul.f32 v12, v2  }
0x24d: {  	v20 =	vadd.f32 v10, v3;
	v18 =	vmul.f32 v12, v1;
	v9 =	vld [tilespmem:s5+$0x17800];
	v19 =	vmul.f32 v11, v5  }
0x24e: {  	v21 =	vmul.f32 v12, v5;
	v10 =	vld [tilespmem:s5+$0x17A00];
	v16 =	vadd.f32 v16, v0;
	v11 =	vmul.f32 v11, v4  }
0x24f: {  	v22 =	vmul.f32 v13, v5;
	v18 =	vadd.f32 v18, v3;
	v19 =	vadd.f32 v19, v6  }
0x250: {  	v14 =	vadd.f32 v14, v3;
	v21 =	vadd.f32 v21, v6;
	v16 =	vmax.f32 v16, $0.0e+00  }
0x251: {  	v22 =	vadd.f32 v22, v6;
	v18 =	vmax.f32 v18, $0.0e+00;
	v23 =	vadd.f32 v11, v8  }
0x252: {  	v24 =	vmul.f32 v12, v4;
	v21 =	vmax.f32 v21, $0.0e+00;
	v19 =	vmax.f32 v19, $0.0e+00;
	v11 =	vld [tilespmem:s5+$0x17900]  }
0x253: {  	v14 =	vmax.f32 v14, $0.0e+00;
	v18 =	vmul.f32 v18, v7;
	v21 =	vmul.f32 v21, v9  }
0x254: {  	v17 =	vadd.f32 v17, v0;
	v22 =	vmax.f32 v22, $0.0e+00;
	v19 =	vmul.f32 v19, v9;
	v12 =	vld [tilespmem:s5+$0x17980]  }
0x255: {  	v14 =	vmul.f32 v14, v7;
	v23 =	vmax.f32 v23, $0.0e+00;
	v21 =	vadd.f32 v21, v10  }
0x256: {  	v17 =	vmax.f32 v17, $0.0e+00;
	v24 =	vadd.f32 v24, v8;
	v19 =	vadd.f32 v19, v10  }
0x257: {  	v13 =	vmul.f32 v13, v4;
	v18 =	vadd.f32 v21, v18;
	v16 =	vmul.f32 v16, v11  }
0x258: {  	v22 =	vmul.f32 v22, v9;
	v21 =	vmax.f32 v24, $0.0e+00;
	v17 =	vmul.f32 v17, v11  }
0x259: {  	v16 =	vadd.f32 v18, v16;
	v18 =	vmul.f32 v21, v12;
	v21 =	vmul.f32 v23, v12  }
0x25a: {  	v20 =	vmax.f32 v20, $0.0e+00;
	v14 =	vadd.f32 v19, v14;
	v19 =	vadd.f32 v22, v10  }
0x25b: {  	v13 =	vadd.f32 v13, v8;
	v16 =	vadd.f32 v16, v18;
	v18 =	vmul.f32 v20, v7  }
0x25c: {  	v15 =	vmax.f32 v15, $0.0e+00;
	v14 =	vadd.f32 v14, v17  }
0x25d: {  	v13 =	vmax.f32 v13, $0.0e+00;
	v15 =	vmul.f32 v15, v11;
	v17 =	vadd.f32 v19, v18  }
0x25e: {  	v14 =	vadd.f32 v14, v21  }
0x25f: {  	v13 =	vmul.f32 v13, v12;
	v15 =	vadd.f32 v17, v15  }
0x260: {  	[tilespmem:s5+$0x19880] =	vst v14  }
0x261: {  	v13 =	vadd.f32 v15, v13  }
0x262: {  	[tilespmem:s5+$0x19800] =	vst v16  }
0x263: {  	[tilespmem:s5+$0x19900] =	vst v13  }
0x264: {  	v13 =	vld [tilespmem:s8+$0x18800];
	_ =	sdelay $0x4  }
0x265: {  	v14 =	vmul.f32 v13, v5;
	v15 =	vmul.f32 v13, v2  }
0x266: {  	v16 =	vmul.f32 v13, v1;
	v13 =	vmul.f32 v13, v4  }
0x267: {  	v14 =	vadd.f32 v14, v6;
	v15 =	vadd.f32 v15, v0  }
0x268: {  	v16 =	vadd.f32 v16, v3;
	v13 =	vadd.f32 v13, v8  }
0x269: {  	v14 =	vmax.f32 v14, $0.0e+00;
	v15 =	vmax.f32 v15, $0.0e+00  }
0x26a: {  	v16 =	vmax.f32 v16, $0.0e+00;
	v13 =	vmax.f32 v13, $0.0e+00;
	v14 =	vmul.f32 v14, v9  }
0x26b: {  	v16 =	vmul.f32 v16, v7  }
0x26c: {  	v14 =	vadd.f32 v14, v10;
	_ =	sdelay $0x1  }
0x26d: {  	v15 =	vmul.f32 v15, v11;
	v14 =	vadd.f32 v14, v16;
	_ =	sdelay $0x1  }
0x26e: {  	v13 =	vmul.f32 v13, v12;
	v14 =	vadd.f32 v14, v15;
	_ =	sdelay $0x1  }
0x26f: {  	v13 =	vadd.f32 v14, v13;
	_ =	sdelay $0x1  }
0x270: {  	[tilespmem:s8+$0x19800] =	vst v13  }
0x271: {  	v13 =	vld [tilespmem:s5+$0x18A00]  }
0x272: {  	v14 =	vld [tilespmem:s5+$0x18A80]  }
0x273: {  	v15 =	vld [tilespmem:s5+$0x18B00];
	_ =	sdelay $0x2  }
0x274: {  	v16 =	vmul.f32 v13, v5;
	v17 =	vmul.f32 v13, v1  }
0x275: {  	v18 =	vmul.f32 v14, v5;
	v19 =	vmul.f32 v14, v1  }
0x276: {  	v16 =	vadd.f32 v16, v6;
	v17 =	vadd.f32 v17, v3;
	v20 =	vmul.f32 v15, v1  }
0x277: {  	v21 =	vmul.f32 v14, v2;
	v18 =	vadd.f32 v18, v6;
	v19 =	vadd.f32 v19, v3  }
0x278: {  	v22 =	vmul.f32 v13, v2;
	v17 =	vmax.f32 v17, $0.0e+00;
	v20 =	vadd.f32 v20, v3  }
0x279: {  	v16 =	vmax.f32 v16, $0.0e+00;
	v17 =	vmul.f32 v17, v7;
	v18 =	vmax.f32 v18, $0.0e+00  }
0x27a: {  	v23 =	vmul.f32 v15, v5;
	v19 =	vmax.f32 v19, $0.0e+00;
	v18 =	vmul.f32 v18, v9  }
0x27b: {  	v22 =	vadd.f32 v22, v0;
	v16 =	vmul.f32 v16, v9;
	v19 =	vmul.f32 v19, v7  }
0x27c: {  	v24 =	vmul.f32 v15, v2;
	v20 =	vmax.f32 v20, $0.0e+00;
	v18 =	vadd.f32 v18, v10  }
0x27d: {  	v23 =	vadd.f32 v23, v6;
	v16 =	vadd.f32 v16, v10;
	v20 =	vmul.f32 v20, v7  }
0x27e: {  	v22 =	vmax.f32 v22, $0.0e+00;
	v18 =	vadd.f32 v18, v19;
	v19 =	vadd.f32 v24, v0  }
0x27f: {  	v16 =	vadd.f32 v16, v17;
	v17 =	vadd.f32 v21, v0;
	v21 =	vmax.f32 v23, $0.0e+00  }
0x280: {  	v14 =	vmul.f32 v14, v4;
	v21 =	vmul.f32 v21, v9;
	v19 =	vmax.f32 v19, $0.0e+00  }
0x281: {  	v13 =	vmul.f32 v13, v4;
	v15 =	vmul.f32 v15, v4  }
0x282: {  	v14 =	vadd.f32 v14, v8;
	v17 =	vmax.f32 v17, $0.0e+00;
	v21 =	vadd.f32 v21, v10  }
0x283: {  	v13 =	vadd.f32 v13, v8;
	v15 =	vadd.f32 v15, v8;
	v17 =	vmul.f32 v17, v11  }
0x284: {  	v14 =	vmax.f32 v14, $0.0e+00;
	v19 =	vmul.f32 v19, v11;
	v20 =	vadd.f32 v21, v20  }
.Ltmp5:
0x285: {  	v14 =	vmul.f32 v14, v12;
	v21 =	vmul.f32 v22, v11;
	v17 =	vadd.f32 v18, v17;
	(pc) =	sbr.rel @p0 .LBB2_12-.Ltmp5, $4  }
0x286: {  	v15 =	vmax.f32 v15, $0.0e+00;
	v18 =	vmax.f32 v13, $0.0e+00;
	v19 =	vadd.f32 v20, v19  }
0x287: {  	v13 =	vadd.f32 v16, v21;
	v14 =	vadd.f32 v17, v14;
	v16 =	vmul.f32 v15, v12  }
0x288: {  	v15 =	vmul.f32 v18, v12  }
0x289: {  	[tilespmem:s5+$0x19A80] =	vst v14;
	v14 =	vadd.f32 v19, v16  }
0x28a: {  	v13 =	vadd.f32 v13, v15  }
0x28b: {  	[tilespmem:s5+$0x19B00] =	vst v14  }
0x28c: {  	[tilespmem:s5+$0x19A00] =	vst v13  }
0x28d: {  	v13 =	vld [tilespmem:s31+$0x18800];
	_ =	sdelay $0x4  }
0x28e: {  	v5 =	vmul.f32 v13, v5;
	_ =	sdelay $0x1  }
0x28f: {  	v1 =	vmul.f32 v13, v1;
	v5 =	vadd.f32 v5, v6;
	_ =	sdelay $0x1  }
0x290: {  	v2 =	vmul.f32 v13, v2;
	v1 =	vadd.f32 v1, v3;
	v59 =	vmax.f32 v5, $0.0e+00  }
0x291: {  	v3 =	vmul.f32 v59, v9  }
0x292: {  	v4 =	vmul.f32 v13, v4;
	v0 =	vadd.f32 v2, v0;
	v1 =	vmax.f32 v1, $0.0e+00  }
0x293: {  	v1 =	vmul.f32 v1, v7;
	v60 =	vadd.f32 v3, v10  }
0x294: {  	v61 =	vadd.f32 v4, v8;
	v0 =	vmax.f32 v0, $0.0e+00  }
0x295: {  	v0 =	vmul.f32 v0, v11;
	v1 =	vadd.f32 v60, v1  }
0x296: {  	v62 =	vmax.f32 v61, $0.0e+00  }
0x297: {  	v63 =	vmul.f32 v62, v12;
	v0 =	vadd.f32 v1, v0;
	_ =	sdelay $0x1  }
0x298: {  	s3 =	sadd.s32 $0x1, s3;
	v0 =	vadd.f32 v0, v63  }
0x299: {  	p0 =	sne.s32 s3, s21  }
.Ltmp6:
0x29a: {  	s4 =	simm.s32 $0x19800;
	[tilespmem:s31+$0x19800] =	vst v0;
	(pc) =	sbr.rel @p0 .LBB2_1-.Ltmp6, $4  }
0x29b: {  	[hbm4b:s20+s2] =	stream.linear.scatter [tilespmem:s4], [sflag:$0x6], $0x1000, $0x38;
	[tilespmem:$0x1A800] =	vst v63  }
0x29c: {  	_ =	swait.ge [sflag:s25], $0x1000  }
0x29d: {  	[sflag:s25] =	ssyncset.done $0x0  }
0x29e: {  	[sflag:s25] =	ssyncadd.s32 $0xFFFFF000  }
0x29f: {  	_ =	sfence.sel $0x180000  }
0x2a0: {  	[bflag:$0x0] =	sbarrier.arrive $0xFFFF  }
0x2a1: {  	_ =	strace $0x90000047  }
0x2a2: {  	s0 =	stileid.u32;
	[bflag:$0x2] =	sbarrier.arrive $0xFFFF  }
0x2a3: {  	p0 =	sne.s32 s0, $0x0;
	s0 =	rddreg [dreg:$0x2]  }
0x2a4: {  	s0 =	sadd.s32 @!p0 $0x100000, s0  }
0x2a5: {  	[sflag:s0] =	ssyncadd.tile.s32 @!p0 $0x1;
	_ =	shalt  }
.Lfunc_end2:
_tile_overlayer_lowered:
.L_overlay_start_2:
0x2a6: {  	(tag) =	ssettag $0x2  }
0x2a7: {  	s0 =	rddreg [dreg:$0x0];
	s2 =	stileid.u32  }
0x2a8: {  	s1 =	rddreg [dreg:$0x1];
	p0 =	sne.s32 s2, $0x0  }
0x2a9: {  	s3 =	rddreg [dreg:$0x2];
	[bflag:$0x3] =	sbarrier.arrive $0xFFFF;
	s2 =	simm.s32 @!p0 $0x1C06  }
0x2aa: {  	[timem:s3], [sflag:s2] =	dma.local @!p0 [hbm:s0], s1  }
0x2ab: {  	s0 =	simm.s32 @!p0 $0x6  }
0x2ac: {  	_ =	swait.ge @!p0 [sflag:s0], s1  }
0x2ad: {  	s1 =	ssub.s32 @!p0 $0x0, s1;
	[sflag:s0] =	ssyncset.done @!p0 $0x0  }
0x2ae: {  	[sflag:s0] =	ssyncadd.s32 @!p0 s1  }
0x2af: {  	[bflag:$0x3] =	sbarrier.arrive $0xFFFF  }
0x2b0: {  	_ =	shalt  }

// kernel: sparse-core-data-format-call.cloned.1.call-start
scs
called_computation_lowered:
.L_overlay_start_0:
0x0: {  	s2 =	sld [smem:$0x3FD9]  }
0x1: {  	s3 =	sld [smem:$0x3FFE];
	_ =	sdelay $0x1  }
0x2: {  	s1 =	srdreg.scid  }
0x3: {  	s0 =	sand.u32 $0x1, s1  }
0x4: {  	s18 =	sshll.u32 s0, $0xA;
	s2 =	sadd.s32 s3, s2  }
0x5: {  	s2 =	sadd.s32 s2, s18  }
0x6: {  	[smem:$0x3FC3] =	sst s2  }
0x7: {  	_ = 	snop  }
0x8: {  	s2 =	sld [smem:$0x3FD0];
	(tm) =	ssettm $0x1  }
0x9: {  	s19 =	sld [smem:$0x3FFB];
	_ =	sdelay $0x3  }
0xa: {  	_ =	strace s19  }
0xb: {  	s3 =	sld [smem:$0x3FFC];
	_ =	sdelay $0x3  }
0xc: {  	_ =	strace s3  }
0xd: {  	s3 =	sld [smem:$0x3FFD];
	_ =	sdelay $0x3  }
0xe: {  	_ =	strace s3  }
0xf: {  	_ =	strace $0x8FFFFFFF  }
0x10: {  	s20 =	sld [smem:$0x3FDB];
	_ =	sdelay $0x1  }
0x11: {  	s4 =	simm.s32 $_scs_section_size  }
0x12: {  	s5 =	simm.s32 $_size__tile_overlayer_lowered;
	s6 =	simm.s32 $_tile_overlayer_lowered  }
0x13: {  	s23 =	simm.s32 $0x1BFF;
	s22 =	sshll.u32 s6, $0x1;
	s3 =	sadd.s32 s4, s20  }
0x14: {  	s7 =	simm.s32 $0x0;
	s21 =	sshll.u32 s5, $0x1;
	s5 =	sadd.s32 s22, s3  }
0x15: {  	[timem:s7], [sflag:s23] =	dma.local [hbm:s5], s21  }
0x16: {  	_ =	swait.ge [sflag:s23], s21  }
0x17: {  	s4 =	ssub.s32 $0x0, s21;
	[sflag:s23] =	ssyncset.done $0x0  }
0x18: {  	[sflag:s23] =	ssyncadd.s32 s4;
	_ =	sdelay $0x1  }
0x19: {  	s24 =	simm.s32 $0x1B8B  }
0x1a: {  	_ =	swait.ge [sflag:s24], $0x1  }
0x1b: {  	[sflag:s24] =	ssyncset.done $0x0  }
0x1c: {  	s26 =	simm.s32 $0x1B8E;
	s25 =	sld [smem:$0x3FFE];
	[sflag:s24] =	ssyncadd.s32 $0xFFFFFFFF  }
0x1d: {  	s27 =	simm.s32 $execute0_lowered;
	[smem:$0x3FD2] =	sst s26  }
0x1e: {  	s5 =	sshll.u32 s27, $0x1;
	_ =	strace $0x80000049;
	[dreg:$0x1] =	wrdreg $0xFFFFFFFF  }
0x1f: {  	s28 =	simm.s32 $_size_execute0_lowered;
	s3 =	sadd.s32 s3, s5;
	[dreg:$0x0] =	wrdreg $0x0  }
0x20: {  	s5 =	sshll.u32 s28, $0x1;
	[dreg:$0x2] =	wrdreg s3  }
0x21: {  	[dreg:$0x3] =	wrdreg s5  }
0x22: {  	[dreg:$0x4] =	wrdreg $0xC0  }
0x23: {  	_ =	task [dreg:s7], $0x5FFFF  }
0x24: {  	[dreg:$0x1] =	wrdreg $0xFFFFFFFF  }
0x25: {  	[dreg:$0x0] =	wrdreg $0x60  }
0x26: {  	[dreg:$0x2] =	wrdreg s25  }
0x27: {  	[dreg:$0x3] =	wrdreg s2  }
0x28: {  	[dreg:$0x4] =	wrdreg $0x9  }
0x29: {  	_ =	task.clear_ibuf [dreg:s7], $0x5FFFF;
	_ =	strace $0x90000049  }
0x2a: {  	s29 =	simm.s32 $0x9;
	_ =	strace $0x8000004B  }
0x2b: {  	_ =	swait.ge [sflag:s29], $0x1  }
0x2c: {  	[sflag:s29] =	ssyncadd.s32 $0xFFFFFFFF  }
0x2d: {  	_ =	strace $0x9000004B  }
0x2e: {  	_ =	sfence  }
0x2f: {  	s30 =	sld [smem:$0x0];
	_ =	sdelay $0x2  }
0x30: {  	s31 =	sshll.u32 s1, $0xD;
	s1 =	sshrl.u32 s1, $0x2  }
0x31: {  	s3 =	sand.u32 $0x4000, s31;
	s1 =	sadd.s32 s1, s30  }
0x32: {  	s0 =	sor.u32 s3, s0;
	s1 =	sshll.u32 s1, $0x11  }
0x33: {  	s0 =	sor.u32 s1, s0  }
0x34: {  	s0 =	sadd.s32 $0x8F2B, s0  }
0x35: {  	[sflag:s0] =	ssyncadd.remote.s32 $0x1  }
0x36: {  	_ =	sfence.sel $0xFFFF  }
0x37: {  	[dreg:$0x0] =	wrdreg $0xFFFFFFFF;
	(pc) =	sbr.abs _section_cstart, $3  }
0x38: {  	[dreg:$0x1] =	wrdreg $0xFFFFFFFF  }
0x39: {  	_ =	task.clear_ibuf [dreg:s7], $0x2FFFF;
	_ =	strace $0x9FFFFFFF  }
0x3a: {  	(tm) =	ssettm $0x7FFFFFFF  }
0x3b: {  	_ =	shalt  }
tec
execute0_lowered:
.L_overlay_start_1:
0x0: {  	(tag) =	ssettag $0x1  }
0x1: {  	s0 =	stileid.u32  }
0x2: {  	s2 =	srdreg.scid;
	s7 =	rddreg [dreg:$0x0]  }
0x3: {  	s6 =	simm.s32 $0x1;
	s31 =	simm.s32 $0x2;
	s16 =	simm.s32 $0x0  }
0x4: {  	s9 =	simm.s32 $0x2000;
	s15 =	simm.s32 $0x0;
	s10 =	simm.s32 $0x0  }
0x5: {  	s11 =	simm.s32 $0x0;
	s14 =	simm.s32 $0x0;
	s1 =	sshll.u32 s0, $0x7  }
0x6: {  	s3 =	sshll.u32 s0, $0x4;
	s2 =	sshll.u32 s2, $0x8;
	s1 =	sand.u32 $0x380, s1  }
0x7: {  	s7 =	sadd.s32 $0x142000, s7;
	s2 =	sor.u32 s3, s2;
	s5 =	ssub.s32 $0x400, s1  }
0x8: {  	s3 =	rddreg [dreg:$0x1];
	s4 =	sand.u32 $0x180, s2;
	s29 =	sand.u32 $0x380, s5  }
0x9: {  	s30 =	ssub.s32 $0x2700, s4;
	s5 =	sshrl.u32 s5, $0xA;
	p0 =	sne.s32 s29, $0x0  }
.Ltmp0:
0xa: {  	s8 =	sshrl.u32 s30, $0x9;
	s6 =	simm.s32 @!p0 $0x0;
	(pc) =	sbr.rel .LBB1_1-.Ltmp0, $4  }
0xb: {  	s2 =	rddreg [dreg:$0x2];
	s8 =	sadd.s32 $0x1, s8;
	s6 =	sadd.s32 s6, s5  }
0xc: {  	_ =	strace $0x8000004A;
	s5 =	simm.s32 $0x1;
	s6 =	smul.u32 s6, s8  }
0xd: {  	s13 =	smov.u32 s1;
	s12 =	smov.u32 s4;
	[sflag:s5] =	ssyncpa.u1 $0x0  }
0xe: {  	p0 =	por $0x0, $0x0;
	[sflag:s31] =	ssyncpa.u1 $0x0;
	s8 =	sadd.s32 $0x1, s6  }
.LBB1_4:
0xf: {  	s21 =	sshra.s32 s21, $0x2;
	s27 =	sshll.u32 s10, $0xA;
	s22 =	sshll.u32 s11, $0x3  }
0x10: {  	s23 =	sshll.u32 s10, $0x7;
	s24 =	sand.u32 $0x78, s11;
	p1 =	sgt.s32 s10, $0x2690  }
0x11: {  	s25 =	sshra.s32 s10, $0x1F;
	s26 =	sshra.s32 s11, $0x1F;
	s20 =	sadd.s32 s21, s20  }
0x12: {  	v5 =	vld [tilespmem:s18+$0xFFFFFFD0];
	[tilespmem:s19+$0x2040 ss:$0x81] =	vst.msk $0xffff, v4;
	s21 =	sand.u32 $0xFFFFE000, s27;
	s22 =	sand.u32 $0xFFFFFC00, s22;
	s28 =	sand.u32 $0x380, s23  }
0x13: {  	v58 =	vld [tilespmem:s18+$0xFFFFFFE0];
	[tilespmem:s19+$0x2850 ss:$0x81] =	vst.msk $0xffff, v3;
	s23 =	smov.u32 s10;
	s30 =	sand.u32 s25, s10;
	s25 =	smov.u32 s11  }
0x14: {  	v59 =	vld [tilespmem:s18+$0xFFFFFFF0];
	[tilespmem:s19+$0x3060 ss:$0x81] =	vst.msk $0xffff, v2;
	s31 =	sand.u32 s26, s11;
	s21 =	sadd.s32 s22, s21;
	s22 =	sor.u32 s24, s28  }
0x15: {  	v60 =	vld [tilespmem:s18+$0x0];
	[tilespmem:s19+$0x0 ss:$0x81] =	vst.msk $0xffff, v1;
	s23 =	simm.s32 @!p1 $0x2690;
	p1 =	sgt.s32 s11, $0x380;
	s21 =	sshrl.u32 s21, $0xA  }
0x16: {  	v61 =	vld [tilespmem:s18+$0x10];
	[tilespmem:s20+$0x3870 ss:$0x81] =	vst.msk $0xffff, v0;
	s19 =	ssub.s32 s23, s30;
	s25 =	simm.s32 @!p1 $0x380;
	s29 =	smulhi.u32 $0x1A36E3, s21  }
0x17: {  	v62 =	vld [tilespmem:s18+$0x20];
	s23 =	ssub.s32 s25, s31;
	s26 =	sadd.s32 $0xFFFFD970, s19;
	s19 =	ssub.s32 $0x2710, s19;
	[tilespmem:s20+$0x810 ss:$0x81] =	vst.msk $0xffff, v5  }
0x18: {  	v63 =	vld [tilespmem:s18+$0xFFFFFFC0];
	[tilespmem:s20+$0x1020 ss:$0x81] =	vst.msk $0xffff, v58;
	p1 =	sgt.s32 s26, $0x7F;
	s28 =	sadd.s32 $0xFFFFFC80, s23;
	s24 =	sshrl.u32 s29, $0x2  }
0x19: {  	[tilespmem:s20+$0x1830 ss:$0x81] =	vst.msk $0xffff, v59;
	s23 =	ssub.s32 $0x400, s23;
	p2 =	sgt.s32 s28, $0x7F;
	s27 =	smul.u32 $0x2710, s24  }
0x1a: {  	s30 =	sand.u32 $0x7, s11;
	[tilespmem:s20+$0x2040 ss:$0x81] =	vst.msk $0xffff, v60;
	s19 =	simm.s32 @p1 $0x0;
	s23 =	simm.s32 @p2 $0x0  }
0x1b: {  	[tilespmem:s20+$0x2850 ss:$0x81] =	vst.msk $0xffff, v61;
	s29 =	sshrl.u32 s22, $0x3;
	s19 =	smul.u32 s23, s19;
	s18 =	ssub.s32 s21, s27  }
0x1c: {  	[tilespmem:s20+$0x3060 ss:$0x81] =	vst.msk $0xffff, v62;
	s22 =	sshll.u32 s30, $0x12;
	s21 =	sadd.s32 s3, s29;
	s18 =	sshll.u32 s18, $0x7  }
0x1d: {  	[tilespmem:s20+$0x0 ss:$0x81] =	vst.msk $0xffff, v63;
	s31 =	sor.u32 $0x400, s22;
	s19 =	sand.u32 $0x3FFFFFFF, s19;
	s18 =	sadd.s32 s18, s21  }
0x1e: {  	[hbm4b:s18+s31] =	stream.strided.scatter [tilespmem:s17], [sflag:$0x2], s19, s9, s31, $0x20;
	[tilespmem:$0x10100] =	vst v63  }
.LBB1_5:
0x1f: {  	p1 =	slt.u32 s14, $0x2  }
0x20: {  	s18 =	smov.u32 s16;
	p2 =	sgt.s32 @!p1 s16, $0x2690;
	s17 =	sshra.s32 @!p1 s16, $0x1F  }
0x21: {  	p3 =	sgt.s32 @!p1 s15, $0x380;
	s19 =	sshra.s32 @!p1 s15, $0x1F;
	p2 =	por !p2, p1  }
0x22: {  	s16 =	sand.u32 @!p1 s17, s16;
	p3 =	por !p3, p1;
	s17 =	smov.u32 s15  }
0x23: {  	s15 =	sand.u32 @!p1 s19, s15;
	s18 =	simm.s32 @p2 $0x2690;
	s17 =	simm.s32 @p3 $0x380  }
0x24: {  	s16 =	ssub.s32 @!p1 s18, s16;
	s15 =	ssub.s32 @!p1 s17, s15  }
0x25: {  	s19 =	smov.u32 s13;
	s17 =	sadd.s32 @!p1 $0xFFFFD970, s16;
	s18 =	sadd.s32 @!p1 $0xFFFFFC80, s15  }
0x26: {  	s16 =	ssub.s32 @!p1 $0x2710, s16;
	p2 =	sgt.s32 @!p1 s17, $0x7F;
	p3 =	sgt.s32 @!p1 s18, $0x7F  }
0x27: {  	s15 =	ssub.s32 @!p1 $0x400, s15;
	p2 =	por !p2, p1;
	p3 =	por !p3, p1  }
0x28: {  	s17 =	sadd.s32 $0x200, s12;
	s16 =	simm.s32 @!p2 $0x0;
	s15 =	simm.s32 @!p3 $0x0  }
0x29: {  	p2 =	sgt.s32 s17, $0x270F;
	s15 =	smul.u32 @!p1 s15, s16;
	s16 =	sadd.s32 $0x400, s13  }
0x2a: {  	s19 =	smov.u32 @p2 s16  }
0x2b: {  	s17 =	smov.u32 @p2 s4;
	p2 =	sgt.s32 s19, $0x3FF  }
0x2c: {  	s19 =	smov.u32 @p2 s1;
	p2 =	sne.s32 s14, s8  }
.Ltmp1:
0x2d: {  	p0 =	por !p0, !p0;
	s18 =	simm.s32 @!p1 $0x2;
	(pc) =	sbr.rel @!p2 .LBB1_6-.Ltmp1, $4  }
0x2e: {  	s16 =	smov.u32 s10;
	s10 =	smov.u32 s12;
	s15 =	sand.u32 @!p1 $0x3FFFFFFF, s15  }
0x2f: {  	s12 =	smov.u32 s17;
	_ =	swait.ge @!p1 [sflag:s18], s15;
	s20 =	ssub.s32 @!p1 $0x0, s15  }
0x30: {  	s15 =	smov.u32 s11;
	s14 =	sadd.s32 $0x1, s14;
	[sflag:s18] =	ssyncset.done @!p1 $0x0  }
0x31: {  	s11 =	smov.u32 s13;
	s13 =	smov.u32 s19;
	[sflag:s18] =	ssyncadd.s32 @!p1 s20  }
.LBB1_1:
0x32: {  	p1 =	sge.u32 s14, s6  }
0x33: {  	s17 =	sshrl.u32 @!p1 s13, $0x3  }
0x34: {  	s18 =	sshll.u32 @!p1 s12, $0x3;
	s17 =	smul.u32 @!p1 $0x13C00, s17  }
0x35: {  	s19 =	sshll.u32 @!p1 s13, $0x7;
	s18 =	sand.u32 @!p1 $0xFFFFFC00, s18  }
0x36: {  	s17 =	sadd.s32 @!p1 s17, s18;
	s18 =	sand.u32 @!p1 $0x380, s19  }
0x37: {  	s19 =	sand.u32 @!p1 $0x7F, s12;
	s17 =	sor.u32 @!p1 s18, s17  }
0x38: {  	s18 =	sor.u32 @!p1 s19, s17  }
0x39: {  	s19 =	smulhi.u32 @!p1 $0xCF6474A9, s18;
	_ =	sdelay $0x1  }
0x3a: {  	s17 =	smulhi.u32 @!p1 $0xCF6474A9, s17;
	s19 =	sshrl.u32 @!p1 s19, $0xD  }
0x3b: {  	s19 =	smul.u32 @!p1 $0x2780, s19  }
0x3c: {  	s31 =	sadd.s32 $0xFFFFFFFF, s14;
	s20 =	sxor.u32 @!p1 $0xFFFFFFFF, s14;
	s17 =	sshrl.u32 @!p1 s17, $0xD  }
0x3d: {  	s20 =	sshll.u32 @!p1 s20, $0xE;
	s17 =	sand.u32 @!p1 $0x3FF, s17;
	s18 =	ssub.s32 @!p1 s18, s19  }
0x3e: {  	s17 =	smul.u32 @!p1 $0x4F0, s17;
	s19 =	sshrl.u32 @!p1 s18, $0x3;
	s18 =	sand.u32 @!p1 $0x7, s18  }
0x3f: {  	s20 =	sand.u32 @!p1 $0x4000, s20;
	s19 =	sadd.s32 @!p1 s7, s19;
	s18 =	sshll.u32 @!p1 s18, $0x12  }
0x40: {  	s17 =	sadd.s32 @!p1 s17, s19;
	s18 =	sor.u32 @!p1 $0x400, s18;
	s19 =	simm.s32 @!p1 $0x13C00  }
0x41: {  	[tilespmem:s20], [sflag:$0x1] =	stream.strided.gather @!p1 [hbm4b:s17+s18], $0x4000, s19, s18, $0x38;
	[tilespmem:$0x10100] =	vst v63  }
0x42: {  	p1 =	sge.u32 s31, s6  }
.Ltmp2:
0x43: {  	_ = 	snop;
	(pc) =	sbr.rel @p1 .LBB1_5-.Ltmp2, $1  }
0x44: {  	_ =	sdelay $0x3  }
0x45: {  	s17 =	simm.s32 $0x1  }
0x46: {  	_ =	swait.ge [sflag:s5], $0x4000;
	s17 =	simm.s32 @!p0 $0x0  }
0x47: {  	[sflag:s5] =	ssyncset.done $0x0;
	s18 =	sshll.u32 s17, $0xE  }
0x48: {  	[sflag:s5] =	ssyncadd.s32 $0xFFFFC000;
	s18 =	sor.u32 $0x40, s18  }
0x49: {  	s17 =	smul.u32 $0x10200, s17;
	v0 =	vld [tilespmem:s18+$0x30]  }
0x4a: {  	v1 =	vld [tilespmem:s18+$0xFFFFFFD0]  }
0x4b: {  	s17 =	sshrl.u32 s17, $0x2;
	v5 =	vld [tilespmem:s18+$0xFFFFFFE0]  }
0x4c: {  	v6 =	vld [tilespmem:s18+$0xFFFFFFF0];
	s20 =	sor.u32 $0x8000, s17  }
0x4d: {  	s31 =	sand.u32 $0x1, s14;
	v4 =	vld [tilespmem:s18+$0x0];
	s19 =	sadd.s32 $0x0, s20  }
0x4e: {  	v3 =	vld [tilespmem:s18+$0x10];
	s17 =	smul.u32 $0x10200, s31;
	[tilespmem:s19+$0x3870 ss:$0x81] =	vst.msk $0xffff, v0  }
0x4f: {  	v2 =	vld [tilespmem:s18+$0x20];
	[tilespmem:s19+$0x810 ss:$0x81] =	vst.msk $0xffff, v1  }
0x50: {  	s17 =	sshrl.u32 s17, $0x2;
	v1 =	vld [tilespmem:s18+$0xFFFFFFC0];
	[tilespmem:s19+$0x1020 ss:$0x81] =	vst.msk $0xffff, v5;
	s18 =	sadd.s32 $0x80, s18  }
0x51: {  	s21 =	simm.s32 $0x4;
	s22 =	simm.s32 $0x8;
	s17 =	sor.u32 $0x8000, s17;
	[tilespmem:s19+$0x1830 ss:$0x81] =	vst.msk $0xffff, v6;
	v0 =	vld [tilespmem:s18+$0x30]  }
.LBB1_3:
0x52: {  	p1 =	sne.s32 s22, $0x1FC;
	v5 =	vld [tilespmem:s18+$0xFFFFFFD0];
	[tilespmem:s19+$0x2040 ss:$0x81] =	vst.msk $0xffff, v4  }
0x53: {  	v6 =	vld [tilespmem:s18+$0xFFFFFFE0];
	[tilespmem:s19+$0x2850 ss:$0x81] =	vst.msk $0xffff, v3  }
0x54: {  	s23 =	sshra.s32 s21, $0x2;
	s21 =	smov.u32 s22;
	v7 =	vld [tilespmem:s18+$0xFFFFFFF0];
	[tilespmem:s19+$0x3060 ss:$0x81] =	vst.msk $0xffff, v2  }
.Ltmp3:
0x55: {  	v4 =	vld [tilespmem:s18+$0x0];
	[tilespmem:s19+$0x0 ss:$0x81] =	vst.msk $0xffff, v1;
	s19 =	sadd.s32 s23, s20;
	(pc) =	sbr.rel @p1 .LBB1_3-.Ltmp3, $4  }
0x56: {  	v3 =	vld [tilespmem:s18+$0x10];
	[tilespmem:s19+$0x3870 ss:$0x81] =	vst.msk $0xffff, v0  }
0x57: {  	[tilespmem:s19+$0x810 ss:$0x81] =	vst.msk $0xffff, v5;
	v2 =	vld [tilespmem:s18+$0x20]  }
0x58: {  	v1 =	vld [tilespmem:s18+$0xFFFFFFC0];
	[tilespmem:s19+$0x1020 ss:$0x81] =	vst.msk $0xffff, v6;
	s18 =	sadd.s32 $0x80, s18  }
0x59: {  	s22 =	sadd.s32 $0x4, s22;
	v0 =	vld [tilespmem:s18+$0x30];
	[tilespmem:s19+$0x1830 ss:$0x81] =	vst.msk $0xffff, v7  }
.Ltmp4:
0x5a: {  	_ = 	snop;
	(pc) =	sbr.rel .LBB1_4-.Ltmp4, $1  }
0x5b: {  	_ =	sdelay $0x3  }
.LBB1_6:
0x5c: {  	_ =	sfence.sel $0x180000  }
0x5d: {  	s1 =	simm.s32 $0x1;
	[bflag:$0x0] =	sbarrier.arrive $0xFFFF  }
0x5e: {  	s31 =	simm.s32 $0x2;
	[sflag:s1] =	ssyncpa.u1 $0x1  }
0x5f: {  	[sflag:s31] =	ssyncpa.u1 $0x1  }
0x60: {  	p0 =	sne.s32 s0, $0x0;
	_ =	strace $0x9000004A  }
0x61: {  	s0 =	sadd.s32 @!p0 $0x100000, s2;
	[bflag:$0x2] =	sbarrier.arrive $0xFFFF  }
0x62: {  	[sflag:s0] =	ssyncadd.tile.s32 @!p0 $0x1;
	_ =	shalt  }
.Lfunc_end1:
_tile_overlayer_lowered:
.L_overlay_start_2:
0x63: {  	(tag) =	ssettag $0x2  }
0x64: {  	s0 =	rddreg [dreg:$0x0];
	s2 =	stileid.u32  }
0x65: {  	s1 =	rddreg [dreg:$0x1];
	p0 =	sne.s32 s2, $0x0  }
0x66: {  	s3 =	rddreg [dreg:$0x2];
	[bflag:$0x3] =	sbarrier.arrive $0xFFFF;
	s2 =	simm.s32 @!p0 $0x1C01  }
0x67: {  	[timem:s3], [sflag:s2] =	dma.local @!p0 [hbm:s0], s1  }
0x68: {  	s0 =	simm.s32 @!p0 $0x1  }
0x69: {  	_ =	swait.ge @!p0 [sflag:s0], s1  }
0x6a: {  	s1 =	ssub.s32 @!p0 $0x0, s1;
	[sflag:s0] =	ssyncset.done @!p0 $0x0  }
0x6b: {  	[sflag:s0] =	ssyncadd.s32 @!p0 s1  }
0x6c: {  	[bflag:$0x3] =	sbarrier.arrive $0xFFFF  }
0x6d: {  	_ =	shalt  }

</sc_bundles>
